<compile_context>
chip_gen: v7x
topology: tpu7x:2x2x1
jax: 0.10.2.dev20260603
libtpu: 0.0.44.dev20260713+nightly
codegen_flags: <defaults>
</compile_context>

<pallas_src>
import functools

import jax
import jax.numpy as jnp
from jax import lax
from jax.experimental import pallas as pl
from jax.experimental.pallas import tpu as pltpu
from jax.experimental.pallas import tpu_sc as plsc

NC = 2
NS = 16
L = 16
NW = NC * NS

N_NODES = 10000
N_EDGES = 320000
NP = 10240
F = 128
K = 80
EW = N_EDGES // NW
KE = 80
CH = 125
CH0 = 126
CH1 = 2 * CH - CH0
IR = 6
RB = 4

_MESH = plsc.VectorSubcoreMesh(
    core_axis_name="c", subcore_axis_name="s", num_cores=NC, num_subcores=NS)


@functools.partial(
    pl.kernel,
    out_type=jax.ShapeDtypeStruct((4, NP), jnp.float32),
    mesh=_MESH,
    scratch_types=[
        pltpu.VMEM((EW // KE, 1, KE), jnp.int32),
        pltpu.VMEM((EW // KE, 1, KE), jnp.int32),
        pltpu.SemaphoreType.DMA,
        pltpu.VMEM((NP,), jnp.float32),
        pltpu.VMEM((NP,), jnp.float32),
        pltpu.VMEM((NS, 1, NP // NS), jnp.float32),
        pltpu.VMEM((NP // NS,), jnp.float32),
        pltpu.VMEM_SHARED((2, NS, 1, NP), jnp.float32),
    ],
    compiler_params=pltpu.CompilerParams(needs_layout_passes=False),
)
def _deg_kernel(ei_hbm, out_hbm, idx_v, idx_w, dsem, h_out, h_in, rbuf,
                rres, stage):
    cid = lax.axis_index("c")
    sid = lax.axis_index("s")
    wid = sid * NC + cid
    base = wid * EW
    ones = jnp.ones((L,), jnp.float32)
    zeros = jnp.zeros((L,), jnp.float32)

    def _zero(i, _):
        for k in range(8):
            h_out[pl.ds((i * 8 + k) * L, L)] = zeros
            h_in[pl.ds((i * 8 + k) * L, L)] = zeros
        return _
    lax.fori_loop(0, NP // (8 * L), _zero, None)

    cw = EW // KE
    dcp = pltpu.async_copy(ei_hbm.at[1, pl.ds(wid * cw, cw), :, :], idx_w,
                           dsem)
    pltpu.sync_copy(ei_hbm.at[0, pl.ds(wid * cw, cw), :, :], idx_v)
    def _hist_out(i, _):
        for k in range(KE // L):
            plsc.addupdate_scatter(
                h_out, [idx_v[i, 0, pl.ds(k * L, L)]], ones)
        return _
    lax.fori_loop(0, cw, _hist_out, None)

    dcp.wait()
    def _hist_in(i, _):
        for k in range(KE // L):
            plsc.addupdate_scatter(
                h_in, [idx_w[i, 0, pl.ds(k * L, L)]], ones)
        return _
    lax.fori_loop(0, cw, _hist_in, None)

    pltpu.sync_copy(h_out, stage.at[0, sid, 0, :])
    pltpu.sync_copy(h_in, stage.at[1, sid, 0, :])
    plsc.subcore_barrier()

    nc_ = NP // NS
    col0 = sid * nc_
    for r in range(2):
        pltpu.sync_copy(stage.at[r, :, pl.ds(0, 1), pl.ds(col0, nc_)], rbuf)
        def _red(i, _):
            acc = rbuf[0, 0, pl.ds(i * L, L)]
            for t in range(1, NS):
                acc = acc + rbuf[t, 0, pl.ds(i * L, L)]
            rres[pl.ds(i * L, L)] = acc
            return _
        lax.fori_loop(0, nc_ // L, _red, None)
        pltpu.sync_copy(rres, out_hbm.at[2 * cid + r, pl.ds(col0, nc_)])


def _scale_mm_body(x_ref, d_ref, w_ref, o_ref):
    d = jnp.transpose(d_ref[...])
    s = lax.rsqrt(jnp.maximum(d[:, 0:1] + d[:, 2:3], 1.0))
    o_ref[...] = jnp.dot(
        x_ref[...].astype(jnp.bfloat16) * s.astype(jnp.bfloat16),
        w_ref[...], preferred_element_type=jnp.float32)


@functools.partial(
    pl.kernel,
    out_type=jax.ShapeDtypeStruct((NC, NP, F), jnp.float32),
    mesh=_MESH,
    scratch_types=[
        pltpu.VMEM((IR, 2, KE), jnp.int32),
        pltpu.VMEM((RB, KE, F), jnp.float32),
        pltpu.VMEM_SHARED((NP, F), jnp.float32),
        pltpu.SemaphoreType.DMA((IR,)),
        pltpu.SemaphoreType.DMA((RB,)),
        pltpu.SemaphoreType.DMA((RB,)),
    ],
)
def _edge_kernel(z_hbm, ei_hbm, out_hbm, idx_r, rows_v, acc_sh,
                 isem, gsem, ssem):
    cid = lax.axis_index("c")
    sid = lax.axis_index("s")
    base_c = jnp.where(cid == 0, sid * CH0, NS * CH0 + sid * CH1)
    nch = jnp.where(cid == 0, CH0, CH1)

    def _fill(i, _):
        r = i // (F // L)
        c = lax.rem(i, F // L)
        rows_v[0, r, pl.ds(c * L, L)] = jnp.zeros((L,), jnp.float32)
        return _
    lax.fori_loop(0, KE * (F // L), _fill, None)
    row0 = sid * (NP // NS)
    def _zero(k, _):
        pltpu.async_copy(rows_v.at[0], acc_sh.at[pl.ds(row0 + k * KE, KE), :],
                         gsem.at[0])
        return _
    lax.fori_loop(0, (NP // NS) // KE, _zero, None)
    def _zwait(k, _):
        pltpu.make_async_copy(rows_v.at[0],
                              acc_sh.at[pl.ds(row0 + k * KE, KE), :],
                              gsem.at[0]).wait()
        return _
    lax.fori_loop(0, (NP // NS) // KE, _zwait, None)
    plsc.subcore_barrier()

    def _idx_load(c):
        pltpu.async_copy(ei_hbm.at[0, base_c + c, 0], idx_r.at[lax.rem(c, IR), 0],
                         isem.at[lax.rem(c, IR)])
        pltpu.async_copy(ei_hbm.at[1, base_c + c, 0], idx_r.at[lax.rem(c, IR), 1],
                         isem.at[lax.rem(c, IR)])

    def _idx_wait(c):
        pltpu.make_async_copy(ei_hbm.at[0, base_c + c, 0],
                              idx_r.at[lax.rem(c, IR), 0],
                              isem.at[lax.rem(c, IR)]).wait()
        pltpu.make_async_copy(ei_hbm.at[1, base_c + c, 0],
                              idx_r.at[lax.rem(c, IR), 1],
                              isem.at[lax.rem(c, IR)]).wait()

    def _gather(c, p):
        pltpu.async_copy(z_hbm.at[idx_r.at[lax.rem(c, IR), 0]], rows_v.at[p],
                         gsem.at[p])

    def _gather_wait(c, p):
        pltpu.make_async_copy(z_hbm.at[idx_r.at[lax.rem(c, IR), 0]],
                              rows_v.at[p], gsem.at[p]).wait()

    def _scatter(c, p):
        pltpu.async_copy(rows_v.at[p], acc_sh.at[idx_r.at[lax.rem(c, IR), 1]],
                         ssem.at[p], add=True)

    def _scatter_wait(c, p):
        pltpu.make_async_copy(rows_v.at[p],
                              acc_sh.at[idx_r.at[lax.rem(c, IR), 1]],
                              ssem.at[p]).wait()

    for c in range(IR - 1):
        _idx_load(jnp.int32(c))
    for c in range(RB - 1):
        _idx_wait(jnp.int32(c))
        _gather(jnp.int32(c), c)

    def _body(j, _):
        p = lax.rem(j, RB)

        @pl.when(j > 0)
        def _():
            _scatter_wait(j - 1, lax.rem(j - 1, RB))

        @pl.when(j + IR - 1 < nch)
        def _():
            _idx_load(j + IR - 1)

        @pl.when(j + RB - 1 < nch)
        def _():
            _idx_wait(j + RB - 1)
            _gather(j + RB - 1, lax.rem(j + RB - 1, RB))

        _gather_wait(j, p)
        _scatter(j, p)
        return _
    lax.fori_loop(0, nch, _body, None)
    _scatter_wait(nch - 1, lax.rem(nch - 1, RB))
    plsc.subcore_barrier()

    nr = NP // NS
    pltpu.sync_copy(acc_sh.at[pl.ds(row0, nr), :],
                    out_hbm.at[cid, pl.ds(row0, nr), :])


def _final_body(p_ref, d_ref, bc_ref, wl_ref, bl_ref, o_ref, acc_ref):
    i = pl.program_id(0)
    nb = pl.num_programs(0)

    @pl.when(i == 0)
    def _():
        acc_ref[...] = jnp.zeros_like(acc_ref)

    blk = p_ref.shape[1]
    p = p_ref[0] + p_ref[1]
    d = jnp.transpose(d_ref[...])
    s = lax.rsqrt(jnp.maximum(d[:, 1:2] + d[:, 3:4], 1.0))
    h = jnp.maximum(p * s + bc_ref[...], 0.0)
    rows = i * blk + lax.broadcasted_iota(jnp.int32, (blk, 1), 0)
    h = jnp.where(rows < N_NODES, h, 0.0)
    acc_ref[...] += jnp.sum(h, axis=0, keepdims=True)

    @pl.when(i == nb - 1)
    def _():
        m = acc_ref[...] / float(N_NODES)
        logits = lax.dot_general(m, wl_ref[...], (((1,), (1,)), ((), ())),
                                 preferred_element_type=jnp.float32)
        logits = logits + bl_ref[...]
        e = jnp.exp(logits - jnp.max(logits))
        o_ref[...] = e / jnp.sum(e)


def kernel(in_feat, edge_index, W_conv, b_conv, W_lin, b_lin):
    ei = edge_index.astype(jnp.int32)

    ei4 = ei.reshape(2, -1, 1, KE)
    deg = _deg_kernel(ei4)

    z = pl.pallas_call(
        _scale_mm_body,
        grid=(5,),
        in_specs=[
            pl.BlockSpec((2048, F), lambda i: (i, 0)),
            pl.BlockSpec((4, 2048), lambda i: (0, i)),
            pl.BlockSpec((F, F), lambda i: (0, 0)),
        ],
        out_specs=pl.BlockSpec((2048, F), lambda i: (i, 0)),
        out_shape=jax.ShapeDtypeStruct((N_NODES, F), jnp.float32),
    )(in_feat, deg, W_conv.astype(jnp.bfloat16))

    partials = _edge_kernel(z, ei4)

    BLK = 2048
    p = pl.pallas_call(
        _final_body,
        grid=(NP // BLK,),
        in_specs=[
            pl.BlockSpec((NC, BLK, F), lambda i: (0, i, 0)),
            pl.BlockSpec((4, BLK), lambda i: (0, i)),
            pl.BlockSpec((1, F), lambda i: (0, 0)),
            pl.BlockSpec(W_lin.shape, lambda i: (0, 0)),
            pl.BlockSpec((1, W_lin.shape[0]), lambda i: (0, 0)),
        ],
        out_specs=pl.BlockSpec((1, W_lin.shape[0]), lambda i: (0, 0)),
        out_shape=jax.ShapeDtypeStruct((1, W_lin.shape[0]), jnp.float32),
        scratch_shapes=[pltpu.VMEM((1, F), jnp.float32)],
    )(partials, deg, b_conv.reshape(1, F), W_lin,
      b_lin.reshape(1, W_lin.shape[0]))

    return p.reshape(W_lin.shape[0])

# --- scband reference (transcript-rebuilt; emitter-appended) ---
"""Pipeline reference for scband-gcn-12962211299622 (READ-ONLY COPY).

The authoritative reference and input builder live on the scoring server;
editing this copy changes nothing except your own understanding.
"""

import jax, jax.numpy as jnp
import numpy as np

N_NODES = 10000
N_EDGES = 320000
IN_FEATS = 128
H_FEATS = 128
NUM_CLASSES = 64


def setup_inputs(seed: int = 0) -> dict:
    key = jax.random.key(seed)
    k_x, k_e, k_wc, k_wl, k_bl = jax.random.split(key, 5)
    x = jax.random.normal(k_x, (N_NODES, IN_FEATS), dtype=jnp.float32)
    edge_index = jax.random.randint(k_e, (2, N_EDGES), 0, N_NODES, dtype=jnp.int64)
    # GraphConv weight (glorot-ish scale) and bias
    W_conv = jax.random.normal(k_wc, (IN_FEATS, H_FEATS), dtype=jnp.float32) * 0.05
    b_conv = jnp.zeros((H_FEATS,), dtype=jnp.float32)
    # nn.Linear(h_feats, num_classes)
    W_lin = jax.random.normal(k_wl, (NUM_CLASSES, H_FEATS), dtype=jnp.float32) * 0.05
    b_lin = jax.random.normal(k_bl, (NUM_CLASSES,), dtype=jnp.float32) * 0.01
    return {"in_feat": x, "edge_index": edge_index, "W_conv": W_conv, "b_conv": b_conv, "W_lin": W_lin, "b_lin": b_lin}


def reference(in_feat, edge_index, W_conv, b_conv, W_lin, b_lin):
    N = in_feat.shape[0]
    src = edge_index[0]
    dst = edge_index[1]
    # DGL GraphConv with norm='both', allow_zero_in_degree=True (degrees clamped to >=1)
    out_deg = jnp.clip(jnp.bincount(src, length=N), 1).astype(in_feat.dtype)
    in_deg = jnp.clip(jnp.bincount(dst, length=N), 1).astype(in_feat.dtype)
    xs = in_feat * (out_deg ** -0.5)[:, None]
    msgs = xs[src]  # gather over edges
    agg = jax.ops.segment_sum(msgs, dst, num_segments=N)  # scatter-add by dst
    agg = agg * (in_deg ** -0.5)[:, None]
    h = agg @ W_conv + b_conv
    h = jax.nn.relu(h)
    aggregation = h.mean(axis=0)
    h2 = aggregation @ W_lin.T + b_lin
    p = jax.nn.softmax(h2, axis=0)
    return p

if __name__ == "__main__":
    import jax
    _d = setup_inputs()
    print(jax.jit(kernel)(*tuple(_d.values())))

</pallas_src>

<mosaic_0001>
#map = affine_map<(d0, d1) -> (0, 0)>
#map1 = affine_map<(d0, d1) -> (0, 0, 0, 0)>
#map2 = affine_map<(d0, d1) -> (0, 0, 0)>
module attributes {stable_mosaic.version = 14 : i64} {
  func.func @_edge_kernel(%arg0: i32, %arg1: i32, %arg2: memref<10000x128xf32, #tpu.memory_space<hbm>>, %arg3: memref<2x4000x1x80xi32, #tpu.memory_space<hbm>>, %arg4: memref<2x10240x128xf32, #tpu.memory_space<hbm>>, %arg5: memref<6x2x80xi32, #tpu.memory_space<vmem>>, %arg6: memref<4x80x128xf32, #tpu.memory_space<vmem>>, %arg7: memref<10240x128xf32, #tpu.memory_space<vmem_shared>>, %arg8: memref<6x!tpu.dma_semaphore, #tpu.memory_space<semaphore_mem>>, %arg9: memref<4x!tpu.dma_semaphore, #tpu.memory_space<semaphore_mem>>, %arg10: memref<4x!tpu.dma_semaphore, #tpu.memory_space<semaphore_mem>>) attributes {dimension_semantics = [#tpu.dimension_semantics<core_parallel>, #tpu.dimension_semantics<subcore_parallel>], iteration_bounds = array<i64: 2, 16>, scalar_prefetch = 0 : i64, scratch_operands = 6 : i64, tpu.core_type = #tpu.core_type<sc_vector_subcore>, window_params = [{transform_indices = #map}, {transform_indices = #map1}, {transform_indices = #map2}]} {
    %eq3A = arith.constant 0 : i32
    %eq3A_0 = arith.cmpi eq, %arg0, %eq3A : i32
    %mul3A = arith.constant 126 : i32
    %mul3A_1 = arith.muli %arg1, %mul3A : i32
    %mul3A_2 = arith.constant 124 : i32
    %mul3A_3 = arith.muli %arg1, %mul3A_2 : i32
    %add3A = arith.constant 2016 : i32
    %add3A_4 = arith.addi %add3A, %mul3A_3 : i32
    %select_n3A = arith.select %eq3A_0, %mul3A_1, %add3A_4 : i32
    %eq3A_5 = arith.constant 0 : i32
    %eq3A_6 = arith.cmpi eq, %arg0, %eq3A_5 : i32
    %jit3A = arith.constant 126 : i32
    %jit3A_7 = arith.constant 124 : i32
    %select_n3A_8 = arith.select %eq3A_6, %jit3A, %jit3A_7 : i32
    %scan3A = arith.constant 0 : i32
    %scan3A_9 = arith.constant 640 : i32
    %scan3A_10 = arith.addi %scan3A, %scan3A_9 : i32
    %scan3A_11 = arith.constant 1 : i32
    scf.for %scan3A_505 = %scan3A to %scan3A_10 step %scan3A_11  : i32 {
      %jit3A_506 = arith.constant 8 : i32
      %div3A = arith.divsi %scan3A_505, %jit3A_506 : i32
      %sign3A = arith.constant 0 : i32
      %sign3A_507 = arith.cmpi sgt, %scan3A_505, %sign3A : i32
      %sign3A_508 = arith.extui %sign3A_507 : i1 to i32
      %sign3A_509 = arith.constant 0 : i32
      %sign3A_510 = arith.cmpi slt, %scan3A_505, %sign3A_509 : i32
      %sign3A_511 = arith.extui %sign3A_510 : i1 to i32
      %sign3A_512 = arith.subi %sign3A_508, %sign3A_511 : i32
      %sign3A_513 = arith.constant 0 : i32
      %sign3A_514 = arith.cmpi sgt, %jit3A_506, %sign3A_513 : i32
      %sign3A_515 = arith.extui %sign3A_514 : i1 to i32
      %sign3A_516 = arith.constant 0 : i32
      %sign3A_517 = arith.cmpi slt, %jit3A_506, %sign3A_516 : i32
      %sign3A_518 = arith.extui %sign3A_517 : i1 to i32
      %sign3A_519 = arith.subi %sign3A_515, %sign3A_518 : i32
      %ne3A = arith.cmpi ne, %sign3A_512, %sign3A_519 : i32
      %rem3A_520 = arith.remsi %scan3A_505, %jit3A_506 : i32
      %ne3A_521 = arith.constant 0 : i32
      %ne3A_522 = arith.cmpi ne, %rem3A_520, %ne3A_521 : i32
      %and3A = arith.andi %ne3A, %ne3A_522 : i1
      %sub3A_523 = arith.constant 1 : i32
      %sub3A_524 = arith.subi %div3A, %sub3A_523 : i32
      %select_n3A_525 = arith.select %and3A, %sub3A_524, %div3A : i32
      %rem3A_526 = arith.constant 8 : i32
      %rem3A_527 = arith.remsi %scan3A_505, %rem3A_526 : i32
      %broadcast_in_dim3A = arith.constant 0.000000e+00 : f32
      %broadcast_in_dim3A_528 = vector.broadcast %broadcast_in_dim3A : f32 to vector<16xf32>
      %mul3A_529 = arith.constant 16 : i32
      %mul3A_530 = arith.muli %rem3A_527, %mul3A_529 : i32
      %swap3A = arith.constant 0 : i32
      %swap3A_531 = arith.index_cast %swap3A : i32 to index
      %swap3A_532 = arith.index_cast %select_n3A_525 : i32 to index
      %swap3A_533 = arith.index_cast %mul3A_530 : i32 to index
      %swap3A_534 = tpu.vector_load %arg6[%swap3A_531, %swap3A_532, %swap3A_533] {strides = array<i32>} : memref<4x80x128xf32, #tpu.memory_space<vmem>>, vector<1x1x16xf32>,
      %swap3A_535 = vector.shape_cast %swap3A_534 : vector<1x1x16xf32> to vector<16xf32>
      %swap3A_536 = vector.shape_cast %broadcast_in_dim3A_528 : vector<16xf32> to vector<1x1x16xf32>
      tpu.vector_store %arg6[%swap3A_531, %swap3A_532, %swap3A_533], %swap3A_536 {strides = array<i32>} : memref<4x80x128xf32, #tpu.memory_space<vmem>>, vector<1x1x16xf32>,
    }
    %scan3A_12 = arith.constant 640 : i32
    %mul3A_13 = arith.constant 640 : i32
    %mul3A_14 = arith.muli %arg1, %mul3A_13 : i32
    %scan3A_15 = arith.constant 0 : i32
    %scan3A_16 = arith.constant 8 : i32
    %scan3A_17 = arith.addi %scan3A_15, %scan3A_16 : i32
    %scan3A_18 = arith.constant 1 : i32
    scf.for %scan3A_505 = %scan3A_15 to %scan3A_17 step %scan3A_18  : i32 {
      %mul3A_506 = arith.constant 80 : i32
      %mul3A_507 = arith.muli %scan3A_505, %mul3A_506 : i32
      %add3A_508 = arith.addi %mul3A_14, %mul3A_507 : i32
      %dma_start3A_509 = arith.constant 0 : i32
      %dma_start3A_510 = arith.constant 0 : i32
      %dma_start3A_511 = arith.constant 0 : i32
      %dma_start3A_512 = arith.constant 0 : i32
      %dma_start3A_513 = tpu.memref_slice %arg6[%dma_start3A_509, %dma_start3A_511, %dma_start3A_512] : memref<4x80x128xf32, #tpu.memory_space<vmem>> -> memref<1x80x128xf32, #tpu.memory_space<vmem>>
      %dma_start3A_514 = tpu.memref_squeeze %dma_start3A_513 : memref<1x80x128xf32, #tpu.memory_space<vmem>> -> memref<80x128xf32, #tpu.memory_space<vmem>>
      %dma_start3A_515 = arith.constant 0 : i32
      %dma_start3A_516 = tpu.memref_slice %arg7[%add3A_508, %dma_start3A_515] : memref<10240x128xf32, #tpu.memory_space<vmem_shared>> -> memref<80x128xf32, #tpu.memory_space<vmem_shared>>
      %dma_start3A_517 = tpu.memref_slice %arg9[%dma_start3A_510] : memref<4x!tpu.dma_semaphore, #tpu.memory_space<semaphore_mem>> -> memref<1x!tpu.dma_semaphore, #tpu.memory_space<semaphore_mem>>
      %dma_start3A_518 = tpu.memref_squeeze %dma_start3A_517 : memref<1x!tpu.dma_semaphore, #tpu.memory_space<semaphore_mem>> -> memref<!tpu.dma_semaphore, #tpu.memory_space<semaphore_mem>>
      %dma_start3A_519 = arith.constant 0 : i32
      %dma_start3A_520 = tpu.memref_slice %arg7[%add3A_508, %dma_start3A_519] : memref<10240x128xf32, #tpu.memory_space<vmem_shared>> -> memref<80x128xf32, #tpu.memory_space<vmem_shared>>
      %dma_start3A_521 = arith.constant 0 : i32
      %dma_start3A_522 = arith.constant 0 : i32
      %dma_start3A_523 = tpu.memref_slice %arg6[%dma_start3A_509, %dma_start3A_521, %dma_start3A_522] : memref<4x80x128xf32, #tpu.memory_space<vmem>> -> memref<1x80x128xf32, #tpu.memory_space<vmem>>
      %dma_start3A_524 = tpu.memref_squeeze %dma_start3A_523 : memref<1x80x128xf32, #tpu.memory_space<vmem>> -> memref<80x128xf32, #tpu.memory_space<vmem>>
      tpu.enqueue_dma source(%dma_start3A_524 : memref<80x128xf32, #tpu.memory_space<vmem>>) target(%dma_start3A_520 : memref<80x128xf32, #tpu.memory_space<vmem_shared>>) target_semaphore(%dma_start3A_518 : memref<!tpu.dma_semaphore, #tpu.memory_space<semaphore_mem>>)
    }
    %scan3A_19 = arith.constant 8 : i32
    %scan3A_20 = arith.constant 0 : i32
    %scan3A_21 = arith.constant 8 : i32
    %scan3A_22 = arith.addi %scan3A_20, %scan3A_21 : i32
    %scan3A_23 = arith.constant 1 : i32
    scf.for %scan3A_505 = %scan3A_20 to %scan3A_22 step %scan3A_23  : i32 {
      %mul3A_506 = arith.constant 80 : i32
      %mul3A_507 = arith.muli %scan3A_505, %mul3A_506 : i32
      %add3A_508 = arith.addi %mul3A_14, %mul3A_507 : i32
      %dma_wait3A_509 = arith.constant 0 : i32
      %dma_wait3A_510 = arith.constant 0 : i32
      %dma_wait3A_511 = arith.constant 0 : i32
      %dma_wait3A_512 = arith.constant 0 : i32
      %dma_wait3A_513 = tpu.memref_slice %arg6[%dma_wait3A_509, %dma_wait3A_511, %dma_wait3A_512] : memref<4x80x128xf32, #tpu.memory_space<vmem>> -> memref<1x80x128xf32, #tpu.memory_space<vmem>>
      %dma_wait3A_514 = tpu.memref_squeeze %dma_wait3A_513 : memref<1x80x128xf32, #tpu.memory_space<vmem>> -> memref<80x128xf32, #tpu.memory_space<vmem>>
      %dma_wait3A_515 = arith.constant 0 : i32
      %dma_wait3A_516 = tpu.memref_slice %arg7[%add3A_508, %dma_wait3A_515] : memref<10240x128xf32, #tpu.memory_space<vmem_shared>> -> memref<80x128xf32, #tpu.memory_space<vmem_shared>>
      %dma_wait3A_517 = tpu.memref_slice %arg9[%dma_wait3A_510] : memref<4x!tpu.dma_semaphore, #tpu.memory_space<semaphore_mem>> -> memref<1x!tpu.dma_semaphore, #tpu.memory_space<semaphore_mem>>
      %dma_wait3A_518 = tpu.memref_squeeze %dma_wait3A_517 : memref<1x!tpu.dma_semaphore, #tpu.memory_space<semaphore_mem>> -> memref<!tpu.dma_semaphore, #tpu.memory_space<semaphore_mem>>
      %dma_wait3A_519 = arith.constant 0 : i32
      %dma_wait3A_520 = tpu.memref_slice %arg7[%add3A_508, %dma_wait3A_519] : memref<10240x128xf32, #tpu.memory_space<vmem_shared>> -> memref<80x128xf32, #tpu.memory_space<vmem_shared>>
      %dma_wait3A_521 = arith.constant 0 : i32
      %dma_wait3A_522 = arith.constant 0 : i32
      %dma_wait3A_523 = tpu.memref_slice %arg6[%dma_wait3A_509, %dma_wait3A_521, %dma_wait3A_522] : memref<4x80x128xf32, #tpu.memory_space<vmem>> -> memref<1x80x128xf32, #tpu.memory_space<vmem>>
      %dma_wait3A_524 = tpu.memref_squeeze %dma_wait3A_523 : memref<1x80x128xf32, #tpu.memory_space<vmem>> -> memref<80x128xf32, #tpu.memory_space<vmem>>
      tpu.wait_dma2 semaphore(%dma_wait3A_518 : memref<!tpu.dma_semaphore, #tpu.memory_space<semaphore_mem>>) src(%dma_wait3A_524 : memref<80x128xf32, #tpu.memory_space<vmem>>) dst(%dma_wait3A_520 : memref<80x128xf32, #tpu.memory_space<vmem_shared>>)
    }
    %scan3A_24 = arith.constant 8 : i32
    %barrier3A = arith.constant 0 : index
    tpu.barrier barrier_id(%barrier3A)
    %add3A_25 = arith.constant 0 : i32
    %add3A_26 = arith.addi %select_n3A, %add3A_25 : i32
    %rem3A = arith.constant 0 : i32
    %rem3A_27 = arith.constant 6 : i32
    %rem3A_28 = arith.remsi %rem3A, %rem3A_27 : i32
    %rem3A_29 = arith.constant 0 : i32
    %rem3A_30 = arith.constant 6 : i32
    %rem3A_31 = arith.remsi %rem3A_29, %rem3A_30 : i32
    %dma_start3A = arith.constant 0 : i32
    %dma_start3A_32 = arith.constant 0 : i32
    %dma_start3A_33 = arith.constant 0 : i32
    %dma_start3A_34 = arith.constant 0 : i32
    %dma_start3A_35 = tpu.memref_slice %arg5[%rem3A_28, %dma_start3A_33, %dma_start3A_34] : memref<6x2x80xi32, #tpu.memory_space<vmem>> -> memref<1x1x80xi32, #tpu.memory_space<vmem>>
    %dma_start3A_36 = tpu.memref_squeeze %dma_start3A_35 : memref<1x1x80xi32, #tpu.memory_space<vmem>> -> memref<80xi32, #tpu.memory_space<vmem>>
    %dma_start3A_37 = arith.constant 0 : i32
    %dma_start3A_38 = tpu.memref_slice %arg3[%dma_start3A, %add3A_26, %dma_start3A_32, %dma_start3A_37] : memref<2x4000x1x80xi32, #tpu.memory_space<hbm>> -> memref<1x1x1x80xi32, #tpu.memory_space<hbm>>
    %dma_start3A_39 = tpu.memref_squeeze %dma_start3A_38 : memref<1x1x1x80xi32, #tpu.memory_space<hbm>> -> memref<80xi32, #tpu.memory_space<hbm>>
    %dma_start3A_40 = tpu.memref_slice %arg8[%rem3A_31] : memref<6x!tpu.dma_semaphore, #tpu.memory_space<semaphore_mem>> -> memref<1x!tpu.dma_semaphore, #tpu.memory_space<semaphore_mem>>
    %dma_start3A_41 = tpu.memref_squeeze %dma_start3A_40 : memref<1x!tpu.dma_semaphore, #tpu.memory_space<semaphore_mem>> -> memref<!tpu.dma_semaphore, #tpu.memory_space<semaphore_mem>>
    %dma_start3A_42 = arith.constant 0 : i32
    %dma_start3A_43 = tpu.memref_slice %arg5[%rem3A_28, %dma_start3A_33, %dma_start3A_42] : memref<6x2x80xi32, #tpu.memory_space<vmem>> -> memref<1x1x80xi32, #tpu.memory_space<vmem>>
    %dma_start3A_44 = tpu.memref_squeeze %dma_start3A_43 : memref<1x1x80xi32, #tpu.memory_space<vmem>> -> memref<80xi32, #tpu.memory_space<vmem>>
    %dma_start3A_45 = arith.constant 0 : i32
    %dma_start3A_46 = tpu.memref_slice %arg3[%dma_start3A, %add3A_26, %dma_start3A_32, %dma_start3A_45] : memref<2x4000x1x80xi32, #tpu.memory_space<hbm>> -> memref<1x1x1x80xi32, #tpu.memory_space<hbm>>
    %dma_start3A_47 = tpu.memref_squeeze %dma_start3A_46 : memref<1x1x1x80xi32, #tpu.memory_space<hbm>> -> memref<80xi32, #tpu.memory_space<hbm>>
    tpu.enqueue_dma source(%dma_start3A_47 : memref<80xi32, #tpu.memory_space<hbm>>) target(%dma_start3A_44 : memref<80xi32, #tpu.memory_space<vmem>>) target_semaphore(%dma_start3A_41 : memref<!tpu.dma_semaphore, #tpu.memory_space<semaphore_mem>>)
    %add3A_48 = arith.constant 0 : i32
    %add3A_49 = arith.addi %select_n3A, %add3A_48 : i32
    %rem3A_50 = arith.constant 0 : i32
    %rem3A_51 = arith.constant 6 : i32
    %rem3A_52 = arith.remsi %rem3A_50, %rem3A_51 : i32
    %rem3A_53 = arith.constant 0 : i32
    %rem3A_54 = arith.constant 6 : i32
    %rem3A_55 = arith.remsi %rem3A_53, %rem3A_54 : i32
    %dma_start3A_56 = arith.constant 1 : i32
    %dma_start3A_57 = arith.constant 0 : i32
    %dma_start3A_58 = arith.constant 1 : i32
    %dma_start3A_59 = arith.constant 0 : i32
    %dma_start3A_60 = tpu.memref_slice %arg5[%rem3A_52, %dma_start3A_58, %dma_start3A_59] : memref<6x2x80xi32, #tpu.memory_space<vmem>> -> memref<1x1x80xi32, #tpu.memory_space<vmem>>
    %dma_start3A_61 = tpu.memref_squeeze %dma_start3A_60 : memref<1x1x80xi32, #tpu.memory_space<vmem>> -> memref<80xi32, #tpu.memory_space<vmem>>
    %dma_start3A_62 = arith.constant 0 : i32
    %dma_start3A_63 = tpu.memref_slice %arg3[%dma_start3A_56, %add3A_49, %dma_start3A_57, %dma_start3A_62] : memref<2x4000x1x80xi32, #tpu.memory_space<hbm>> -> memref<1x1x1x80xi32, #tpu.memory_space<hbm>>
    %dma_start3A_64 = tpu.memref_squeeze %dma_start3A_63 : memref<1x1x1x80xi32, #tpu.memory_space<hbm>> -> memref<80xi32, #tpu.memory_space<hbm>>
    %dma_start3A_65 = tpu.memref_slice %arg8[%rem3A_55] : memref<6x!tpu.dma_semaphore, #tpu.memory_space<semaphore_mem>> -> memref<1x!tpu.dma_semaphore, #tpu.memory_space<semaphore_mem>>
    %dma_start3A_66 = tpu.memref_squeeze %dma_start3A_65 : memref<1x!tpu.dma_semaphore, #tpu.memory_space<semaphore_mem>> -> memref<!tpu.dma_semaphore, #tpu.memory_space<semaphore_mem>>
    %dma_start3A_67 = arith.constant 0 : i32
    %dma_start3A_68 = tpu.memref_slice %arg5[%rem3A_52, %dma_start3A_58, %dma_start3A_67] : memref<6x2x80xi32, #tpu.memory_space<vmem>> -> memref<1x1x80xi32, #tpu.memory_space<vmem>>
    %dma_start3A_69 = tpu.memref_squeeze %dma_start3A_68 : memref<1x1x80xi32, #tpu.memory_space<vmem>> -> memref<80xi32, #tpu.memory_space<vmem>>
    %dma_start3A_70 = arith.constant 0 : i32
    %dma_start3A_71 = tpu.memref_slice %arg3[%dma_start3A_56, %add3A_49, %dma_start3A_57, %dma_start3A_70] : memref<2x4000x1x80xi32, #tpu.memory_space<hbm>> -> memref<1x1x1x80xi32, #tpu.memory_space<hbm>>
    %dma_start3A_72 = tpu.memref_squeeze %dma_start3A_71 : memref<1x1x1x80xi32, #tpu.memory_space<hbm>> -> memref<80xi32, #tpu.memory_space<hbm>>
    tpu.enqueue_dma source(%dma_start3A_72 : memref<80xi32, #tpu.memory_space<hbm>>) target(%dma_start3A_69 : memref<80xi32, #tpu.memory_space<vmem>>) target_semaphore(%dma_start3A_66 : memref<!tpu.dma_semaphore, #tpu.memory_space<semaphore_mem>>)
    %add3A_73 = arith.constant 1 : i32
    %add3A_74 = arith.addi %select_n3A, %add3A_73 : i32
    %rem3A_75 = arith.constant 1 : i32
    %rem3A_76 = arith.constant 6 : i32
    %rem3A_77 = arith.remsi %rem3A_75, %rem3A_76 : i32
    %rem3A_78 = arith.constant 1 : i32
    %rem3A_79 = arith.constant 6 : i32
    %rem3A_80 = arith.remsi %rem3A_78, %rem3A_79 : i32
    %dma_start3A_81 = arith.constant 0 : i32
    %dma_start3A_82 = arith.constant 0 : i32
    %dma_start3A_83 = arith.constant 0 : i32
    %dma_start3A_84 = arith.constant 0 : i32
    %dma_start3A_85 = tpu.memref_slice %arg5[%rem3A_77, %dma_start3A_83, %dma_start3A_84] : memref<6x2x80xi32, #tpu.memory_space<vmem>> -> memref<1x1x80xi32, #tpu.memory_space<vmem>>
    %dma_start3A_86 = tpu.memref_squeeze %dma_start3A_85 : memref<1x1x80xi32, #tpu.memory_space<vmem>> -> memref<80xi32, #tpu.memory_space<vmem>>
    %dma_start3A_87 = arith.constant 0 : i32
    %dma_start3A_88 = tpu.memref_slice %arg3[%dma_start3A_81, %add3A_74, %dma_start3A_82, %dma_start3A_87] : memref<2x4000x1x80xi32, #tpu.memory_space<hbm>> -> memref<1x1x1x80xi32, #tpu.memory_space<hbm>>
    %dma_start3A_89 = tpu.memref_squeeze %dma_start3A_88 : memref<1x1x1x80xi32, #tpu.memory_space<hbm>> -> memref<80xi32, #tpu.memory_space<hbm>>
    %dma_start3A_90 = tpu.memref_slice %arg8[%rem3A_80] : memref<6x!tpu.dma_semaphore, #tpu.memory_space<semaphore_mem>> -> memref<1x!tpu.dma_semaphore, #tpu.memory_space<semaphore_mem>>
    %dma_start3A_91 = tpu.memref_squeeze %dma_start3A_90 : memref<1x!tpu.dma_semaphore, #tpu.memory_space<semaphore_mem>> -> memref<!tpu.dma_semaphore, #tpu.memory_space<semaphore_mem>>
    %dma_start3A_92 = arith.constant 0 : i32
    %dma_start3A_93 = tpu.memref_slice %arg5[%rem3A_77, %dma_start3A_83, %dma_start3A_92] : memref<6x2x80xi32, #tpu.memory_space<vmem>> -> memref<1x1x80xi32, #tpu.memory_space<vmem>>
    %dma_start3A_94 = tpu.memref_squeeze %dma_start3A_93 : memref<1x1x80xi32, #tpu.memory_space<vmem>> -> memref<80xi32, #tpu.memory_space<vmem>>
    %dma_start3A_95 = arith.constant 0 : i32
    %dma_start3A_96 = tpu.memref_slice %arg3[%dma_start3A_81, %add3A_74, %dma_start3A_82, %dma_start3A_95] : memref<2x4000x1x80xi32, #tpu.memory_space<hbm>> -> memref<1x1x1x80xi32, #tpu.memory_space<hbm>>
    %dma_start3A_97 = tpu.memref_squeeze %dma_start3A_96 : memref<1x1x1x80xi32, #tpu.memory_space<hbm>> -> memref<80xi32, #tpu.memory_space<hbm>>
    tpu.enqueue_dma source(%dma_start3A_97 : memref<80xi32, #tpu.memory_space<hbm>>) target(%dma_start3A_94 : memref<80xi32, #tpu.memory_space<vmem>>) target_semaphore(%dma_start3A_91 : memref<!tpu.dma_semaphore, #tpu.memory_space<semaphore_mem>>)
    %add3A_98 = arith.constant 1 : i32
    %add3A_99 = arith.addi %select_n3A, %add3A_98 : i32
    %rem3A_100 = arith.constant 1 : i32
    %rem3A_101 = arith.constant 6 : i32
    %rem3A_102 = arith.remsi %rem3A_100, %rem3A_101 : i32
    %rem3A_103 = arith.constant 1 : i32
    %rem3A_104 = arith.constant 6 : i32
    %rem3A_105 = arith.remsi %rem3A_103, %rem3A_104 : i32
    %dma_start3A_106 = arith.constant 1 : i32
    %dma_start3A_107 = arith.constant 0 : i32
    %dma_start3A_108 = arith.constant 1 : i32
    %dma_start3A_109 = arith.constant 0 : i32
    %dma_start3A_110 = tpu.memref_slice %arg5[%rem3A_102, %dma_start3A_108, %dma_start3A_109] : memref<6x2x80xi32, #tpu.memory_space<vmem>> -> memref<1x1x80xi32, #tpu.memory_space<vmem>>
    %dma_start3A_111 = tpu.memref_squeeze %dma_start3A_110 : memref<1x1x80xi32, #tpu.memory_space<vmem>> -> memref<80xi32, #tpu.memory_space<vmem>>
    %dma_start3A_112 = arith.constant 0 : i32
    %dma_start3A_113 = tpu.memref_slice %arg3[%dma_start3A_106, %add3A_99, %dma_start3A_107, %dma_start3A_112] : memref<2x4000x1x80xi32, #tpu.memory_space<hbm>> -> memref<1x1x1x80xi32, #tpu.memory_space<hbm>>
    %dma_start3A_114 = tpu.memref_squeeze %dma_start3A_113 : memref<1x1x1x80xi32, #tpu.memory_space<hbm>> -> memref<80xi32, #tpu.memory_space<hbm>>
    %dma_start3A_115 = tpu.memref_slice %arg8[%rem3A_105] : memref<6x!tpu.dma_semaphore, #tpu.memory_space<semaphore_mem>> -> memref<1x!tpu.dma_semaphore, #tpu.memory_space<semaphore_mem>>
    %dma_start3A_116 = tpu.memref_squeeze %dma_start3A_115 : memref<1x!tpu.dma_semaphore, #tpu.memory_space<semaphore_mem>> -> memref<!tpu.dma_semaphore, #tpu.memory_space<semaphore_mem>>
    %dma_start3A_117 = arith.constant 0 : i32
    %dma_start3A_118 = tpu.memref_slice %arg5[%rem3A_102, %dma_start3A_108, %dma_start3A_117] : memref<6x2x80xi32, #tpu.memory_space<vmem>> -> memref<1x1x80xi32, #tpu.memory_space<vmem>>
    %dma_start3A_119 = tpu.memref_squeeze %dma_start3A_118 : memref<1x1x80xi32, #tpu.memory_space<vmem>> -> memref<80xi32, #tpu.memory_space<vmem>>
    %dma_start3A_120 = arith.constant 0 : i32
    %dma_start3A_121 = tpu.memref_slice %arg3[%dma_start3A_106, %add3A_99, %dma_start3A_107, %dma_start3A_120] : memref<2x4000x1x80xi32, #tpu.memory_space<hbm>> -> memref<1x1x1x80xi32, #tpu.memory_space<hbm>>
    %dma_start3A_122 = tpu.memref_squeeze %dma_start3A_121 : memref<1x1x1x80xi32, #tpu.memory_space<hbm>> -> memref<80xi32, #tpu.memory_space<hbm>>
    tpu.enqueue_dma source(%dma_start3A_122 : memref<80xi32, #tpu.memory_space<hbm>>) target(%dma_start3A_119 : memref<80xi32, #tpu.memory_space<vmem>>) target_semaphore(%dma_start3A_116 : memref<!tpu.dma_semaphore, #tpu.memory_space<semaphore_mem>>)
    %add3A_123 = arith.constant 2 : i32
    %add3A_124 = arith.addi %select_n3A, %add3A_123 : i32
    %rem3A_125 = arith.constant 2 : i32
    %rem3A_126 = arith.constant 6 : i32
    %rem3A_127 = arith.remsi %rem3A_125, %rem3A_126 : i32
    %rem3A_128 = arith.constant 2 : i32
    %rem3A_129 = arith.constant 6 : i32
    %rem3A_130 = arith.remsi %rem3A_128, %rem3A_129 : i32
    %dma_start3A_131 = arith.constant 0 : i32
    %dma_start3A_132 = arith.constant 0 : i32
    %dma_start3A_133 = arith.constant 0 : i32
    %dma_start3A_134 = arith.constant 0 : i32
    %dma_start3A_135 = tpu.memref_slice %arg5[%rem3A_127, %dma_start3A_133, %dma_start3A_134] : memref<6x2x80xi32, #tpu.memory_space<vmem>> -> memref<1x1x80xi32, #tpu.memory_space<vmem>>
    %dma_start3A_136 = tpu.memref_squeeze %dma_start3A_135 : memref<1x1x80xi32, #tpu.memory_space<vmem>> -> memref<80xi32, #tpu.memory_space<vmem>>
    %dma_start3A_137 = arith.constant 0 : i32
    %dma_start3A_138 = tpu.memref_slice %arg3[%dma_start3A_131, %add3A_124, %dma_start3A_132, %dma_start3A_137] : memref<2x4000x1x80xi32, #tpu.memory_space<hbm>> -> memref<1x1x1x80xi32, #tpu.memory_space<hbm>>
    %dma_start3A_139 = tpu.memref_squeeze %dma_start3A_138 : memref<1x1x1x80xi32, #tpu.memory_space<hbm>> -> memref<80xi32, #tpu.memory_space<hbm>>
    %dma_start3A_140 = tpu.memref_slice %arg8[%rem3A_130] : memref<6x!tpu.dma_semaphore, #tpu.memory_space<semaphore_mem>> -> memref<1x!tpu.dma_semaphore, #tpu.memory_space<semaphore_mem>>
    %dma_start3A_141 = tpu.memref_squeeze %dma_start3A_140 : memref<1x!tpu.dma_semaphore, #tpu.memory_space<semaphore_mem>> -> memref<!tpu.dma_semaphore, #tpu.memory_space<semaphore_mem>>
    %dma_start3A_142 = arith.constant 0 : i32
    %dma_start3A_143 = tpu.memref_slice %arg5[%rem3A_127, %dma_start3A_133, %dma_start3A_142] : memref<6x2x80xi32, #tpu.memory_space<vmem>> -> memref<1x1x80xi32, #tpu.memory_space<vmem>>
    %dma_start3A_144 = tpu.memref_squeeze %dma_start3A_143 : memref<1x1x80xi32, #tpu.memory_space<vmem>> -> memref<80xi32, #tpu.memory_space<vmem>>
    %dma_start3A_145 = arith.constant 0 : i32
    %dma_start3A_146 = tpu.memref_slice %arg3[%dma_start3A_131, %add3A_124, %dma_start3A_132, %dma_start3A_145] : memref<2x4000x1x80xi32, #tpu.memory_space<hbm>> -> memref<1x1x1x80xi32, #tpu.memory_space<hbm>>
    %dma_start3A_147 = tpu.memref_squeeze %dma_start3A_146 : memref<1x1x1x80xi32, #tpu.memory_space<hbm>> -> memref<80xi32, #tpu.memory_space<hbm>>
    tpu.enqueue_dma source(%dma_start3A_147 : memref<80xi32, #tpu.memory_space<hbm>>) target(%dma_start3A_144 : memref<80xi32, #tpu.memory_space<vmem>>) target_semaphore(%dma_start3A_141 : memref<!tpu.dma_semaphore, #tpu.memory_space<semaphore_mem>>)
    %add3A_148 = arith.constant 2 : i32
    %add3A_149 = arith.addi %select_n3A, %add3A_148 : i32
    %rem3A_150 = arith.constant 2 : i32
    %rem3A_151 = arith.constant 6 : i32
    %rem3A_152 = arith.remsi %rem3A_150, %rem3A_151 : i32
    %rem3A_153 = arith.constant 2 : i32
    %rem3A_154 = arith.constant 6 : i32
    %rem3A_155 = arith.remsi %rem3A_153, %rem3A_154 : i32
    %dma_start3A_156 = arith.constant 1 : i32
    %dma_start3A_157 = arith.constant 0 : i32
    %dma_start3A_158 = arith.constant 1 : i32
    %dma_start3A_159 = arith.constant 0 : i32
    %dma_start3A_160 = tpu.memref_slice %arg5[%rem3A_152, %dma_start3A_158, %dma_start3A_159] : memref<6x2x80xi32, #tpu.memory_space<vmem>> -> memref<1x1x80xi32, #tpu.memory_space<vmem>>
    %dma_start3A_161 = tpu.memref_squeeze %dma_start3A_160 : memref<1x1x80xi32, #tpu.memory_space<vmem>> -> memref<80xi32, #tpu.memory_space<vmem>>
    %dma_start3A_162 = arith.constant 0 : i32
    %dma_start3A_163 = tpu.memref_slice %arg3[%dma_start3A_156, %add3A_149, %dma_start3A_157, %dma_start3A_162] : memref<2x4000x1x80xi32, #tpu.memory_space<hbm>> -> memref<1x1x1x80xi32, #tpu.memory_space<hbm>>
    %dma_start3A_164 = tpu.memref_squeeze %dma_start3A_163 : memref<1x1x1x80xi32, #tpu.memory_space<hbm>> -> memref<80xi32, #tpu.memory_space<hbm>>
    %dma_start3A_165 = tpu.memref_slice %arg8[%rem3A_155] : memref<6x!tpu.dma_semaphore, #tpu.memory_space<semaphore_mem>> -> memref<1x!tpu.dma_semaphore, #tpu.memory_space<semaphore_mem>>
    %dma_start3A_166 = tpu.memref_squeeze %dma_start3A_165 : memref<1x!tpu.dma_semaphore, #tpu.memory_space<semaphore_mem>> -> memref<!tpu.dma_semaphore, #tpu.memory_space<semaphore_mem>>
    %dma_start3A_167 = arith.constant 0 : i32
    %dma_start3A_168 = tpu.memref_slice %arg5[%rem3A_152, %dma_start3A_158, %dma_start3A_167] : memref<6x2x80xi32, #tpu.memory_space<vmem>> -> memref<1x1x80xi32, #tpu.memory_space<vmem>>
    %dma_start3A_169 = tpu.memref_squeeze %dma_start3A_168 : memref<1x1x80xi32, #tpu.memory_space<vmem>> -> memref<80xi32, #tpu.memory_space<vmem>>
    %dma_start3A_170 = arith.constant 0 : i32
    %dma_start3A_171 = tpu.memref_slice %arg3[%dma_start3A_156, %add3A_149, %dma_start3A_157, %dma_start3A_170] : memref<2x4000x1x80xi32, #tpu.memory_space<hbm>> -> memref<1x1x1x80xi32, #tpu.memory_space<hbm>>
    %dma_start3A_172 = tpu.memref_squeeze %dma_start3A_171 : memref<1x1x1x80xi32, #tpu.memory_space<hbm>> -> memref<80xi32, #tpu.memory_space<hbm>>
    tpu.enqueue_dma source(%dma_start3A_172 : memref<80xi32, #tpu.memory_space<hbm>>) target(%dma_start3A_169 : memref<80xi32, #tpu.memory_space<vmem>>) target_semaphore(%dma_start3A_166 : memref<!tpu.dma_semaphore, #tpu.memory_space<semaphore_mem>>)
    %add3A_173 = arith.constant 3 : i32
    %add3A_174 = arith.addi %select_n3A, %add3A_173 : i32
    %rem3A_175 = arith.constant 3 : i32
    %rem3A_176 = arith.constant 6 : i32
    %rem3A_177 = arith.remsi %rem3A_175, %rem3A_176 : i32
    %rem3A_178 = arith.constant 3 : i32
    %rem3A_179 = arith.constant 6 : i32
    %rem3A_180 = arith.remsi %rem3A_178, %rem3A_179 : i32
    %dma_start3A_181 = arith.constant 0 : i32
    %dma_start3A_182 = arith.constant 0 : i32
    %dma_start3A_183 = arith.constant 0 : i32
    %dma_start3A_184 = arith.constant 0 : i32
    %dma_start3A_185 = tpu.memref_slice %arg5[%rem3A_177, %dma_start3A_183, %dma_start3A_184] : memref<6x2x80xi32, #tpu.memory_space<vmem>> -> memref<1x1x80xi32, #tpu.memory_space<vmem>>
    %dma_start3A_186 = tpu.memref_squeeze %dma_start3A_185 : memref<1x1x80xi32, #tpu.memory_space<vmem>> -> memref<80xi32, #tpu.memory_space<vmem>>
    %dma_start3A_187 = arith.constant 0 : i32
    %dma_start3A_188 = tpu.memref_slice %arg3[%dma_start3A_181, %add3A_174, %dma_start3A_182, %dma_start3A_187] : memref<2x4000x1x80xi32, #tpu.memory_space<hbm>> -> memref<1x1x1x80xi32, #tpu.memory_space<hbm>>
    %dma_start3A_189 = tpu.memref_squeeze %dma_start3A_188 : memref<1x1x1x80xi32, #tpu.memory_space<hbm>> -> memref<80xi32, #tpu.memory_space<hbm>>
    %dma_start3A_190 = tpu.memref_slice %arg8[%rem3A_180] : memref<6x!tpu.dma_semaphore, #tpu.memory_space<semaphore_mem>> -> memref<1x!tpu.dma_semaphore, #tpu.memory_space<semaphore_mem>>
    %dma_start3A_191 = tpu.memref_squeeze %dma_start3A_190 : memref<1x!tpu.dma_semaphore, #tpu.memory_space<semaphore_mem>> -> memref<!tpu.dma_semaphore, #tpu.memory_space<semaphore_mem>>
    %dma_start3A_192 = arith.constant 0 : i32
    %dma_start3A_193 = tpu.memref_slice %arg5[%rem3A_177, %dma_start3A_183, %dma_start3A_192] : memref<6x2x80xi32, #tpu.memory_space<vmem>> -> memref<1x1x80xi32, #tpu.memory_space<vmem>>
    %dma_start3A_194 = tpu.memref_squeeze %dma_start3A_193 : memref<1x1x80xi32, #tpu.memory_space<vmem>> -> memref<80xi32, #tpu.memory_space<vmem>>
    %dma_start3A_195 = arith.constant 0 : i32
    %dma_start3A_196 = tpu.memref_slice %arg3[%dma_start3A_181, %add3A_174, %dma_start3A_182, %dma_start3A_195] : memref<2x4000x1x80xi32, #tpu.memory_space<hbm>> -> memref<1x1x1x80xi32, #tpu.memory_space<hbm>>
    %dma_start3A_197 = tpu.memref_squeeze %dma_start3A_196 : memref<1x1x1x80xi32, #tpu.memory_space<hbm>> -> memref<80xi32, #tpu.memory_space<hbm>>
    tpu.enqueue_dma source(%dma_start3A_197 : memref<80xi32, #tpu.memory_space<hbm>>) target(%dma_start3A_194 : memref<80xi32, #tpu.memory_space<vmem>>) target_semaphore(%dma_start3A_191 : memref<!tpu.dma_semaphore, #tpu.memory_space<semaphore_mem>>)
    %add3A_198 = arith.constant 3 : i32
    %add3A_199 = arith.addi %select_n3A, %add3A_198 : i32
    %rem3A_200 = arith.constant 3 : i32
    %rem3A_201 = arith.constant 6 : i32
    %rem3A_202 = arith.remsi %rem3A_200, %rem3A_201 : i32
    %rem3A_203 = arith.constant 3 : i32
    %rem3A_204 = arith.constant 6 : i32
    %rem3A_205 = arith.remsi %rem3A_203, %rem3A_204 : i32
    %dma_start3A_206 = arith.constant 1 : i32
    %dma_start3A_207 = arith.constant 0 : i32
    %dma_start3A_208 = arith.constant 1 : i32
    %dma_start3A_209 = arith.constant 0 : i32
    %dma_start3A_210 = tpu.memref_slice %arg5[%rem3A_202, %dma_start3A_208, %dma_start3A_209] : memref<6x2x80xi32, #tpu.memory_space<vmem>> -> memref<1x1x80xi32, #tpu.memory_space<vmem>>
    %dma_start3A_211 = tpu.memref_squeeze %dma_start3A_210 : memref<1x1x80xi32, #tpu.memory_space<vmem>> -> memref<80xi32, #tpu.memory_space<vmem>>
    %dma_start3A_212 = arith.constant 0 : i32
    %dma_start3A_213 = tpu.memref_slice %arg3[%dma_start3A_206, %add3A_199, %dma_start3A_207, %dma_start3A_212] : memref<2x4000x1x80xi32, #tpu.memory_space<hbm>> -> memref<1x1x1x80xi32, #tpu.memory_space<hbm>>
    %dma_start3A_214 = tpu.memref_squeeze %dma_start3A_213 : memref<1x1x1x80xi32, #tpu.memory_space<hbm>> -> memref<80xi32, #tpu.memory_space<hbm>>
    %dma_start3A_215 = tpu.memref_slice %arg8[%rem3A_205] : memref<6x!tpu.dma_semaphore, #tpu.memory_space<semaphore_mem>> -> memref<1x!tpu.dma_semaphore, #tpu.memory_space<semaphore_mem>>
    %dma_start3A_216 = tpu.memref_squeeze %dma_start3A_215 : memref<1x!tpu.dma_semaphore, #tpu.memory_space<semaphore_mem>> -> memref<!tpu.dma_semaphore, #tpu.memory_space<semaphore_mem>>
    %dma_start3A_217 = arith.constant 0 : i32
    %dma_start3A_218 = tpu.memref_slice %arg5[%rem3A_202, %dma_start3A_208, %dma_start3A_217] : memref<6x2x80xi32, #tpu.memory_space<vmem>> -> memref<1x1x80xi32, #tpu.memory_space<vmem>>
    %dma_start3A_219 = tpu.memref_squeeze %dma_start3A_218 : memref<1x1x80xi32, #tpu.memory_space<vmem>> -> memref<80xi32, #tpu.memory_space<vmem>>
    %dma_start3A_220 = arith.constant 0 : i32
    %dma_start3A_221 = tpu.memref_slice %arg3[%dma_start3A_206, %add3A_199, %dma_start3A_207, %dma_start3A_220] : memref<2x4000x1x80xi32, #tpu.memory_space<hbm>> -> memref<1x1x1x80xi32, #tpu.memory_space<hbm>>
    %dma_start3A_222 = tpu.memref_squeeze %dma_start3A_221 : memref<1x1x1x80xi32, #tpu.memory_space<hbm>> -> memref<80xi32, #tpu.memory_space<hbm>>
    tpu.enqueue_dma source(%dma_start3A_222 : memref<80xi32, #tpu.memory_space<hbm>>) target(%dma_start3A_219 : memref<80xi32, #tpu.memory_space<vmem>>) target_semaphore(%dma_start3A_216 : memref<!tpu.dma_semaphore, #tpu.memory_space<semaphore_mem>>)
    %add3A_223 = arith.constant 4 : i32
    %add3A_224 = arith.addi %select_n3A, %add3A_223 : i32
    %rem3A_225 = arith.constant 4 : i32
    %rem3A_226 = arith.constant 6 : i32
    %rem3A_227 = arith.remsi %rem3A_225, %rem3A_226 : i32
    %rem3A_228 = arith.constant 4 : i32
    %rem3A_229 = arith.constant 6 : i32
    %rem3A_230 = arith.remsi %rem3A_228, %rem3A_229 : i32
    %dma_start3A_231 = arith.constant 0 : i32
    %dma_start3A_232 = arith.constant 0 : i32
    %dma_start3A_233 = arith.constant 0 : i32
    %dma_start3A_234 = arith.constant 0 : i32
    %dma_start3A_235 = tpu.memref_slice %arg5[%rem3A_227, %dma_start3A_233, %dma_start3A_234] : memref<6x2x80xi32, #tpu.memory_space<vmem>> -> memref<1x1x80xi32, #tpu.memory_space<vmem>>
    %dma_start3A_236 = tpu.memref_squeeze %dma_start3A_235 : memref<1x1x80xi32, #tpu.memory_space<vmem>> -> memref<80xi32, #tpu.memory_space<vmem>>
    %dma_start3A_237 = arith.constant 0 : i32
    %dma_start3A_238 = tpu.memref_slice %arg3[%dma_start3A_231, %add3A_224, %dma_start3A_232, %dma_start3A_237] : memref<2x4000x1x80xi32, #tpu.memory_space<hbm>> -> memref<1x1x1x80xi32, #tpu.memory_space<hbm>>
    %dma_start3A_239 = tpu.memref_squeeze %dma_start3A_238 : memref<1x1x1x80xi32, #tpu.memory_space<hbm>> -> memref<80xi32, #tpu.memory_space<hbm>>
    %dma_start3A_240 = tpu.memref_slice %arg8[%rem3A_230] : memref<6x!tpu.dma_semaphore, #tpu.memory_space<semaphore_mem>> -> memref<1x!tpu.dma_semaphore, #tpu.memory_space<semaphore_mem>>
    %dma_start3A_241 = tpu.memref_squeeze %dma_start3A_240 : memref<1x!tpu.dma_semaphore, #tpu.memory_space<semaphore_mem>> -> memref<!tpu.dma_semaphore, #tpu.memory_space<semaphore_mem>>
    %dma_start3A_242 = arith.constant 0 : i32
    %dma_start3A_243 = tpu.memref_slice %arg5[%rem3A_227, %dma_start3A_233, %dma_start3A_242] : memref<6x2x80xi32, #tpu.memory_space<vmem>> -> memref<1x1x80xi32, #tpu.memory_space<vmem>>
    %dma_start3A_244 = tpu.memref_squeeze %dma_start3A_243 : memref<1x1x80xi32, #tpu.memory_space<vmem>> -> memref<80xi32, #tpu.memory_space<vmem>>
    %dma_start3A_245 = arith.constant 0 : i32
    %dma_start3A_246 = tpu.memref_slice %arg3[%dma_start3A_231, %add3A_224, %dma_start3A_232, %dma_start3A_245] : memref<2x4000x1x80xi32, #tpu.memory_space<hbm>> -> memref<1x1x1x80xi32, #tpu.memory_space<hbm>>
    %dma_start3A_247 = tpu.memref_squeeze %dma_start3A_246 : memref<1x1x1x80xi32, #tpu.memory_space<hbm>> -> memref<80xi32, #tpu.memory_space<hbm>>
    tpu.enqueue_dma source(%dma_start3A_247 : memref<80xi32, #tpu.memory_space<hbm>>) target(%dma_start3A_244 : memref<80xi32, #tpu.memory_space<vmem>>) target_semaphore(%dma_start3A_241 : memref<!tpu.dma_semaphore, #tpu.memory_space<semaphore_mem>>)
    %add3A_248 = arith.constant 4 : i32
    %add3A_249 = arith.addi %select_n3A, %add3A_248 : i32
    %rem3A_250 = arith.constant 4 : i32
    %rem3A_251 = arith.constant 6 : i32
    %rem3A_252 = arith.remsi %rem3A_250, %rem3A_251 : i32
    %rem3A_253 = arith.constant 4 : i32
    %rem3A_254 = arith.constant 6 : i32
    %rem3A_255 = arith.remsi %rem3A_253, %rem3A_254 : i32
    %dma_start3A_256 = arith.constant 1 : i32
    %dma_start3A_257 = arith.constant 0 : i32
    %dma_start3A_258 = arith.constant 1 : i32
    %dma_start3A_259 = arith.constant 0 : i32
    %dma_start3A_260 = tpu.memref_slice %arg5[%rem3A_252, %dma_start3A_258, %dma_start3A_259] : memref<6x2x80xi32, #tpu.memory_space<vmem>> -> memref<1x1x80xi32, #tpu.memory_space<vmem>>
    %dma_start3A_261 = tpu.memref_squeeze %dma_start3A_260 : memref<1x1x80xi32, #tpu.memory_space<vmem>> -> memref<80xi32, #tpu.memory_space<vmem>>
    %dma_start3A_262 = arith.constant 0 : i32
    %dma_start3A_263 = tpu.memref_slice %arg3[%dma_start3A_256, %add3A_249, %dma_start3A_257, %dma_start3A_262] : memref<2x4000x1x80xi32, #tpu.memory_space<hbm>> -> memref<1x1x1x80xi32, #tpu.memory_space<hbm>>
    %dma_start3A_264 = tpu.memref_squeeze %dma_start3A_263 : memref<1x1x1x80xi32, #tpu.memory_space<hbm>> -> memref<80xi32, #tpu.memory_space<hbm>>
    %dma_start3A_265 = tpu.memref_slice %arg8[%rem3A_255] : memref<6x!tpu.dma_semaphore, #tpu.memory_space<semaphore_mem>> -> memref<1x!tpu.dma_semaphore, #tpu.memory_space<semaphore_mem>>
    %dma_start3A_266 = tpu.memref_squeeze %dma_start3A_265 : memref<1x!tpu.dma_semaphore, #tpu.memory_space<semaphore_mem>> -> memref<!tpu.dma_semaphore, #tpu.memory_space<semaphore_mem>>
    %dma_start3A_267 = arith.constant 0 : i32
    %dma_start3A_268 = tpu.memref_slice %arg5[%rem3A_252, %dma_start3A_258, %dma_start3A_267] : memref<6x2x80xi32, #tpu.memory_space<vmem>> -> memref<1x1x80xi32, #tpu.memory_space<vmem>>
    %dma_start3A_269 = tpu.memref_squeeze %dma_start3A_268 : memref<1x1x80xi32, #tpu.memory_space<vmem>> -> memref<80xi32, #tpu.memory_space<vmem>>
    %dma_start3A_270 = arith.constant 0 : i32
    %dma_start3A_271 = tpu.memref_slice %arg3[%dma_start3A_256, %add3A_249, %dma_start3A_257, %dma_start3A_270] : memref<2x4000x1x80xi32, #tpu.memory_space<hbm>> -> memref<1x1x1x80xi32, #tpu.memory_space<hbm>>
    %dma_start3A_272 = tpu.memref_squeeze %dma_start3A_271 : memref<1x1x1x80xi32, #tpu.memory_space<hbm>> -> memref<80xi32, #tpu.memory_space<hbm>>
    tpu.enqueue_dma source(%dma_start3A_272 : memref<80xi32, #tpu.memory_space<hbm>>) target(%dma_start3A_269 : memref<80xi32, #tpu.memory_space<vmem>>) target_semaphore(%dma_start3A_266 : memref<!tpu.dma_semaphore, #tpu.memory_space<semaphore_mem>>)
    %add3A_273 = arith.constant 0 : i32
    %add3A_274 = arith.addi %select_n3A, %add3A_273 : i32
    %rem3A_275 = arith.constant 0 : i32
    %rem3A_276 = arith.constant 6 : i32
    %rem3A_277 = arith.remsi %rem3A_275, %rem3A_276 : i32
    %rem3A_278 = arith.constant 0 : i32
    %rem3A_279 = arith.constant 6 : i32
    %rem3A_280 = arith.remsi %rem3A_278, %rem3A_279 : i32
    %dma_wait3A = arith.constant 0 : i32
    %dma_wait3A_281 = arith.constant 0 : i32
    %dma_wait3A_282 = arith.constant 0 : i32
    %dma_wait3A_283 = arith.constant 0 : i32
    %dma_wait3A_284 = tpu.memref_slice %arg5[%rem3A_277, %dma_wait3A_282, %dma_wait3A_283] : memref<6x2x80xi32, #tpu.memory_space<vmem>> -> memref<1x1x80xi32, #tpu.memory_space<vmem>>
    %dma_wait3A_285 = tpu.memref_squeeze %dma_wait3A_284 : memref<1x1x80xi32, #tpu.memory_space<vmem>> -> memref<80xi32, #tpu.memory_space<vmem>>
    %dma_wait3A_286 = arith.constant 0 : i32
    %dma_wait3A_287 = tpu.memref_slice %arg3[%dma_wait3A, %add3A_274, %dma_wait3A_281, %dma_wait3A_286] : memref<2x4000x1x80xi32, #tpu.memory_space<hbm>> -> memref<1x1x1x80xi32, #tpu.memory_space<hbm>>
    %dma_wait3A_288 = tpu.memref_squeeze %dma_wait3A_287 : memref<1x1x1x80xi32, #tpu.memory_space<hbm>> -> memref<80xi32, #tpu.memory_space<hbm>>
    %dma_wait3A_289 = tpu.memref_slice %arg8[%rem3A_280] : memref<6x!tpu.dma_semaphore, #tpu.memory_space<semaphore_mem>> -> memref<1x!tpu.dma_semaphore, #tpu.memory_space<semaphore_mem>>
    %dma_wait3A_290 = tpu.memref_squeeze %dma_wait3A_289 : memref<1x!tpu.dma_semaphore, #tpu.memory_space<semaphore_mem>> -> memref<!tpu.dma_semaphore, #tpu.memory_space<semaphore_mem>>
    %dma_wait3A_291 = arith.constant 0 : i32
    %dma_wait3A_292 = tpu.memref_slice %arg5[%rem3A_277, %dma_wait3A_282, %dma_wait3A_291] : memref<6x2x80xi32, #tpu.memory_space<vmem>> -> memref<1x1x80xi32, #tpu.memory_space<vmem>>
    %dma_wait3A_293 = tpu.memref_squeeze %dma_wait3A_292 : memref<1x1x80xi32, #tpu.memory_space<vmem>> -> memref<80xi32, #tpu.memory_space<vmem>>
    %dma_wait3A_294 = arith.constant 0 : i32
    %dma_wait3A_295 = tpu.memref_slice %arg3[%dma_wait3A, %add3A_274, %dma_wait3A_281, %dma_wait3A_294] : memref<2x4000x1x80xi32, #tpu.memory_space<hbm>> -> memref<1x1x1x80xi32, #tpu.memory_space<hbm>>
    %dma_wait3A_296 = tpu.memref_squeeze %dma_wait3A_295 : memref<1x1x1x80xi32, #tpu.memory_space<hbm>> -> memref<80xi32, #tpu.memory_space<hbm>>
    tpu.wait_dma2 semaphore(%dma_wait3A_290 : memref<!tpu.dma_semaphore, #tpu.memory_space<semaphore_mem>>) src(%dma_wait3A_296 : memref<80xi32, #tpu.memory_space<hbm>>) dst(%dma_wait3A_293 : memref<80xi32, #tpu.memory_space<vmem>>)
    %add3A_297 = arith.constant 0 : i32
    %add3A_298 = arith.addi %select_n3A, %add3A_297 : i32
    %rem3A_299 = arith.constant 0 : i32
    %rem3A_300 = arith.constant 6 : i32
    %rem3A_301 = arith.remsi %rem3A_299, %rem3A_300 : i32
    %rem3A_302 = arith.constant 0 : i32
    %rem3A_303 = arith.constant 6 : i32
    %rem3A_304 = arith.remsi %rem3A_302, %rem3A_303 : i32
    %dma_wait3A_305 = arith.constant 1 : i32
    %dma_wait3A_306 = arith.constant 0 : i32
    %dma_wait3A_307 = arith.constant 1 : i32
    %dma_wait3A_308 = arith.constant 0 : i32
    %dma_wait3A_309 = tpu.memref_slice %arg5[%rem3A_301, %dma_wait3A_307, %dma_wait3A_308] : memref<6x2x80xi32, #tpu.memory_space<vmem>> -> memref<1x1x80xi32, #tpu.memory_space<vmem>>
    %dma_wait3A_310 = tpu.memref_squeeze %dma_wait3A_309 : memref<1x1x80xi32, #tpu.memory_space<vmem>> -> memref<80xi32, #tpu.memory_space<vmem>>
    %dma_wait3A_311 = arith.constant 0 : i32
    %dma_wait3A_312 = tpu.memref_slice %arg3[%dma_wait3A_305, %add3A_298, %dma_wait3A_306, %dma_wait3A_311] : memref<2x4000x1x80xi32, #tpu.memory_space<hbm>> -> memref<1x1x1x80xi32, #tpu.memory_space<hbm>>
    %dma_wait3A_313 = tpu.memref_squeeze %dma_wait3A_312 : memref<1x1x1x80xi32, #tpu.memory_space<hbm>> -> memref<80xi32, #tpu.memory_space<hbm>>
    %dma_wait3A_314 = tpu.memref_slice %arg8[%rem3A_304] : memref<6x!tpu.dma_semaphore, #tpu.memory_space<semaphore_mem>> -> memref<1x!tpu.dma_semaphore, #tpu.memory_space<semaphore_mem>>
    %dma_wait3A_315 = tpu.memref_squeeze %dma_wait3A_314 : memref<1x!tpu.dma_semaphore, #tpu.memory_space<semaphore_mem>> -> memref<!tpu.dma_semaphore, #tpu.memory_space<semaphore_mem>>
    %dma_wait3A_316 = arith.constant 0 : i32
    %dma_wait3A_317 = tpu.memref_slice %arg5[%rem3A_301, %dma_wait3A_307, %dma_wait3A_316] : memref<6x2x80xi32, #tpu.memory_space<vmem>> -> memref<1x1x80xi32, #tpu.memory_space<vmem>>
    %dma_wait3A_318 = tpu.memref_squeeze %dma_wait3A_317 : memref<1x1x80xi32, #tpu.memory_space<vmem>> -> memref<80xi32, #tpu.memory_space<vmem>>
    %dma_wait3A_319 = arith.constant 0 : i32
    %dma_wait3A_320 = tpu.memref_slice %arg3[%dma_wait3A_305, %add3A_298, %dma_wait3A_306, %dma_wait3A_319] : memref<2x4000x1x80xi32, #tpu.memory_space<hbm>> -> memref<1x1x1x80xi32, #tpu.memory_space<hbm>>
    %dma_wait3A_321 = tpu.memref_squeeze %dma_wait3A_320 : memref<1x1x1x80xi32, #tpu.memory_space<hbm>> -> memref<80xi32, #tpu.memory_space<hbm>>
    tpu.wait_dma2 semaphore(%dma_wait3A_315 : memref<!tpu.dma_semaphore, #tpu.memory_space<semaphore_mem>>) src(%dma_wait3A_321 : memref<80xi32, #tpu.memory_space<hbm>>) dst(%dma_wait3A_318 : memref<80xi32, #tpu.memory_space<vmem>>)
    %rem3A_322 = arith.constant 0 : i32
    %rem3A_323 = arith.constant 6 : i32
    %rem3A_324 = arith.remsi %rem3A_322, %rem3A_323 : i32
    %dma_start3A_325 = arith.constant 0 : i32
    %dma_start3A_326 = arith.constant 0 : i32
    %dma_start3A_327 = arith.constant 0 : i32
    %dma_start3A_328 = arith.constant 0 : i32
    %dma_start3A_329 = arith.constant 0 : i32
    %dma_start3A_330 = tpu.memref_slice %arg6[%dma_start3A_326, %dma_start3A_328, %dma_start3A_329] : memref<4x80x128xf32, #tpu.memory_space<vmem>> -> memref<1x80x128xf32, #tpu.memory_space<vmem>>
    %dma_start3A_331 = tpu.memref_squeeze %dma_start3A_330 : memref<1x80x128xf32, #tpu.memory_space<vmem>> -> memref<80x128xf32, #tpu.memory_space<vmem>>
    %dma_start3A_332 = arith.constant 0 : i32
    %dma_start3A_333 = tpu.memref_slice %arg5[%rem3A_324, %dma_start3A_325, %dma_start3A_332] : memref<6x2x80xi32, #tpu.memory_space<vmem>> -> memref<1x1x80xi32, #tpu.memory_space<vmem>>
    %dma_start3A_334 = tpu.memref_squeeze %dma_start3A_333 : memref<1x1x80xi32, #tpu.memory_space<vmem>> -> memref<80xi32, #tpu.memory_space<vmem>>
    %dma_start3A_335 = arith.constant 0 : i32
    %dma_start3A_336 = arith.constant 0 : i32
    %dma_start3A_337 = tpu.memref_slice %arg2[%dma_start3A_335, %dma_start3A_336] : memref<10000x128xf32, #tpu.memory_space<hbm>> -> memref<10000x128xf32, #tpu.memory_space<hbm>>
    %dma_start3A_338 = tpu.memref_slice %arg9[%dma_start3A_327] : memref<4x!tpu.dma_semaphore, #tpu.memory_space<semaphore_mem>> -> memref<1x!tpu.dma_semaphore, #tpu.memory_space<semaphore_mem>>
    %dma_start3A_339 = tpu.memref_squeeze %dma_start3A_338 : memref<1x!tpu.dma_semaphore, #tpu.memory_space<semaphore_mem>> -> memref<!tpu.dma_semaphore, #tpu.memory_space<semaphore_mem>>
    tpu.enqueue_indirect_dma source(%dma_start3A_337 : memref<10000x128xf32, #tpu.memory_space<hbm>>) target(%dma_start3A_331 : memref<80x128xf32, #tpu.memory_space<vmem>>) offsets(%dma_start3A_334 : memref<80xi32, #tpu.memory_space<vmem>>) semaphore(%dma_start3A_339 : memref<!tpu.dma_semaphore, #tpu.memory_space<semaphore_mem>>)
    %add3A_340 = arith.constant 1 : i32
    %add3A_341 = arith.addi %select_n3A, %add3A_340 : i32
    %rem3A_342 = arith.constant 1 : i32
    %rem3A_343 = arith.constant 6 : i32
    %rem3A_344 = arith.remsi %rem3A_342, %rem3A_343 : i32
    %rem3A_345 = arith.constant 1 : i32
    %rem3A_346 = arith.constant 6 : i32
    %rem3A_347 = arith.remsi %rem3A_345, %rem3A_346 : i32
    %dma_wait3A_348 = arith.constant 0 : i32
    %dma_wait3A_349 = arith.constant 0 : i32
    %dma_wait3A_350 = arith.constant 0 : i32
    %dma_wait3A_351 = arith.constant 0 : i32
    %dma_wait3A_352 = tpu.memref_slice %arg5[%rem3A_344, %dma_wait3A_350, %dma_wait3A_351] : memref<6x2x80xi32, #tpu.memory_space<vmem>> -> memref<1x1x80xi32, #tpu.memory_space<vmem>>
    %dma_wait3A_353 = tpu.memref_squeeze %dma_wait3A_352 : memref<1x1x80xi32, #tpu.memory_space<vmem>> -> memref<80xi32, #tpu.memory_space<vmem>>
    %dma_wait3A_354 = arith.constant 0 : i32
    %dma_wait3A_355 = tpu.memref_slice %arg3[%dma_wait3A_348, %add3A_341, %dma_wait3A_349, %dma_wait3A_354] : memref<2x4000x1x80xi32, #tpu.memory_space<hbm>> -> memref<1x1x1x80xi32, #tpu.memory_space<hbm>>
    %dma_wait3A_356 = tpu.memref_squeeze %dma_wait3A_355 : memref<1x1x1x80xi32, #tpu.memory_space<hbm>> -> memref<80xi32, #tpu.memory_space<hbm>>
    %dma_wait3A_357 = tpu.memref_slice %arg8[%rem3A_347] : memref<6x!tpu.dma_semaphore, #tpu.memory_space<semaphore_mem>> -> memref<1x!tpu.dma_semaphore, #tpu.memory_space<semaphore_mem>>
    %dma_wait3A_358 = tpu.memref_squeeze %dma_wait3A_357 : memref<1x!tpu.dma_semaphore, #tpu.memory_space<semaphore_mem>> -> memref<!tpu.dma_semaphore, #tpu.memory_space<semaphore_mem>>
    %dma_wait3A_359 = arith.constant 0 : i32
    %dma_wait3A_360 = tpu.memref_slice %arg5[%rem3A_344, %dma_wait3A_350, %dma_wait3A_359] : memref<6x2x80xi32, #tpu.memory_space<vmem>> -> memref<1x1x80xi32, #tpu.memory_space<vmem>>
    %dma_wait3A_361 = tpu.memref_squeeze %dma_wait3A_360 : memref<1x1x80xi32, #tpu.memory_space<vmem>> -> memref<80xi32, #tpu.memory_space<vmem>>
    %dma_wait3A_362 = arith.constant 0 : i32
    %dma_wait3A_363 = tpu.memref_slice %arg3[%dma_wait3A_348, %add3A_341, %dma_wait3A_349, %dma_wait3A_362] : memref<2x4000x1x80xi32, #tpu.memory_space<hbm>> -> memref<1x1x1x80xi32, #tpu.memory_space<hbm>>
    %dma_wait3A_364 = tpu.memref_squeeze %dma_wait3A_363 : memref<1x1x1x80xi32, #tpu.memory_space<hbm>> -> memref<80xi32, #tpu.memory_space<hbm>>
    tpu.wait_dma2 semaphore(%dma_wait3A_358 : memref<!tpu.dma_semaphore, #tpu.memory_space<semaphore_mem>>) src(%dma_wait3A_364 : memref<80xi32, #tpu.memory_space<hbm>>) dst(%dma_wait3A_361 : memref<80xi32, #tpu.memory_space<vmem>>)
    %add3A_365 = arith.constant 1 : i32
    %add3A_366 = arith.addi %select_n3A, %add3A_365 : i32
    %rem3A_367 = arith.constant 1 : i32
    %rem3A_368 = arith.constant 6 : i32
    %rem3A_369 = arith.remsi %rem3A_367, %rem3A_368 : i32
    %rem3A_370 = arith.constant 1 : i32
    %rem3A_371 = arith.constant 6 : i32
    %rem3A_372 = arith.remsi %rem3A_370, %rem3A_371 : i32
    %dma_wait3A_373 = arith.constant 1 : i32
    %dma_wait3A_374 = arith.constant 0 : i32
    %dma_wait3A_375 = arith.constant 1 : i32
    %dma_wait3A_376 = arith.constant 0 : i32
    %dma_wait3A_377 = tpu.memref_slice %arg5[%rem3A_369, %dma_wait3A_375, %dma_wait3A_376] : memref<6x2x80xi32, #tpu.memory_space<vmem>> -> memref<1x1x80xi32, #tpu.memory_space<vmem>>
    %dma_wait3A_378 = tpu.memref_squeeze %dma_wait3A_377 : memref<1x1x80xi32, #tpu.memory_space<vmem>> -> memref<80xi32, #tpu.memory_space<vmem>>
    %dma_wait3A_379 = arith.constant 0 : i32
    %dma_wait3A_380 = tpu.memref_slice %arg3[%dma_wait3A_373, %add3A_366, %dma_wait3A_374, %dma_wait3A_379] : memref<2x4000x1x80xi32, #tpu.memory_space<hbm>> -> memref<1x1x1x80xi32, #tpu.memory_space<hbm>>
    %dma_wait3A_381 = tpu.memref_squeeze %dma_wait3A_380 : memref<1x1x1x80xi32, #tpu.memory_space<hbm>> -> memref<80xi32, #tpu.memory_space<hbm>>
    %dma_wait3A_382 = tpu.memref_slice %arg8[%rem3A_372] : memref<6x!tpu.dma_semaphore, #tpu.memory_space<semaphore_mem>> -> memref<1x!tpu.dma_semaphore, #tpu.memory_space<semaphore_mem>>
    %dma_wait3A_383 = tpu.memref_squeeze %dma_wait3A_382 : memref<1x!tpu.dma_semaphore, #tpu.memory_space<semaphore_mem>> -> memref<!tpu.dma_semaphore, #tpu.memory_space<semaphore_mem>>
    %dma_wait3A_384 = arith.constant 0 : i32
    %dma_wait3A_385 = tpu.memref_slice %arg5[%rem3A_369, %dma_wait3A_375, %dma_wait3A_384] : memref<6x2x80xi32, #tpu.memory_space<vmem>> -> memref<1x1x80xi32, #tpu.memory_space<vmem>>
    %dma_wait3A_386 = tpu.memref_squeeze %dma_wait3A_385 : memref<1x1x80xi32, #tpu.memory_space<vmem>> -> memref<80xi32, #tpu.memory_space<vmem>>
    %dma_wait3A_387 = arith.constant 0 : i32
    %dma_wait3A_388 = tpu.memref_slice %arg3[%dma_wait3A_373, %add3A_366, %dma_wait3A_374, %dma_wait3A_387] : memref<2x4000x1x80xi32, #tpu.memory_space<hbm>> -> memref<1x1x1x80xi32, #tpu.memory_space<hbm>>
    %dma_wait3A_389 = tpu.memref_squeeze %dma_wait3A_388 : memref<1x1x1x80xi32, #tpu.memory_space<hbm>> -> memref<80xi32, #tpu.memory_space<hbm>>
    tpu.wait_dma2 semaphore(%dma_wait3A_383 : memref<!tpu.dma_semaphore, #tpu.memory_space<semaphore_mem>>) src(%dma_wait3A_389 : memref<80xi32, #tpu.memory_space<hbm>>) dst(%dma_wait3A_386 : memref<80xi32, #tpu.memory_space<vmem>>)
    %rem3A_390 = arith.constant 1 : i32
    %rem3A_391 = arith.constant 6 : i32
    %rem3A_392 = arith.remsi %rem3A_390, %rem3A_391 : i32
    %dma_start3A_393 = arith.constant 0 : i32
    %dma_start3A_394 = arith.constant 1 : i32
    %dma_start3A_395 = arith.constant 1 : i32
    %dma_start3A_396 = arith.constant 0 : i32
    %dma_start3A_397 = arith.constant 0 : i32
    %dma_start3A_398 = tpu.memref_slice %arg6[%dma_start3A_394, %dma_start3A_396, %dma_start3A_397] : memref<4x80x128xf32, #tpu.memory_space<vmem>> -> memref<1x80x128xf32, #tpu.memory_space<vmem>>
    %dma_start3A_399 = tpu.memref_squeeze %dma_start3A_398 : memref<1x80x128xf32, #tpu.memory_space<vmem>> -> memref<80x128xf32, #tpu.memory_space<vmem>>
    %dma_start3A_400 = arith.constant 0 : i32
    %dma_start3A_401 = tpu.memref_slice %arg5[%rem3A_392, %dma_start3A_393, %dma_start3A_400] : memref<6x2x80xi32, #tpu.memory_space<vmem>> -> memref<1x1x80xi32, #tpu.memory_space<vmem>>
    %dma_start3A_402 = tpu.memref_squeeze %dma_start3A_401 : memref<1x1x80xi32, #tpu.memory_space<vmem>> -> memref<80xi32, #tpu.memory_space<vmem>>
    %dma_start3A_403 = arith.constant 0 : i32
    %dma_start3A_404 = arith.constant 0 : i32
    %dma_start3A_405 = tpu.memref_slice %arg2[%dma_start3A_403, %dma_start3A_404] : memref<10000x128xf32, #tpu.memory_space<hbm>> -> memref<10000x128xf32, #tpu.memory_space<hbm>>
    %dma_start3A_406 = tpu.memref_slice %arg9[%dma_start3A_395] : memref<4x!tpu.dma_semaphore, #tpu.memory_space<semaphore_mem>> -> memref<1x!tpu.dma_semaphore, #tpu.memory_space<semaphore_mem>>
    %dma_start3A_407 = tpu.memref_squeeze %dma_start3A_406 : memref<1x!tpu.dma_semaphore, #tpu.memory_space<semaphore_mem>> -> memref<!tpu.dma_semaphore, #tpu.memory_space<semaphore_mem>>
    tpu.enqueue_indirect_dma source(%dma_start3A_405 : memref<10000x128xf32, #tpu.memory_space<hbm>>) target(%dma_start3A_399 : memref<80x128xf32, #tpu.memory_space<vmem>>) offsets(%dma_start3A_402 : memref<80xi32, #tpu.memory_space<vmem>>) semaphore(%dma_start3A_407 : memref<!tpu.dma_semaphore, #tpu.memory_space<semaphore_mem>>)
    %add3A_408 = arith.constant 2 : i32
    %add3A_409 = arith.addi %select_n3A, %add3A_408 : i32
    %rem3A_410 = arith.constant 2 : i32
    %rem3A_411 = arith.constant 6 : i32
    %rem3A_412 = arith.remsi %rem3A_410, %rem3A_411 : i32
    %rem3A_413 = arith.constant 2 : i32
    %rem3A_414 = arith.constant 6 : i32
    %rem3A_415 = arith.remsi %rem3A_413, %rem3A_414 : i32
    %dma_wait3A_416 = arith.constant 0 : i32
    %dma_wait3A_417 = arith.constant 0 : i32
    %dma_wait3A_418 = arith.constant 0 : i32
    %dma_wait3A_419 = arith.constant 0 : i32
    %dma_wait3A_420 = tpu.memref_slice %arg5[%rem3A_412, %dma_wait3A_418, %dma_wait3A_419] : memref<6x2x80xi32, #tpu.memory_space<vmem>> -> memref<1x1x80xi32, #tpu.memory_space<vmem>>
    %dma_wait3A_421 = tpu.memref_squeeze %dma_wait3A_420 : memref<1x1x80xi32, #tpu.memory_space<vmem>> -> memref<80xi32, #tpu.memory_space<vmem>>
    %dma_wait3A_422 = arith.constant 0 : i32
    %dma_wait3A_423 = tpu.memref_slice %arg3[%dma_wait3A_416, %add3A_409, %dma_wait3A_417, %dma_wait3A_422] : memref<2x4000x1x80xi32, #tpu.memory_space<hbm>> -> memref<1x1x1x80xi32, #tpu.memory_space<hbm>>
    %dma_wait3A_424 = tpu.memref_squeeze %dma_wait3A_423 : memref<1x1x1x80xi32, #tpu.memory_space<hbm>> -> memref<80xi32, #tpu.memory_space<hbm>>
    %dma_wait3A_425 = tpu.memref_slice %arg8[%rem3A_415] : memref<6x!tpu.dma_semaphore, #tpu.memory_space<semaphore_mem>> -> memref<1x!tpu.dma_semaphore, #tpu.memory_space<semaphore_mem>>
    %dma_wait3A_426 = tpu.memref_squeeze %dma_wait3A_425 : memref<1x!tpu.dma_semaphore, #tpu.memory_space<semaphore_mem>> -> memref<!tpu.dma_semaphore, #tpu.memory_space<semaphore_mem>>
    %dma_wait3A_427 = arith.constant 0 : i32
    %dma_wait3A_428 = tpu.memref_slice %arg5[%rem3A_412, %dma_wait3A_418, %dma_wait3A_427] : memref<6x2x80xi32, #tpu.memory_space<vmem>> -> memref<1x1x80xi32, #tpu.memory_space<vmem>>
    %dma_wait3A_429 = tpu.memref_squeeze %dma_wait3A_428 : memref<1x1x80xi32, #tpu.memory_space<vmem>> -> memref<80xi32, #tpu.memory_space<vmem>>
    %dma_wait3A_430 = arith.constant 0 : i32
    %dma_wait3A_431 = tpu.memref_slice %arg3[%dma_wait3A_416, %add3A_409, %dma_wait3A_417, %dma_wait3A_430] : memref<2x4000x1x80xi32, #tpu.memory_space<hbm>> -> memref<1x1x1x80xi32, #tpu.memory_space<hbm>>
    %dma_wait3A_432 = tpu.memref_squeeze %dma_wait3A_431 : memref<1x1x1x80xi32, #tpu.memory_space<hbm>> -> memref<80xi32, #tpu.memory_space<hbm>>
    tpu.wait_dma2 semaphore(%dma_wait3A_426 : memref<!tpu.dma_semaphore, #tpu.memory_space<semaphore_mem>>) src(%dma_wait3A_432 : memref<80xi32, #tpu.memory_space<hbm>>) dst(%dma_wait3A_429 : memref<80xi32, #tpu.memory_space<vmem>>)
    %add3A_433 = arith.constant 2 : i32
    %add3A_434 = arith.addi %select_n3A, %add3A_433 : i32
    %rem3A_435 = arith.constant 2 : i32
    %rem3A_436 = arith.constant 6 : i32
    %rem3A_437 = arith.remsi %rem3A_435, %rem3A_436 : i32
    %rem3A_438 = arith.constant 2 : i32
    %rem3A_439 = arith.constant 6 : i32
    %rem3A_440 = arith.remsi %rem3A_438, %rem3A_439 : i32
    %dma_wait3A_441 = arith.constant 1 : i32
    %dma_wait3A_442 = arith.constant 0 : i32
    %dma_wait3A_443 = arith.constant 1 : i32
    %dma_wait3A_444 = arith.constant 0 : i32
    %dma_wait3A_445 = tpu.memref_slice %arg5[%rem3A_437, %dma_wait3A_443, %dma_wait3A_444] : memref<6x2x80xi32, #tpu.memory_space<vmem>> -> memref<1x1x80xi32, #tpu.memory_space<vmem>>
    %dma_wait3A_446 = tpu.memref_squeeze %dma_wait3A_445 : memref<1x1x80xi32, #tpu.memory_space<vmem>> -> memref<80xi32, #tpu.memory_space<vmem>>
    %dma_wait3A_447 = arith.constant 0 : i32
    %dma_wait3A_448 = tpu.memref_slice %arg3[%dma_wait3A_441, %add3A_434, %dma_wait3A_442, %dma_wait3A_447] : memref<2x4000x1x80xi32, #tpu.memory_space<hbm>> -> memref<1x1x1x80xi32, #tpu.memory_space<hbm>>
    %dma_wait3A_449 = tpu.memref_squeeze %dma_wait3A_448 : memref<1x1x1x80xi32, #tpu.memory_space<hbm>> -> memref<80xi32, #tpu.memory_space<hbm>>
    %dma_wait3A_450 = tpu.memref_slice %arg8[%rem3A_440] : memref<6x!tpu.dma_semaphore, #tpu.memory_space<semaphore_mem>> -> memref<1x!tpu.dma_semaphore, #tpu.memory_space<semaphore_mem>>
    %dma_wait3A_451 = tpu.memref_squeeze %dma_wait3A_450 : memref<1x!tpu.dma_semaphore, #tpu.memory_space<semaphore_mem>> -> memref<!tpu.dma_semaphore, #tpu.memory_space<semaphore_mem>>
    %dma_wait3A_452 = arith.constant 0 : i32
    %dma_wait3A_453 = tpu.memref_slice %arg5[%rem3A_437, %dma_wait3A_443, %dma_wait3A_452] : memref<6x2x80xi32, #tpu.memory_space<vmem>> -> memref<1x1x80xi32, #tpu.memory_space<vmem>>
    %dma_wait3A_454 = tpu.memref_squeeze %dma_wait3A_453 : memref<1x1x80xi32, #tpu.memory_space<vmem>> -> memref<80xi32, #tpu.memory_space<vmem>>
    %dma_wait3A_455 = arith.constant 0 : i32
    %dma_wait3A_456 = tpu.memref_slice %arg3[%dma_wait3A_441, %add3A_434, %dma_wait3A_442, %dma_wait3A_455] : memref<2x4000x1x80xi32, #tpu.memory_space<hbm>> -> memref<1x1x1x80xi32, #tpu.memory_space<hbm>>
    %dma_wait3A_457 = tpu.memref_squeeze %dma_wait3A_456 : memref<1x1x1x80xi32, #tpu.memory_space<hbm>> -> memref<80xi32, #tpu.memory_space<hbm>>
    tpu.wait_dma2 semaphore(%dma_wait3A_451 : memref<!tpu.dma_semaphore, #tpu.memory_space<semaphore_mem>>) src(%dma_wait3A_457 : memref<80xi32, #tpu.memory_space<hbm>>) dst(%dma_wait3A_454 : memref<80xi32, #tpu.memory_space<vmem>>)
    %rem3A_458 = arith.constant 2 : i32
    %rem3A_459 = arith.constant 6 : i32
    %rem3A_460 = arith.remsi %rem3A_458, %rem3A_459 : i32
    %dma_start3A_461 = arith.constant 0 : i32
    %dma_start3A_462 = arith.constant 2 : i32
    %dma_start3A_463 = arith.constant 2 : i32
    %dma_start3A_464 = arith.constant 0 : i32
    %dma_start3A_465 = arith.constant 0 : i32
    %dma_start3A_466 = tpu.memref_slice %arg6[%dma_start3A_462, %dma_start3A_464, %dma_start3A_465] : memref<4x80x128xf32, #tpu.memory_space<vmem>> -> memref<1x80x128xf32, #tpu.memory_space<vmem>>
    %dma_start3A_467 = tpu.memref_squeeze %dma_start3A_466 : memref<1x80x128xf32, #tpu.memory_space<vmem>> -> memref<80x128xf32, #tpu.memory_space<vmem>>
    %dma_start3A_468 = arith.constant 0 : i32
    %dma_start3A_469 = tpu.memref_slice %arg5[%rem3A_460, %dma_start3A_461, %dma_start3A_468] : memref<6x2x80xi32, #tpu.memory_space<vmem>> -> memref<1x1x80xi32, #tpu.memory_space<vmem>>
    %dma_start3A_470 = tpu.memref_squeeze %dma_start3A_469 : memref<1x1x80xi32, #tpu.memory_space<vmem>> -> memref<80xi32, #tpu.memory_space<vmem>>
    %dma_start3A_471 = arith.constant 0 : i32
    %dma_start3A_472 = arith.constant 0 : i32
    %dma_start3A_473 = tpu.memref_slice %arg2[%dma_start3A_471, %dma_start3A_472] : memref<10000x128xf32, #tpu.memory_space<hbm>> -> memref<10000x128xf32, #tpu.memory_space<hbm>>
    %dma_start3A_474 = tpu.memref_slice %arg9[%dma_start3A_463] : memref<4x!tpu.dma_semaphore, #tpu.memory_space<semaphore_mem>> -> memref<1x!tpu.dma_semaphore, #tpu.memory_space<semaphore_mem>>
    %dma_start3A_475 = tpu.memref_squeeze %dma_start3A_474 : memref<1x!tpu.dma_semaphore, #tpu.memory_space<semaphore_mem>> -> memref<!tpu.dma_semaphore, #tpu.memory_space<semaphore_mem>>
    tpu.enqueue_indirect_dma source(%dma_start3A_473 : memref<10000x128xf32, #tpu.memory_space<hbm>>) target(%dma_start3A_467 : memref<80x128xf32, #tpu.memory_space<vmem>>) offsets(%dma_start3A_470 : memref<80xi32, #tpu.memory_space<vmem>>) semaphore(%dma_start3A_475 : memref<!tpu.dma_semaphore, #tpu.memory_space<semaphore_mem>>)
    %while3A = arith.constant 0 : i32
    %while3A_476 = arith.subi %select_n3A_8, %while3A : i32
    %while3A_477 = arith.addi %while3A, %while3A_476 : i32
    %while3A_478 = arith.constant 1 : i32
    %while3A_479 = arith.divsi %while3A_476, %while3A_478 : i32
    %while3A_480 = arith.muli %while3A_479, %while3A_478 : i32
    %while3A_481 = arith.addi %while3A, %while3A_480 : i32
    %while3A_482 = arith.constant 1 : i32
    scf.for %while3A_505 = %while3A to %while3A_481 step %while3A_482  : i32 {
      %rem3A_506 = arith.constant 4 : i32
      %rem3A_507 = arith.remsi %while3A_505, %rem3A_506 : i32
      %gt3A = arith.constant 0 : i32
      %gt3A_508 = arith.cmpi sgt, %while3A_505, %gt3A : i32
      %convert_element_type3A = arith.extui %gt3A_508 : i1 to i32
      %cond3A = arith.constant 0 : i32
      %cond3A_509 = arith.cmpi ne, %convert_element_type3A, %cond3A : i32
      scf.if %cond3A_509 {
        %sub3A_555 = arith.constant 1 : i32
        %sub3A_556 = arith.subi %while3A_505, %sub3A_555 : i32
        %sub3A_557 = arith.constant 1 : i32
        %sub3A_558 = arith.subi %while3A_505, %sub3A_557 : i32
        %rem3A_559 = arith.constant 4 : i32
        %rem3A_560 = arith.remsi %sub3A_558, %rem3A_559 : i32
        %rem3A_561 = arith.constant 6 : i32
        %rem3A_562 = arith.remsi %sub3A_556, %rem3A_561 : i32
        %dma_wait3A_563 = arith.constant 1 : i32
        %dma_wait3A_564 = arith.constant 0 : i32
        %dma_wait3A_565 = arith.constant 0 : i32
        %dma_wait3A_566 = tpu.memref_slice %arg6[%rem3A_560, %dma_wait3A_564, %dma_wait3A_565] : memref<4x80x128xf32, #tpu.memory_space<vmem>> -> memref<1x80x128xf32, #tpu.memory_space<vmem>>
        %dma_wait3A_567 = tpu.memref_squeeze %dma_wait3A_566 : memref<1x80x128xf32, #tpu.memory_space<vmem>> -> memref<80x128xf32, #tpu.memory_space<vmem>>
        %dma_wait3A_568 = arith.constant 0 : i32
        %dma_wait3A_569 = tpu.memref_slice %arg5[%rem3A_562, %dma_wait3A_563, %dma_wait3A_568] : memref<6x2x80xi32, #tpu.memory_space<vmem>> -> memref<1x1x80xi32, #tpu.memory_space<vmem>>
        %dma_wait3A_570 = tpu.memref_squeeze %dma_wait3A_569 : memref<1x1x80xi32, #tpu.memory_space<vmem>> -> memref<80xi32, #tpu.memory_space<vmem>>
        %dma_wait3A_571 = arith.constant 0 : i32
        %dma_wait3A_572 = arith.constant 0 : i32
        %dma_wait3A_573 = tpu.memref_slice %arg7[%dma_wait3A_571, %dma_wait3A_572] : memref<10240x128xf32, #tpu.memory_space<vmem_shared>> -> memref<10240x128xf32, #tpu.memory_space<vmem_shared>>
        %dma_wait3A_574 = tpu.memref_slice %arg10[%rem3A_560] : memref<4x!tpu.dma_semaphore, #tpu.memory_space<semaphore_mem>> -> memref<1x!tpu.dma_semaphore, #tpu.memory_space<semaphore_mem>>
        %dma_wait3A_575 = tpu.memref_squeeze %dma_wait3A_574 : memref<1x!tpu.dma_semaphore, #tpu.memory_space<semaphore_mem>> -> memref<!tpu.dma_semaphore, #tpu.memory_space<semaphore_mem>>
        tpu.wait_indirect_dma semaphore(%dma_wait3A_575 : memref<!tpu.dma_semaphore, #tpu.memory_space<semaphore_mem>>) src(%dma_wait3A_567 : memref<80x128xf32, #tpu.memory_space<vmem>>) dst(%dma_wait3A_573 : memref<10240x128xf32, #tpu.memory_space<vmem_shared>>)
      } else {
      }
      %add3A_510 = arith.constant 6 : i32
      %add3A_511 = arith.addi %while3A_505, %add3A_510 : i32
      %sub3A_512 = arith.constant 1 : i32
      %sub3A_513 = arith.subi %add3A_511, %sub3A_512 : i32
      %lt3A = arith.cmpi slt, %sub3A_513, %select_n3A_8 : i32
      %convert_element_type3A_514 = arith.extui %lt3A : i1 to i32
      %cond3A_515 = arith.constant 0 : i32
      %cond3A_516 = arith.cmpi ne, %convert_element_type3A_514, %cond3A_515 : i32
      scf.if %cond3A_516 {
        %add3A_555 = arith.constant 6 : i32
        %add3A_556 = arith.addi %while3A_505, %add3A_555 : i32
        %sub3A_557 = arith.constant 1 : i32
        %sub3A_558 = arith.subi %add3A_556, %sub3A_557 : i32
        %add3A_559 = arith.addi %select_n3A, %sub3A_558 : i32
        %rem3A_560 = arith.constant 6 : i32
        %rem3A_561 = arith.remsi %sub3A_558, %rem3A_560 : i32
        %rem3A_562 = arith.constant 6 : i32
        %rem3A_563 = arith.remsi %sub3A_558, %rem3A_562 : i32
        %dma_start3A_564 = arith.constant 0 : i32
        %dma_start3A_565 = arith.constant 0 : i32
        %dma_start3A_566 = arith.constant 0 : i32
        %dma_start3A_567 = arith.constant 0 : i32
        %dma_start3A_568 = tpu.memref_slice %arg5[%rem3A_561, %dma_start3A_566, %dma_start3A_567] : memref<6x2x80xi32, #tpu.memory_space<vmem>> -> memref<1x1x80xi32, #tpu.memory_space<vmem>>
        %dma_start3A_569 = tpu.memref_squeeze %dma_start3A_568 : memref<1x1x80xi32, #tpu.memory_space<vmem>> -> memref<80xi32, #tpu.memory_space<vmem>>
        %dma_start3A_570 = arith.constant 0 : i32
        %dma_start3A_571 = tpu.memref_slice %arg3[%dma_start3A_564, %add3A_559, %dma_start3A_565, %dma_start3A_570] : memref<2x4000x1x80xi32, #tpu.memory_space<hbm>> -> memref<1x1x1x80xi32, #tpu.memory_space<hbm>>
        %dma_start3A_572 = tpu.memref_squeeze %dma_start3A_571 : memref<1x1x1x80xi32, #tpu.memory_space<hbm>> -> memref<80xi32, #tpu.memory_space<hbm>>
        %dma_start3A_573 = tpu.memref_slice %arg8[%rem3A_563] : memref<6x!tpu.dma_semaphore, #tpu.memory_space<semaphore_mem>> -> memref<1x!tpu.dma_semaphore, #tpu.memory_space<semaphore_mem>>
        %dma_start3A_574 = tpu.memref_squeeze %dma_start3A_573 : memref<1x!tpu.dma_semaphore, #tpu.memory_space<semaphore_mem>> -> memref<!tpu.dma_semaphore, #tpu.memory_space<semaphore_mem>>
        %dma_start3A_575 = arith.constant 0 : i32
        %dma_start3A_576 = tpu.memref_slice %arg5[%rem3A_561, %dma_start3A_566, %dma_start3A_575] : memref<6x2x80xi32, #tpu.memory_space<vmem>> -> memref<1x1x80xi32, #tpu.memory_space<vmem>>
        %dma_start3A_577 = tpu.memref_squeeze %dma_start3A_576 : memref<1x1x80xi32, #tpu.memory_space<vmem>> -> memref<80xi32, #tpu.memory_space<vmem>>
        %dma_start3A_578 = arith.constant 0 : i32
        %dma_start3A_579 = tpu.memref_slice %arg3[%dma_start3A_564, %add3A_559, %dma_start3A_565, %dma_start3A_578] : memref<2x4000x1x80xi32, #tpu.memory_space<hbm>> -> memref<1x1x1x80xi32, #tpu.memory_space<hbm>>
        %dma_start3A_580 = tpu.memref_squeeze %dma_start3A_579 : memref<1x1x1x80xi32, #tpu.memory_space<hbm>> -> memref<80xi32, #tpu.memory_space<hbm>>
        tpu.enqueue_dma source(%dma_start3A_580 : memref<80xi32, #tpu.memory_space<hbm>>) target(%dma_start3A_577 : memref<80xi32, #tpu.memory_space<vmem>>) target_semaphore(%dma_start3A_574 : memref<!tpu.dma_semaphore, #tpu.memory_space<semaphore_mem>>)
        %add3A_581 = arith.addi %select_n3A, %sub3A_558 : i32
        %rem3A_582 = arith.constant 6 : i32
        %rem3A_583 = arith.remsi %sub3A_558, %rem3A_582 : i32
        %rem3A_584 = arith.constant 6 : i32
        %rem3A_585 = arith.remsi %sub3A_558, %rem3A_584 : i32
        %dma_start3A_586 = arith.constant 1 : i32
        %dma_start3A_587 = arith.constant 0 : i32
        %dma_start3A_588 = arith.constant 1 : i32
        %dma_start3A_589 = arith.constant 0 : i32
        %dma_start3A_590 = tpu.memref_slice %arg5[%rem3A_583, %dma_start3A_588, %dma_start3A_589] : memref<6x2x80xi32, #tpu.memory_space<vmem>> -> memref<1x1x80xi32, #tpu.memory_space<vmem>>
        %dma_start3A_591 = tpu.memref_squeeze %dma_start3A_590 : memref<1x1x80xi32, #tpu.memory_space<vmem>> -> memref<80xi32, #tpu.memory_space<vmem>>
        %dma_start3A_592 = arith.constant 0 : i32
        %dma_start3A_593 = tpu.memref_slice %arg3[%dma_start3A_586, %add3A_581, %dma_start3A_587, %dma_start3A_592] : memref<2x4000x1x80xi32, #tpu.memory_space<hbm>> -> memref<1x1x1x80xi32, #tpu.memory_space<hbm>>
        %dma_start3A_594 = tpu.memref_squeeze %dma_start3A_593 : memref<1x1x1x80xi32, #tpu.memory_space<hbm>> -> memref<80xi32, #tpu.memory_space<hbm>>
        %dma_start3A_595 = tpu.memref_slice %arg8[%rem3A_585] : memref<6x!tpu.dma_semaphore, #tpu.memory_space<semaphore_mem>> -> memref<1x!tpu.dma_semaphore, #tpu.memory_space<semaphore_mem>>
        %dma_start3A_596 = tpu.memref_squeeze %dma_start3A_595 : memref<1x!tpu.dma_semaphore, #tpu.memory_space<semaphore_mem>> -> memref<!tpu.dma_semaphore, #tpu.memory_space<semaphore_mem>>
        %dma_start3A_597 = arith.constant 0 : i32
        %dma_start3A_598 = tpu.memref_slice %arg5[%rem3A_583, %dma_start3A_588, %dma_start3A_597] : memref<6x2x80xi32, #tpu.memory_space<vmem>> -> memref<1x1x80xi32, #tpu.memory_space<vmem>>
        %dma_start3A_599 = tpu.memref_squeeze %dma_start3A_598 : memref<1x1x80xi32, #tpu.memory_space<vmem>> -> memref<80xi32, #tpu.memory_space<vmem>>
        %dma_start3A_600 = arith.constant 0 : i32
        %dma_start3A_601 = tpu.memref_slice %arg3[%dma_start3A_586, %add3A_581, %dma_start3A_587, %dma_start3A_600] : memref<2x4000x1x80xi32, #tpu.memory_space<hbm>> -> memref<1x1x1x80xi32, #tpu.memory_space<hbm>>
        %dma_start3A_602 = tpu.memref_squeeze %dma_start3A_601 : memref<1x1x1x80xi32, #tpu.memory_space<hbm>> -> memref<80xi32, #tpu.memory_space<hbm>>
        tpu.enqueue_dma source(%dma_start3A_602 : memref<80xi32, #tpu.memory_space<hbm>>) target(%dma_start3A_599 : memref<80xi32, #tpu.memory_space<vmem>>) target_semaphore(%dma_start3A_596 : memref<!tpu.dma_semaphore, #tpu.memory_space<semaphore_mem>>)
      } else {
      }
      %add3A_517 = arith.constant 4 : i32
      %add3A_518 = arith.addi %while3A_505, %add3A_517 : i32
      %sub3A_519 = arith.constant 1 : i32
      %sub3A_520 = arith.subi %add3A_518, %sub3A_519 : i32
      %lt3A_521 = arith.cmpi slt, %sub3A_520, %select_n3A_8 : i32
      %convert_element_type3A_522 = arith.extui %lt3A_521 : i1 to i32
      %cond3A_523 = arith.constant 0 : i32
      %cond3A_524 = arith.cmpi ne, %convert_element_type3A_522, %cond3A_523 : i32
      scf.if %cond3A_524 {
        %add3A_555 = arith.constant 4 : i32
        %add3A_556 = arith.addi %while3A_505, %add3A_555 : i32
        %sub3A_557 = arith.constant 1 : i32
        %sub3A_558 = arith.subi %add3A_556, %sub3A_557 : i32
        %add3A_559 = arith.addi %select_n3A, %sub3A_558 : i32
        %rem3A_560 = arith.constant 6 : i32
        %rem3A_561 = arith.remsi %sub3A_558, %rem3A_560 : i32
        %rem3A_562 = arith.constant 6 : i32
        %rem3A_563 = arith.remsi %sub3A_558, %rem3A_562 : i32
        %dma_wait3A_564 = arith.constant 0 : i32
        %dma_wait3A_565 = arith.constant 0 : i32
        %dma_wait3A_566 = arith.constant 0 : i32
        %dma_wait3A_567 = arith.constant 0 : i32
        %dma_wait3A_568 = tpu.memref_slice %arg5[%rem3A_561, %dma_wait3A_566, %dma_wait3A_567] : memref<6x2x80xi32, #tpu.memory_space<vmem>> -> memref<1x1x80xi32, #tpu.memory_space<vmem>>
        %dma_wait3A_569 = tpu.memref_squeeze %dma_wait3A_568 : memref<1x1x80xi32, #tpu.memory_space<vmem>> -> memref<80xi32, #tpu.memory_space<vmem>>
        %dma_wait3A_570 = arith.constant 0 : i32
        %dma_wait3A_571 = tpu.memref_slice %arg3[%dma_wait3A_564, %add3A_559, %dma_wait3A_565, %dma_wait3A_570] : memref<2x4000x1x80xi32, #tpu.memory_space<hbm>> -> memref<1x1x1x80xi32, #tpu.memory_space<hbm>>
        %dma_wait3A_572 = tpu.memref_squeeze %dma_wait3A_571 : memref<1x1x1x80xi32, #tpu.memory_space<hbm>> -> memref<80xi32, #tpu.memory_space<hbm>>
        %dma_wait3A_573 = tpu.memref_slice %arg8[%rem3A_563] : memref<6x!tpu.dma_semaphore, #tpu.memory_space<semaphore_mem>> -> memref<1x!tpu.dma_semaphore, #tpu.memory_space<semaphore_mem>>
        %dma_wait3A_574 = tpu.memref_squeeze %dma_wait3A_573 : memref<1x!tpu.dma_semaphore, #tpu.memory_space<semaphore_mem>> -> memref<!tpu.dma_semaphore, #tpu.memory_space<semaphore_mem>>
        %dma_wait3A_575 = arith.constant 0 : i32
        %dma_wait3A_576 = tpu.memref_slice %arg5[%rem3A_561, %dma_wait3A_566, %dma_wait3A_575] : memref<6x2x80xi32, #tpu.memory_space<vmem>> -> memref<1x1x80xi32, #tpu.memory_space<vmem>>
        %dma_wait3A_577 = tpu.memref_squeeze %dma_wait3A_576 : memref<1x1x80xi32, #tpu.memory_space<vmem>> -> memref<80xi32, #tpu.memory_space<vmem>>
        %dma_wait3A_578 = arith.constant 0 : i32
        %dma_wait3A_579 = tpu.memref_slice %arg3[%dma_wait3A_564, %add3A_559, %dma_wait3A_565, %dma_wait3A_578] : memref<2x4000x1x80xi32, #tpu.memory_space<hbm>> -> memref<1x1x1x80xi32, #tpu.memory_space<hbm>>
        %dma_wait3A_580 = tpu.memref_squeeze %dma_wait3A_579 : memref<1x1x1x80xi32, #tpu.memory_space<hbm>> -> memref<80xi32, #tpu.memory_space<hbm>>
        tpu.wait_dma2 semaphore(%dma_wait3A_574 : memref<!tpu.dma_semaphore, #tpu.memory_space<semaphore_mem>>) src(%dma_wait3A_580 : memref<80xi32, #tpu.memory_space<hbm>>) dst(%dma_wait3A_577 : memref<80xi32, #tpu.memory_space<vmem>>)
        %add3A_581 = arith.addi %select_n3A, %sub3A_558 : i32
        %rem3A_582 = arith.constant 6 : i32
        %rem3A_583 = arith.remsi %sub3A_558, %rem3A_582 : i32
        %rem3A_584 = arith.constant 6 : i32
        %rem3A_585 = arith.remsi %sub3A_558, %rem3A_584 : i32
        %dma_wait3A_586 = arith.constant 1 : i32
        %dma_wait3A_587 = arith.constant 0 : i32
        %dma_wait3A_588 = arith.constant 1 : i32
        %dma_wait3A_589 = arith.constant 0 : i32
        %dma_wait3A_590 = tpu.memref_slice %arg5[%rem3A_583, %dma_wait3A_588, %dma_wait3A_589] : memref<6x2x80xi32, #tpu.memory_space<vmem>> -> memref<1x1x80xi32, #tpu.memory_space<vmem>>
        %dma_wait3A_591 = tpu.memref_squeeze %dma_wait3A_590 : memref<1x1x80xi32, #tpu.memory_space<vmem>> -> memref<80xi32, #tpu.memory_space<vmem>>
        %dma_wait3A_592 = arith.constant 0 : i32
        %dma_wait3A_593 = tpu.memref_slice %arg3[%dma_wait3A_586, %add3A_581, %dma_wait3A_587, %dma_wait3A_592] : memref<2x4000x1x80xi32, #tpu.memory_space<hbm>> -> memref<1x1x1x80xi32, #tpu.memory_space<hbm>>
        %dma_wait3A_594 = tpu.memref_squeeze %dma_wait3A_593 : memref<1x1x1x80xi32, #tpu.memory_space<hbm>> -> memref<80xi32, #tpu.memory_space<hbm>>
        %dma_wait3A_595 = tpu.memref_slice %arg8[%rem3A_585] : memref<6x!tpu.dma_semaphore, #tpu.memory_space<semaphore_mem>> -> memref<1x!tpu.dma_semaphore, #tpu.memory_space<semaphore_mem>>
        %dma_wait3A_596 = tpu.memref_squeeze %dma_wait3A_595 : memref<1x!tpu.dma_semaphore, #tpu.memory_space<semaphore_mem>> -> memref<!tpu.dma_semaphore, #tpu.memory_space<semaphore_mem>>
        %dma_wait3A_597 = arith.constant 0 : i32
        %dma_wait3A_598 = tpu.memref_slice %arg5[%rem3A_583, %dma_wait3A_588, %dma_wait3A_597] : memref<6x2x80xi32, #tpu.memory_space<vmem>> -> memref<1x1x80xi32, #tpu.memory_space<vmem>>
        %dma_wait3A_599 = tpu.memref_squeeze %dma_wait3A_598 : memref<1x1x80xi32, #tpu.memory_space<vmem>> -> memref<80xi32, #tpu.memory_space<vmem>>
        %dma_wait3A_600 = arith.constant 0 : i32
        %dma_wait3A_601 = tpu.memref_slice %arg3[%dma_wait3A_586, %add3A_581, %dma_wait3A_587, %dma_wait3A_600] : memref<2x4000x1x80xi32, #tpu.memory_space<hbm>> -> memref<1x1x1x80xi32, #tpu.memory_space<hbm>>
        %dma_wait3A_602 = tpu.memref_squeeze %dma_wait3A_601 : memref<1x1x1x80xi32, #tpu.memory_space<hbm>> -> memref<80xi32, #tpu.memory_space<hbm>>
        tpu.wait_dma2 semaphore(%dma_wait3A_596 : memref<!tpu.dma_semaphore, #tpu.memory_space<semaphore_mem>>) src(%dma_wait3A_602 : memref<80xi32, #tpu.memory_space<hbm>>) dst(%dma_wait3A_599 : memref<80xi32, #tpu.memory_space<vmem>>)
        %add3A_603 = arith.constant 4 : i32
        %add3A_604 = arith.addi %while3A_505, %add3A_603 : i32
        %sub3A_605 = arith.constant 1 : i32
        %sub3A_606 = arith.subi %add3A_604, %sub3A_605 : i32
        %add3A_607 = arith.constant 4 : i32
        %add3A_608 = arith.addi %while3A_505, %add3A_607 : i32
        %sub3A_609 = arith.constant 1 : i32
        %sub3A_610 = arith.subi %add3A_608, %sub3A_609 : i32
        %rem3A_611 = arith.constant 4 : i32
        %rem3A_612 = arith.remsi %sub3A_610, %rem3A_611 : i32
        %rem3A_613 = arith.constant 6 : i32
        %rem3A_614 = arith.remsi %sub3A_606, %rem3A_613 : i32
        %dma_start3A_615 = arith.constant 0 : i32
        %dma_start3A_616 = arith.constant 0 : i32
        %dma_start3A_617 = arith.constant 0 : i32
        %dma_start3A_618 = tpu.memref_slice %arg6[%rem3A_612, %dma_start3A_616, %dma_start3A_617] : memref<4x80x128xf32, #tpu.memory_space<vmem>> -> memref<1x80x128xf32, #tpu.memory_space<vmem>>
        %dma_start3A_619 = tpu.memref_squeeze %dma_start3A_618 : memref<1x80x128xf32, #tpu.memory_space<vmem>> -> memref<80x128xf32, #tpu.memory_space<vmem>>
        %dma_start3A_620 = arith.constant 0 : i32
        %dma_start3A_621 = tpu.memref_slice %arg5[%rem3A_614, %dma_start3A_615, %dma_start3A_620] : memref<6x2x80xi32, #tpu.memory_space<vmem>> -> memref<1x1x80xi32, #tpu.memory_space<vmem>>
        %dma_start3A_622 = tpu.memref_squeeze %dma_start3A_621 : memref<1x1x80xi32, #tpu.memory_space<vmem>> -> memref<80xi32, #tpu.memory_space<vmem>>
        %dma_start3A_623 = arith.constant 0 : i32
        %dma_start3A_624 = arith.constant 0 : i32
        %dma_start3A_625 = tpu.memref_slice %arg2[%dma_start3A_623, %dma_start3A_624] : memref<10000x128xf32, #tpu.memory_space<hbm>> -> memref<10000x128xf32, #tpu.memory_space<hbm>>
        %dma_start3A_626 = tpu.memref_slice %arg9[%rem3A_612] : memref<4x!tpu.dma_semaphore, #tpu.memory_space<semaphore_mem>> -> memref<1x!tpu.dma_semaphore, #tpu.memory_space<semaphore_mem>>
        %dma_start3A_627 = tpu.memref_squeeze %dma_start3A_626 : memref<1x!tpu.dma_semaphore, #tpu.memory_space<semaphore_mem>> -> memref<!tpu.dma_semaphore, #tpu.memory_space<semaphore_mem>>
        tpu.enqueue_indirect_dma source(%dma_start3A_625 : memref<10000x128xf32, #tpu.memory_space<hbm>>) target(%dma_start3A_619 : memref<80x128xf32, #tpu.memory_space<vmem>>) offsets(%dma_start3A_622 : memref<80xi32, #tpu.memory_space<vmem>>) semaphore(%dma_start3A_627 : memref<!tpu.dma_semaphore, #tpu.memory_space<semaphore_mem>>)
      } else {
      }
      %rem3A_525 = arith.constant 6 : i32
      %rem3A_526 = arith.remsi %while3A_505, %rem3A_525 : i32
      %dma_wait3A_527 = arith.constant 0 : i32
      %dma_wait3A_528 = arith.constant 0 : i32
      %dma_wait3A_529 = arith.constant 0 : i32
      %dma_wait3A_530 = tpu.memref_slice %arg6[%rem3A_507, %dma_wait3A_528, %dma_wait3A_529] : memref<4x80x128xf32, #tpu.memory_space<vmem>> -> memref<1x80x128xf32, #tpu.memory_space<vmem>>
      %dma_wait3A_531 = tpu.memref_squeeze %dma_wait3A_530 : memref<1x80x128xf32, #tpu.memory_space<vmem>> -> memref<80x128xf32, #tpu.memory_space<vmem>>
      %dma_wait3A_532 = arith.constant 0 : i32
      %dma_wait3A_533 = tpu.memref_slice %arg5[%rem3A_526, %dma_wait3A_527, %dma_wait3A_532] : memref<6x2x80xi32, #tpu.memory_space<vmem>> -> memref<1x1x80xi32, #tpu.memory_space<vmem>>
      %dma_wait3A_534 = tpu.memref_squeeze %dma_wait3A_533 : memref<1x1x80xi32, #tpu.memory_space<vmem>> -> memref<80xi32, #tpu.memory_space<vmem>>
      %dma_wait3A_535 = arith.constant 0 : i32
      %dma_wait3A_536 = arith.constant 0 : i32
      %dma_wait3A_537 = tpu.memref_slice %arg2[%dma_wait3A_535, %dma_wait3A_536] : memref<10000x128xf32, #tpu.memory_space<hbm>> -> memref<10000x128xf32, #tpu.memory_space<hbm>>
      %dma_wait3A_538 = tpu.memref_slice %arg9[%rem3A_507] : memref<4x!tpu.dma_semaphore, #tpu.memory_space<semaphore_mem>> -> memref<1x!tpu.dma_semaphore, #tpu.memory_space<semaphore_mem>>
      %dma_wait3A_539 = tpu.memref_squeeze %dma_wait3A_538 : memref<1x!tpu.dma_semaphore, #tpu.memory_space<semaphore_mem>> -> memref<!tpu.dma_semaphore, #tpu.memory_space<semaphore_mem>>
      tpu.wait_indirect_dma semaphore(%dma_wait3A_539 : memref<!tpu.dma_semaphore, #tpu.memory_space<semaphore_mem>>) src(%dma_wait3A_537 : memref<10000x128xf32, #tpu.memory_space<hbm>>) dst(%dma_wait3A_531 : memref<80x128xf32, #tpu.memory_space<vmem>>)
      %rem3A_540 = arith.constant 6 : i32
      %rem3A_541 = arith.remsi %while3A_505, %rem3A_540 : i32
      %dma_start3A_542 = arith.constant 1 : i32
      %dma_start3A_543 = arith.constant 0 : i32
      %dma_start3A_544 = arith.constant 0 : i32
      %dma_start3A_545 = tpu.memref_slice %arg6[%rem3A_507, %dma_start3A_543, %dma_start3A_544] : memref<4x80x128xf32, #tpu.memory_space<vmem>> -> memref<1x80x128xf32, #tpu.memory_space<vmem>>
      %dma_start3A_546 = tpu.memref_squeeze %dma_start3A_545 : memref<1x80x128xf32, #tpu.memory_space<vmem>> -> memref<80x128xf32, #tpu.memory_space<vmem>>
      %dma_start3A_547 = arith.constant 0 : i32
      %dma_start3A_548 = tpu.memref_slice %arg5[%rem3A_541, %dma_start3A_542, %dma_start3A_547] : memref<6x2x80xi32, #tpu.memory_space<vmem>> -> memref<1x1x80xi32, #tpu.memory_space<vmem>>
      %dma_start3A_549 = tpu.memref_squeeze %dma_start3A_548 : memref<1x1x80xi32, #tpu.memory_space<vmem>> -> memref<80xi32, #tpu.memory_space<vmem>>
      %dma_start3A_550 = arith.constant 0 : i32
      %dma_start3A_551 = arith.constant 0 : i32
      %dma_start3A_552 = tpu.memref_slice %arg7[%dma_start3A_550, %dma_start3A_551] : memref<10240x128xf32, #tpu.memory_space<vmem_shared>> -> memref<10240x128xf32, #tpu.memory_space<vmem_shared>>
      %dma_start3A_553 = tpu.memref_slice %arg10[%rem3A_507] : memref<4x!tpu.dma_semaphore, #tpu.memory_space<semaphore_mem>> -> memref<1x!tpu.dma_semaphore, #tpu.memory_space<semaphore_mem>>
      %dma_start3A_554 = tpu.memref_squeeze %dma_start3A_553 : memref<1x!tpu.dma_semaphore, #tpu.memory_space<semaphore_mem>> -> memref<!tpu.dma_semaphore, #tpu.memory_space<semaphore_mem>>
      tpu.enqueue_indirect_dma source(%dma_start3A_546 : memref<80x128xf32, #tpu.memory_space<vmem>>) target(%dma_start3A_552 : memref<10240x128xf32, #tpu.memory_space<vmem_shared>>) offsets(%dma_start3A_549 : memref<80xi32, #tpu.memory_space<vmem>>) semaphore(%dma_start3A_554 : memref<!tpu.dma_semaphore, #tpu.memory_space<semaphore_mem>>) {add = true}
    }
    %while3A_483 = arith.constant 1 : i32
    scf.for %while3A_505 = %while3A_481 to %while3A_477 step %while3A_483  : i32 {
      %rem3A_506 = arith.constant 4 : i32
      %rem3A_507 = arith.remsi %while3A_505, %rem3A_506 : i32
      %gt3A = arith.constant 0 : i32
      %gt3A_508 = arith.cmpi sgt, %while3A_505, %gt3A : i32
      %convert_element_type3A = arith.extui %gt3A_508 : i1 to i32
      %cond3A = arith.constant 0 : i32
      %cond3A_509 = arith.cmpi ne, %convert_element_type3A, %cond3A : i32
      scf.if %cond3A_509 {
        %sub3A_555 = arith.constant 1 : i32
        %sub3A_556 = arith.subi %while3A_505, %sub3A_555 : i32
        %sub3A_557 = arith.constant 1 : i32
        %sub3A_558 = arith.subi %while3A_505, %sub3A_557 : i32
        %rem3A_559 = arith.constant 4 : i32
        %rem3A_560 = arith.remsi %sub3A_558, %rem3A_559 : i32
        %rem3A_561 = arith.constant 6 : i32
        %rem3A_562 = arith.remsi %sub3A_556, %rem3A_561 : i32
        %dma_wait3A_563 = arith.constant 1 : i32
        %dma_wait3A_564 = arith.constant 0 : i32
        %dma_wait3A_565 = arith.constant 0 : i32
        %dma_wait3A_566 = tpu.memref_slice %arg6[%rem3A_560, %dma_wait3A_564, %dma_wait3A_565] : memref<4x80x128xf32, #tpu.memory_space<vmem>> -> memref<1x80x128xf32, #tpu.memory_space<vmem>>
        %dma_wait3A_567 = tpu.memref_squeeze %dma_wait3A_566 : memref<1x80x128xf32, #tpu.memory_space<vmem>> -> memref<80x128xf32, #tpu.memory_space<vmem>>
        %dma_wait3A_568 = arith.constant 0 : i32
        %dma_wait3A_569 = tpu.memref_slice %arg5[%rem3A_562, %dma_wait3A_563, %dma_wait3A_568] : memref<6x2x80xi32, #tpu.memory_space<vmem>> -> memref<1x1x80xi32, #tpu.memory_space<vmem>>
        %dma_wait3A_570 = tpu.memref_squeeze %dma_wait3A_569 : memref<1x1x80xi32, #tpu.memory_space<vmem>> -> memref<80xi32, #tpu.memory_space<vmem>>
        %dma_wait3A_571 = arith.constant 0 : i32
        %dma_wait3A_572 = arith.constant 0 : i32
        %dma_wait3A_573 = tpu.memref_slice %arg7[%dma_wait3A_571, %dma_wait3A_572] : memref<10240x128xf32, #tpu.memory_space<vmem_shared>> -> memref<10240x128xf32, #tpu.memory_space<vmem_shared>>
        %dma_wait3A_574 = tpu.memref_slice %arg10[%rem3A_560] : memref<4x!tpu.dma_semaphore, #tpu.memory_space<semaphore_mem>> -> memref<1x!tpu.dma_semaphore, #tpu.memory_space<semaphore_mem>>
        %dma_wait3A_575 = tpu.memref_squeeze %dma_wait3A_574 : memref<1x!tpu.dma_semaphore, #tpu.memory_space<semaphore_mem>> -> memref<!tpu.dma_semaphore, #tpu.memory_space<semaphore_mem>>
        tpu.wait_indirect_dma semaphore(%dma_wait3A_575 : memref<!tpu.dma_semaphore, #tpu.memory_space<semaphore_mem>>) src(%dma_wait3A_567 : memref<80x128xf32, #tpu.memory_space<vmem>>) dst(%dma_wait3A_573 : memref<10240x128xf32, #tpu.memory_space<vmem_shared>>)
      } else {
      }
      %add3A_510 = arith.constant 6 : i32
      %add3A_511 = arith.addi %while3A_505, %add3A_510 : i32
      %sub3A_512 = arith.constant 1 : i32
      %sub3A_513 = arith.subi %add3A_511, %sub3A_512 : i32
      %lt3A = arith.cmpi slt, %sub3A_513, %select_n3A_8 : i32
      %convert_element_type3A_514 = arith.extui %lt3A : i1 to i32
      %cond3A_515 = arith.constant 0 : i32
      %cond3A_516 = arith.cmpi ne, %convert_element_type3A_514, %cond3A_515 : i32
      scf.if %cond3A_516 {
        %add3A_555 = arith.constant 6 : i32
        %add3A_556 = arith.addi %while3A_505, %add3A_555 : i32
        %sub3A_557 = arith.constant 1 : i32
        %sub3A_558 = arith.subi %add3A_556, %sub3A_557 : i32
        %add3A_559 = arith.addi %select_n3A, %sub3A_558 : i32
        %rem3A_560 = arith.constant 6 : i32
        %rem3A_561 = arith.remsi %sub3A_558, %rem3A_560 : i32
        %rem3A_562 = arith.constant 6 : i32
        %rem3A_563 = arith.remsi %sub3A_558, %rem3A_562 : i32
        %dma_start3A_564 = arith.constant 0 : i32
        %dma_start3A_565 = arith.constant 0 : i32
        %dma_start3A_566 = arith.constant 0 : i32
        %dma_start3A_567 = arith.constant 0 : i32
        %dma_start3A_568 = tpu.memref_slice %arg5[%rem3A_561, %dma_start3A_566, %dma_start3A_567] : memref<6x2x80xi32, #tpu.memory_space<vmem>> -> memref<1x1x80xi32, #tpu.memory_space<vmem>>
        %dma_start3A_569 = tpu.memref_squeeze %dma_start3A_568 : memref<1x1x80xi32, #tpu.memory_space<vmem>> -> memref<80xi32, #tpu.memory_space<vmem>>
        %dma_start3A_570 = arith.constant 0 : i32
        %dma_start3A_571 = tpu.memref_slice %arg3[%dma_start3A_564, %add3A_559, %dma_start3A_565, %dma_start3A_570] : memref<2x4000x1x80xi32, #tpu.memory_space<hbm>> -> memref<1x1x1x80xi32, #tpu.memory_space<hbm>>
        %dma_start3A_572 = tpu.memref_squeeze %dma_start3A_571 : memref<1x1x1x80xi32, #tpu.memory_space<hbm>> -> memref<80xi32, #tpu.memory_space<hbm>>
        %dma_start3A_573 = tpu.memref_slice %arg8[%rem3A_563] : memref<6x!tpu.dma_semaphore, #tpu.memory_space<semaphore_mem>> -> memref<1x!tpu.dma_semaphore, #tpu.memory_space<semaphore_mem>>
        %dma_start3A_574 = tpu.memref_squeeze %dma_start3A_573 : memref<1x!tpu.dma_semaphore, #tpu.memory_space<semaphore_mem>> -> memref<!tpu.dma_semaphore, #tpu.memory_space<semaphore_mem>>
        %dma_start3A_575 = arith.constant 0 : i32
        %dma_start3A_576 = tpu.memref_slice %arg5[%rem3A_561, %dma_start3A_566, %dma_start3A_575] : memref<6x2x80xi32, #tpu.memory_space<vmem>> -> memref<1x1x80xi32, #tpu.memory_space<vmem>>
        %dma_start3A_577 = tpu.memref_squeeze %dma_start3A_576 : memref<1x1x80xi32, #tpu.memory_space<vmem>> -> memref<80xi32, #tpu.memory_space<vmem>>
        %dma_start3A_578 = arith.constant 0 : i32
        %dma_start3A_579 = tpu.memref_slice %arg3[%dma_start3A_564, %add3A_559, %dma_start3A_565, %dma_start3A_578] : memref<2x4000x1x80xi32, #tpu.memory_space<hbm>> -> memref<1x1x1x80xi32, #tpu.memory_space<hbm>>
        %dma_start3A_580 = tpu.memref_squeeze %dma_start3A_579 : memref<1x1x1x80xi32, #tpu.memory_space<hbm>> -> memref<80xi32, #tpu.memory_space<hbm>>
        tpu.enqueue_dma source(%dma_start3A_580 : memref<80xi32, #tpu.memory_space<hbm>>) target(%dma_start3A_577 : memref<80xi32, #tpu.memory_space<vmem>>) target_semaphore(%dma_start3A_574 : memref<!tpu.dma_semaphore, #tpu.memory_space<semaphore_mem>>)
        %add3A_581 = arith.addi %select_n3A, %sub3A_558 : i32
        %rem3A_582 = arith.constant 6 : i32
        %rem3A_583 = arith.remsi %sub3A_558, %rem3A_582 : i32
        %rem3A_584 = arith.constant 6 : i32
        %rem3A_585 = arith.remsi %sub3A_558, %rem3A_584 : i32
        %dma_start3A_586 = arith.constant 1 : i32
        %dma_start3A_587 = arith.constant 0 : i32
        %dma_start3A_588 = arith.constant 1 : i32
        %dma_start3A_589 = arith.constant 0 : i32
        %dma_start3A_590 = tpu.memref_slice %arg5[%rem3A_583, %dma_start3A_588, %dma_start3A_589] : memref<6x2x80xi32, #tpu.memory_space<vmem>> -> memref<1x1x80xi32, #tpu.memory_space<vmem>>
        %dma_start3A_591 = tpu.memref_squeeze %dma_start3A_590 : memref<1x1x80xi32, #tpu.memory_space<vmem>> -> memref<80xi32, #tpu.memory_space<vmem>>
        %dma_start3A_592 = arith.constant 0 : i32
        %dma_start3A_593 = tpu.memref_slice %arg3[%dma_start3A_586, %add3A_581, %dma_start3A_587, %dma_start3A_592] : memref<2x4000x1x80xi32, #tpu.memory_space<hbm>> -> memref<1x1x1x80xi32, #tpu.memory_space<hbm>>
        %dma_start3A_594 = tpu.memref_squeeze %dma_start3A_593 : memref<1x1x1x80xi32, #tpu.memory_space<hbm>> -> memref<80xi32, #tpu.memory_space<hbm>>
        %dma_start3A_595 = tpu.memref_slice %arg8[%rem3A_585] : memref<6x!tpu.dma_semaphore, #tpu.memory_space<semaphore_mem>> -> memref<1x!tpu.dma_semaphore, #tpu.memory_space<semaphore_mem>>
        %dma_start3A_596 = tpu.memref_squeeze %dma_start3A_595 : memref<1x!tpu.dma_semaphore, #tpu.memory_space<semaphore_mem>> -> memref<!tpu.dma_semaphore, #tpu.memory_space<semaphore_mem>>
        %dma_start3A_597 = arith.constant 0 : i32
        %dma_start3A_598 = tpu.memref_slice %arg5[%rem3A_583, %dma_start3A_588, %dma_start3A_597] : memref<6x2x80xi32, #tpu.memory_space<vmem>> -> memref<1x1x80xi32, #tpu.memory_space<vmem>>
        %dma_start3A_599 = tpu.memref_squeeze %dma_start3A_598 : memref<1x1x80xi32, #tpu.memory_space<vmem>> -> memref<80xi32, #tpu.memory_space<vmem>>
        %dma_start3A_600 = arith.constant 0 : i32
        %dma_start3A_601 = tpu.memref_slice %arg3[%dma_start3A_586, %add3A_581, %dma_start3A_587, %dma_start3A_600] : memref<2x4000x1x80xi32, #tpu.memory_space<hbm>> -> memref<1x1x1x80xi32, #tpu.memory_space<hbm>>
        %dma_start3A_602 = tpu.memref_squeeze %dma_start3A_601 : memref<1x1x1x80xi32, #tpu.memory_space<hbm>> -> memref<80xi32, #tpu.memory_space<hbm>>
        tpu.enqueue_dma source(%dma_start3A_602 : memref<80xi32, #tpu.memory_space<hbm>>) target(%dma_start3A_599 : memref<80xi32, #tpu.memory_space<vmem>>) target_semaphore(%dma_start3A_596 : memref<!tpu.dma_semaphore, #tpu.memory_space<semaphore_mem>>)
      } else {
      }
      %add3A_517 = arith.constant 4 : i32
      %add3A_518 = arith.addi %while3A_505, %add3A_517 : i32
      %sub3A_519 = arith.constant 1 : i32
      %sub3A_520 = arith.subi %add3A_518, %sub3A_519 : i32
      %lt3A_521 = arith.cmpi slt, %sub3A_520, %select_n3A_8 : i32
      %convert_element_type3A_522 = arith.extui %lt3A_521 : i1 to i32
      %cond3A_523 = arith.constant 0 : i32
      %cond3A_524 = arith.cmpi ne, %convert_element_type3A_522, %cond3A_523 : i32
      scf.if %cond3A_524 {
        %add3A_555 = arith.constant 4 : i32
        %add3A_556 = arith.addi %while3A_505, %add3A_555 : i32
        %sub3A_557 = arith.constant 1 : i32
        %sub3A_558 = arith.subi %add3A_556, %sub3A_557 : i32
        %add3A_559 = arith.addi %select_n3A, %sub3A_558 : i32
        %rem3A_560 = arith.constant 6 : i32
        %rem3A_561 = arith.remsi %sub3A_558, %rem3A_560 : i32
        %rem3A_562 = arith.constant 6 : i32
        %rem3A_563 = arith.remsi %sub3A_558, %rem3A_562 : i32
        %dma_wait3A_564 = arith.constant 0 : i32
        %dma_wait3A_565 = arith.constant 0 : i32
        %dma_wait3A_566 = arith.constant 0 : i32
        %dma_wait3A_567 = arith.constant 0 : i32
        %dma_wait3A_568 = tpu.memref_slice %arg5[%rem3A_561, %dma_wait3A_566, %dma_wait3A_567] : memref<6x2x80xi32, #tpu.memory_space<vmem>> -> memref<1x1x80xi32, #tpu.memory_space<vmem>>
        %dma_wait3A_569 = tpu.memref_squeeze %dma_wait3A_568 : memref<1x1x80xi32, #tpu.memory_space<vmem>> -> memref<80xi32, #tpu.memory_space<vmem>>
        %dma_wait3A_570 = arith.constant 0 : i32
        %dma_wait3A_571 = tpu.memref_slice %arg3[%dma_wait3A_564, %add3A_559, %dma_wait3A_565, %dma_wait3A_570] : memref<2x4000x1x80xi32, #tpu.memory_space<hbm>> -> memref<1x1x1x80xi32, #tpu.memory_space<hbm>>
        %dma_wait3A_572 = tpu.memref_squeeze %dma_wait3A_571 : memref<1x1x1x80xi32, #tpu.memory_space<hbm>> -> memref<80xi32, #tpu.memory_space<hbm>>
        %dma_wait3A_573 = tpu.memref_slice %arg8[%rem3A_563] : memref<6x!tpu.dma_semaphore, #tpu.memory_space<semaphore_mem>> -> memref<1x!tpu.dma_semaphore, #tpu.memory_space<semaphore_mem>>
        %dma_wait3A_574 = tpu.memref_squeeze %dma_wait3A_573 : memref<1x!tpu.dma_semaphore, #tpu.memory_space<semaphore_mem>> -> memref<!tpu.dma_semaphore, #tpu.memory_space<semaphore_mem>>
        %dma_wait3A_575 = arith.constant 0 : i32
        %dma_wait3A_576 = tpu.memref_slice %arg5[%rem3A_561, %dma_wait3A_566, %dma_wait3A_575] : memref<6x2x80xi32, #tpu.memory_space<vmem>> -> memref<1x1x80xi32, #tpu.memory_space<vmem>>
        %dma_wait3A_577 = tpu.memref_squeeze %dma_wait3A_576 : memref<1x1x80xi32, #tpu.memory_space<vmem>> -> memref<80xi32, #tpu.memory_space<vmem>>
        %dma_wait3A_578 = arith.constant 0 : i32
        %dma_wait3A_579 = tpu.memref_slice %arg3[%dma_wait3A_564, %add3A_559, %dma_wait3A_565, %dma_wait3A_578] : memref<2x4000x1x80xi32, #tpu.memory_space<hbm>> -> memref<1x1x1x80xi32, #tpu.memory_space<hbm>>
        %dma_wait3A_580 = tpu.memref_squeeze %dma_wait3A_579 : memref<1x1x1x80xi32, #tpu.memory_space<hbm>> -> memref<80xi32, #tpu.memory_space<hbm>>
        tpu.wait_dma2 semaphore(%dma_wait3A_574 : memref<!tpu.dma_semaphore, #tpu.memory_space<semaphore_mem>>) src(%dma_wait3A_580 : memref<80xi32, #tpu.memory_space<hbm>>) dst(%dma_wait3A_577 : memref<80xi32, #tpu.memory_space<vmem>>)
        %add3A_581 = arith.addi %select_n3A, %sub3A_558 : i32
        %rem3A_582 = arith.constant 6 : i32
        %rem3A_583 = arith.remsi %sub3A_558, %rem3A_582 : i32
        %rem3A_584 = arith.constant 6 : i32
        %rem3A_585 = arith.remsi %sub3A_558, %rem3A_584 : i32
        %dma_wait3A_586 = arith.constant 1 : i32
        %dma_wait3A_587 = arith.constant 0 : i32
        %dma_wait3A_588 = arith.constant 1 : i32
        %dma_wait3A_589 = arith.constant 0 : i32
        %dma_wait3A_590 = tpu.memref_slice %arg5[%rem3A_583, %dma_wait3A_588, %dma_wait3A_589] : memref<6x2x80xi32, #tpu.memory_space<vmem>> -> memref<1x1x80xi32, #tpu.memory_space<vmem>>
        %dma_wait3A_591 = tpu.memref_squeeze %dma_wait3A_590 : memref<1x1x80xi32, #tpu.memory_space<vmem>> -> memref<80xi32, #tpu.memory_space<vmem>>
        %dma_wait3A_592 = arith.constant 0 : i32
        %dma_wait3A_593 = tpu.memref_slice %arg3[%dma_wait3A_586, %add3A_581, %dma_wait3A_587, %dma_wait3A_592] : memref<2x4000x1x80xi32, #tpu.memory_space<hbm>> -> memref<1x1x1x80xi32, #tpu.memory_space<hbm>>
        %dma_wait3A_594 = tpu.memref_squeeze %dma_wait3A_593 : memref<1x1x1x80xi32, #tpu.memory_space<hbm>> -> memref<80xi32, #tpu.memory_space<hbm>>
        %dma_wait3A_595 = tpu.memref_slice %arg8[%rem3A_585] : memref<6x!tpu.dma_semaphore, #tpu.memory_space<semaphore_mem>> -> memref<1x!tpu.dma_semaphore, #tpu.memory_space<semaphore_mem>>
        %dma_wait3A_596 = tpu.memref_squeeze %dma_wait3A_595 : memref<1x!tpu.dma_semaphore, #tpu.memory_space<semaphore_mem>> -> memref<!tpu.dma_semaphore, #tpu.memory_space<semaphore_mem>>
        %dma_wait3A_597 = arith.constant 0 : i32
        %dma_wait3A_598 = tpu.memref_slice %arg5[%rem3A_583, %dma_wait3A_588, %dma_wait3A_597] : memref<6x2x80xi32, #tpu.memory_space<vmem>> -> memref<1x1x80xi32, #tpu.memory_space<vmem>>
        %dma_wait3A_599 = tpu.memref_squeeze %dma_wait3A_598 : memref<1x1x80xi32, #tpu.memory_space<vmem>> -> memref<80xi32, #tpu.memory_space<vmem>>
        %dma_wait3A_600 = arith.constant 0 : i32
        %dma_wait3A_601 = tpu.memref_slice %arg3[%dma_wait3A_586, %add3A_581, %dma_wait3A_587, %dma_wait3A_600] : memref<2x4000x1x80xi32, #tpu.memory_space<hbm>> -> memref<1x1x1x80xi32, #tpu.memory_space<hbm>>
        %dma_wait3A_602 = tpu.memref_squeeze %dma_wait3A_601 : memref<1x1x1x80xi32, #tpu.memory_space<hbm>> -> memref<80xi32, #tpu.memory_space<hbm>>
        tpu.wait_dma2 semaphore(%dma_wait3A_596 : memref<!tpu.dma_semaphore, #tpu.memory_space<semaphore_mem>>) src(%dma_wait3A_602 : memref<80xi32, #tpu.memory_space<hbm>>) dst(%dma_wait3A_599 : memref<80xi32, #tpu.memory_space<vmem>>)
        %add3A_603 = arith.constant 4 : i32
        %add3A_604 = arith.addi %while3A_505, %add3A_603 : i32
        %sub3A_605 = arith.constant 1 : i32
        %sub3A_606 = arith.subi %add3A_604, %sub3A_605 : i32
        %add3A_607 = arith.constant 4 : i32
        %add3A_608 = arith.addi %while3A_505, %add3A_607 : i32
        %sub3A_609 = arith.constant 1 : i32
        %sub3A_610 = arith.subi %add3A_608, %sub3A_609 : i32
        %rem3A_611 = arith.constant 4 : i32
        %rem3A_612 = arith.remsi %sub3A_610, %rem3A_611 : i32
        %rem3A_613 = arith.constant 6 : i32
        %rem3A_614 = arith.remsi %sub3A_606, %rem3A_613 : i32
        %dma_start3A_615 = arith.constant 0 : i32
        %dma_start3A_616 = arith.constant 0 : i32
        %dma_start3A_617 = arith.constant 0 : i32
        %dma_start3A_618 = tpu.memref_slice %arg6[%rem3A_612, %dma_start3A_616, %dma_start3A_617] : memref<4x80x128xf32, #tpu.memory_space<vmem>> -> memref<1x80x128xf32, #tpu.memory_space<vmem>>
        %dma_start3A_619 = tpu.memref_squeeze %dma_start3A_618 : memref<1x80x128xf32, #tpu.memory_space<vmem>> -> memref<80x128xf32, #tpu.memory_space<vmem>>
        %dma_start3A_620 = arith.constant 0 : i32
        %dma_start3A_621 = tpu.memref_slice %arg5[%rem3A_614, %dma_start3A_615, %dma_start3A_620] : memref<6x2x80xi32, #tpu.memory_space<vmem>> -> memref<1x1x80xi32, #tpu.memory_space<vmem>>
        %dma_start3A_622 = tpu.memref_squeeze %dma_start3A_621 : memref<1x1x80xi32, #tpu.memory_space<vmem>> -> memref<80xi32, #tpu.memory_space<vmem>>
        %dma_start3A_623 = arith.constant 0 : i32
        %dma_start3A_624 = arith.constant 0 : i32
        %dma_start3A_625 = tpu.memref_slice %arg2[%dma_start3A_623, %dma_start3A_624] : memref<10000x128xf32, #tpu.memory_space<hbm>> -> memref<10000x128xf32, #tpu.memory_space<hbm>>
        %dma_start3A_626 = tpu.memref_slice %arg9[%rem3A_612] : memref<4x!tpu.dma_semaphore, #tpu.memory_space<semaphore_mem>> -> memref<1x!tpu.dma_semaphore, #tpu.memory_space<semaphore_mem>>
        %dma_start3A_627 = tpu.memref_squeeze %dma_start3A_626 : memref<1x!tpu.dma_semaphore, #tpu.memory_space<semaphore_mem>> -> memref<!tpu.dma_semaphore, #tpu.memory_space<semaphore_mem>>
        tpu.enqueue_indirect_dma source(%dma_start3A_625 : memref<10000x128xf32, #tpu.memory_space<hbm>>) target(%dma_start3A_619 : memref<80x128xf32, #tpu.memory_space<vmem>>) offsets(%dma_start3A_622 : memref<80xi32, #tpu.memory_space<vmem>>) semaphore(%dma_start3A_627 : memref<!tpu.dma_semaphore, #tpu.memory_space<semaphore_mem>>)
      } else {
      }
      %rem3A_525 = arith.constant 6 : i32
      %rem3A_526 = arith.remsi %while3A_505, %rem3A_525 : i32
      %dma_wait3A_527 = arith.constant 0 : i32
      %dma_wait3A_528 = arith.constant 0 : i32
      %dma_wait3A_529 = arith.constant 0 : i32
      %dma_wait3A_530 = tpu.memref_slice %arg6[%rem3A_507, %dma_wait3A_528, %dma_wait3A_529] : memref<4x80x128xf32, #tpu.memory_space<vmem>> -> memref<1x80x128xf32, #tpu.memory_space<vmem>>
      %dma_wait3A_531 = tpu.memref_squeeze %dma_wait3A_530 : memref<1x80x128xf32, #tpu.memory_space<vmem>> -> memref<80x128xf32, #tpu.memory_space<vmem>>
      %dma_wait3A_532 = arith.constant 0 : i32
      %dma_wait3A_533 = tpu.memref_slice %arg5[%rem3A_526, %dma_wait3A_527, %dma_wait3A_532] : memref<6x2x80xi32, #tpu.memory_space<vmem>> -> memref<1x1x80xi32, #tpu.memory_space<vmem>>
      %dma_wait3A_534 = tpu.memref_squeeze %dma_wait3A_533 : memref<1x1x80xi32, #tpu.memory_space<vmem>> -> memref<80xi32, #tpu.memory_space<vmem>>
      %dma_wait3A_535 = arith.constant 0 : i32
      %dma_wait3A_536 = arith.constant 0 : i32
      %dma_wait3A_537 = tpu.memref_slice %arg2[%dma_wait3A_535, %dma_wait3A_536] : memref<10000x128xf32, #tpu.memory_space<hbm>> -> memref<10000x128xf32, #tpu.memory_space<hbm>>
      %dma_wait3A_538 = tpu.memref_slice %arg9[%rem3A_507] : memref<4x!tpu.dma_semaphore, #tpu.memory_space<semaphore_mem>> -> memref<1x!tpu.dma_semaphore, #tpu.memory_space<semaphore_mem>>
      %dma_wait3A_539 = tpu.memref_squeeze %dma_wait3A_538 : memref<1x!tpu.dma_semaphore, #tpu.memory_space<semaphore_mem>> -> memref<!tpu.dma_semaphore, #tpu.memory_space<semaphore_mem>>
      tpu.wait_indirect_dma semaphore(%dma_wait3A_539 : memref<!tpu.dma_semaphore, #tpu.memory_space<semaphore_mem>>) src(%dma_wait3A_537 : memref<10000x128xf32, #tpu.memory_space<hbm>>) dst(%dma_wait3A_531 : memref<80x128xf32, #tpu.memory_space<vmem>>)
      %rem3A_540 = arith.constant 6 : i32
      %rem3A_541 = arith.remsi %while3A_505, %rem3A_540 : i32
      %dma_start3A_542 = arith.constant 1 : i32
      %dma_start3A_543 = arith.constant 0 : i32
      %dma_start3A_544 = arith.constant 0 : i32
      %dma_start3A_545 = tpu.memref_slice %arg6[%rem3A_507, %dma_start3A_543, %dma_start3A_544] : memref<4x80x128xf32, #tpu.memory_space<vmem>> -> memref<1x80x128xf32, #tpu.memory_space<vmem>>
      %dma_start3A_546 = tpu.memref_squeeze %dma_start3A_545 : memref<1x80x128xf32, #tpu.memory_space<vmem>> -> memref<80x128xf32, #tpu.memory_space<vmem>>
      %dma_start3A_547 = arith.constant 0 : i32
      %dma_start3A_548 = tpu.memref_slice %arg5[%rem3A_541, %dma_start3A_542, %dma_start3A_547] : memref<6x2x80xi32, #tpu.memory_space<vmem>> -> memref<1x1x80xi32, #tpu.memory_space<vmem>>
      %dma_start3A_549 = tpu.memref_squeeze %dma_start3A_548 : memref<1x1x80xi32, #tpu.memory_space<vmem>> -> memref<80xi32, #tpu.memory_space<vmem>>
      %dma_start3A_550 = arith.constant 0 : i32
      %dma_start3A_551 = arith.constant 0 : i32
      %dma_start3A_552 = tpu.memref_slice %arg7[%dma_start3A_550, %dma_start3A_551] : memref<10240x128xf32, #tpu.memory_space<vmem_shared>> -> memref<10240x128xf32, #tpu.memory_space<vmem_shared>>
      %dma_start3A_553 = tpu.memref_slice %arg10[%rem3A_507] : memref<4x!tpu.dma_semaphore, #tpu.memory_space<semaphore_mem>> -> memref<1x!tpu.dma_semaphore, #tpu.memory_space<semaphore_mem>>
      %dma_start3A_554 = tpu.memref_squeeze %dma_start3A_553 : memref<1x!tpu.dma_semaphore, #tpu.memory_space<semaphore_mem>> -> memref<!tpu.dma_semaphore, #tpu.memory_space<semaphore_mem>>
      tpu.enqueue_indirect_dma source(%dma_start3A_546 : memref<80x128xf32, #tpu.memory_space<vmem>>) target(%dma_start3A_552 : memref<10240x128xf32, #tpu.memory_space<vmem_shared>>) offsets(%dma_start3A_549 : memref<80xi32, #tpu.memory_space<vmem>>) semaphore(%dma_start3A_554 : memref<!tpu.dma_semaphore, #tpu.memory_space<semaphore_mem>>) {add = true}
    }
    %sub3A = arith.constant 1 : i32
    %sub3A_484 = arith.subi %select_n3A_8, %sub3A : i32
    %sub3A_485 = arith.constant 1 : i32
    %sub3A_486 = arith.subi %select_n3A_8, %sub3A_485 : i32
    %rem3A_487 = arith.constant 4 : i32
    %rem3A_488 = arith.remsi %sub3A_486, %rem3A_487 : i32
    %rem3A_489 = arith.constant 6 : i32
    %rem3A_490 = arith.remsi %sub3A_484, %rem3A_489 : i32
    %dma_wait3A_491 = arith.constant 1 : i32
    %dma_wait3A_492 = arith.constant 0 : i32
    %dma_wait3A_493 = arith.constant 0 : i32
    %dma_wait3A_494 = tpu.memref_slice %arg6[%rem3A_488, %dma_wait3A_492, %dma_wait3A_493] : memref<4x80x128xf32, #tpu.memory_space<vmem>> -> memref<1x80x128xf32, #tpu.memory_space<vmem>>
    %dma_wait3A_495 = tpu.memref_squeeze %dma_wait3A_494 : memref<1x80x128xf32, #tpu.memory_space<vmem>> -> memref<80x128xf32, #tpu.memory_space<vmem>>
    %dma_wait3A_496 = arith.constant 0 : i32
    %dma_wait3A_497 = tpu.memref_slice %arg5[%rem3A_490, %dma_wait3A_491, %dma_wait3A_496] : memref<6x2x80xi32, #tpu.memory_space<vmem>> -> memref<1x1x80xi32, #tpu.memory_space<vmem>>
    %dma_wait3A_498 = tpu.memref_squeeze %dma_wait3A_497 : memref<1x1x80xi32, #tpu.memory_space<vmem>> -> memref<80xi32, #tpu.memory_space<vmem>>
    %dma_wait3A_499 = arith.constant 0 : i32
    %dma_wait3A_500 = arith.constant 0 : i32
    %dma_wait3A_501 = tpu.memref_slice %arg7[%dma_wait3A_499, %dma_wait3A_500] : memref<10240x128xf32, #tpu.memory_space<vmem_shared>> -> memref<10240x128xf32, #tpu.memory_space<vmem_shared>>
    %dma_wait3A_502 = tpu.memref_slice %arg10[%rem3A_488] : memref<4x!tpu.dma_semaphore, #tpu.memory_space<semaphore_mem>> -> memref<1x!tpu.dma_semaphore, #tpu.memory_space<semaphore_mem>>
    %dma_wait3A_503 = tpu.memref_squeeze %dma_wait3A_502 : memref<1x!tpu.dma_semaphore, #tpu.memory_space<semaphore_mem>> -> memref<!tpu.dma_semaphore, #tpu.memory_space<semaphore_mem>>
    tpu.wait_indirect_dma semaphore(%dma_wait3A_503 : memref<!tpu.dma_semaphore, #tpu.memory_space<semaphore_mem>>) src(%dma_wait3A_495 : memref<80x128xf32, #tpu.memory_space<vmem>>) dst(%dma_wait3A_501 : memref<10240x128xf32, #tpu.memory_space<vmem_shared>>)
    %barrier3A_504 = arith.constant 0 : index
    tpu.barrier barrier_id(%barrier3A_504)
    "tpu.region"() ({
      %run_scoped3A = tpu.sem_alloc : memref<!tpu.dma_semaphore, #tpu.memory_space<semaphore_mem>>
      %dma_start3A_505 = arith.constant 0 : i32
      %dma_start3A_506 = tpu.memref_slice %arg4[%arg0, %mul3A_14, %dma_start3A_505] : memref<2x10240x128xf32, #tpu.memory_space<hbm>> -> memref<1x640x128xf32, #tpu.memory_space<hbm>>
      %dma_start3A_507 = tpu.memref_squeeze %dma_start3A_506 : memref<1x640x128xf32, #tpu.memory_space<hbm>> -> memref<640x128xf32, #tpu.memory_space<hbm>>
      %dma_start3A_508 = arith.constant 0 : i32
      %dma_start3A_509 = tpu.memref_slice %arg7[%mul3A_14, %dma_start3A_508] : memref<10240x128xf32, #tpu.memory_space<vmem_shared>> -> memref<640x128xf32, #tpu.memory_space<vmem_shared>>
      tpu.enqueue_dma source(%dma_start3A_509 : memref<640x128xf32, #tpu.memory_space<vmem_shared>>) target(%dma_start3A_507 : memref<640x128xf32, #tpu.memory_space<hbm>>) target_semaphore(%run_scoped3A : memref<!tpu.dma_semaphore, #tpu.memory_space<semaphore_mem>>)
      %dma_wait3A_510 = arith.constant 0 : i32
      %dma_wait3A_511 = tpu.memref_slice %arg4[%arg0, %mul3A_14, %dma_wait3A_510] : memref<2x10240x128xf32, #tpu.memory_space<hbm>> -> memref<1x640x128xf32, #tpu.memory_space<hbm>>
      %dma_wait3A_512 = tpu.memref_squeeze %dma_wait3A_511 : memref<1x640x128xf32, #tpu.memory_space<hbm>> -> memref<640x128xf32, #tpu.memory_space<hbm>>
      %dma_wait3A_513 = arith.constant 0 : i32
      %dma_wait3A_514 = tpu.memref_slice %arg7[%mul3A_14, %dma_wait3A_513] : memref<10240x128xf32, #tpu.memory_space<vmem_shared>> -> memref<640x128xf32, #tpu.memory_space<vmem_shared>>
      tpu.wait_dma2 semaphore(%run_scoped3A : memref<!tpu.dma_semaphore, #tpu.memory_space<semaphore_mem>>) src(%dma_wait3A_514 : memref<640x128xf32, #tpu.memory_space<vmem_shared>>) dst(%dma_wait3A_512 : memref<640x128xf32, #tpu.memory_space<hbm>>)
      tpu.yield
    }) : () -> ()
    return
  }
}

#map = affine_map<(d0, d1) -> (0, 0, 0, 0)>
#map1 = affine_map<(d0, d1) -> (0, 0)>
module attributes {stable_mosaic.version = 14 : i64} {
  func.func @_deg_kernel(%arg0: i32, %arg1: i32, %arg2: memref<2x4000x1x80xi32, #tpu.memory_space<hbm>>, %arg3: memref<4x10240xf32, #tpu.memory_space<hbm>>, %arg4: memref<125x1x80xi32, #tpu.memory_space<vmem>>, %arg5: memref<125x1x80xi32, #tpu.memory_space<vmem>>, %arg6: memref<!tpu.dma_semaphore, #tpu.memory_space<semaphore_mem>>, %arg7: memref<10240xf32, #tpu.memory_space<vmem>>, %arg8: memref<10240xf32, #tpu.memory_space<vmem>>, %arg9: memref<16x1x640xf32, #tpu.memory_space<vmem>>, %arg10: memref<640xf32, #tpu.memory_space<vmem>>, %arg11: memref<2x16x1x10240xf32, #tpu.memory_space<vmem_shared>>) attributes {dimension_semantics = [#tpu.dimension_semantics<core_parallel>, #tpu.dimension_semantics<subcore_parallel>], iteration_bounds = array<i64: 2, 16>, scalar_prefetch = 0 : i64, scratch_operands = 8 : i64, tpu.core_type = #tpu.core_type<sc_vector_subcore>, window_params = [{transform_indices = #map}, {transform_indices = #map1}]} {
    %mul3A = arith.constant 2 : i32
    %mul3A_0 = arith.muli %arg1, %mul3A : i32
    %add3A = arith.addi %mul3A_0, %arg0 : i32
    %mul3A_1 = arith.constant 10000 : i32
    %mul3A_2 = arith.muli %add3A, %mul3A_1 : i32
    %broadcast_in_dim3A = arith.constant 1.000000e+00 : f32
    %broadcast_in_dim3A_3 = vector.broadcast %broadcast_in_dim3A : f32 to vector<16xf32>
    %broadcast_in_dim3A_4 = arith.constant 0.000000e+00 : f32
    %broadcast_in_dim3A_5 = vector.broadcast %broadcast_in_dim3A_4 : f32 to vector<16xf32>
    %scan3A = arith.constant 0 : i32
    %scan3A_6 = arith.constant 80 : i32
    %scan3A_7 = arith.addi %scan3A, %scan3A_6 : i32
    %scan3A_8 = arith.constant 1 : i32
    scf.for %scan3A_66 = %scan3A to %scan3A_7 step %scan3A_8  : i32 {
      %mul3A_67 = arith.constant 8 : i32
      %mul3A_68 = arith.muli %scan3A_66, %mul3A_67 : i32
      %add3A_69 = arith.constant 0 : i32
      %add3A_70 = arith.addi %mul3A_68, %add3A_69 : i32
      %mul3A_71 = arith.constant 16 : i32
      %mul3A_72 = arith.muli %add3A_70, %mul3A_71 : i32
      %swap3A = arith.index_cast %mul3A_72 : i32 to index
      %swap3A_73 = tpu.vector_load %arg7[%swap3A] {strides = array<i32>} : memref<10240xf32, #tpu.memory_space<vmem>>, vector<16xf32>,
      tpu.vector_store %arg7[%swap3A], %broadcast_in_dim3A_5 {strides = array<i32>} : memref<10240xf32, #tpu.memory_space<vmem>>, vector<16xf32>,
      %mul3A_74 = arith.constant 8 : i32
      %mul3A_75 = arith.muli %scan3A_66, %mul3A_74 : i32
      %add3A_76 = arith.constant 0 : i32
      %add3A_77 = arith.addi %mul3A_75, %add3A_76 : i32
      %mul3A_78 = arith.constant 16 : i32
      %mul3A_79 = arith.muli %add3A_77, %mul3A_78 : i32
      %swap3A_80 = arith.index_cast %mul3A_79 : i32 to index
      %swap3A_81 = tpu.vector_load %arg8[%swap3A_80] {strides = array<i32>} : memref<10240xf32, #tpu.memory_space<vmem>>, vector<16xf32>,
      tpu.vector_store %arg8[%swap3A_80], %broadcast_in_dim3A_5 {strides = array<i32>} : memref<10240xf32, #tpu.memory_space<vmem>>, vector<16xf32>,
      %mul3A_82 = arith.constant 8 : i32
      %mul3A_83 = arith.muli %scan3A_66, %mul3A_82 : i32
      %add3A_84 = arith.constant 1 : i32
      %add3A_85 = arith.addi %mul3A_83, %add3A_84 : i32
      %mul3A_86 = arith.constant 16 : i32
      %mul3A_87 = arith.muli %add3A_85, %mul3A_86 : i32
      %swap3A_88 = arith.index_cast %mul3A_87 : i32 to index
      %swap3A_89 = tpu.vector_load %arg7[%swap3A_88] {strides = array<i32>} : memref<10240xf32, #tpu.memory_space<vmem>>, vector<16xf32>,
      tpu.vector_store %arg7[%swap3A_88], %broadcast_in_dim3A_5 {strides = array<i32>} : memref<10240xf32, #tpu.memory_space<vmem>>, vector<16xf32>,
      %mul3A_90 = arith.constant 8 : i32
      %mul3A_91 = arith.muli %scan3A_66, %mul3A_90 : i32
      %add3A_92 = arith.constant 1 : i32
      %add3A_93 = arith.addi %mul3A_91, %add3A_92 : i32
      %mul3A_94 = arith.constant 16 : i32
      %mul3A_95 = arith.muli %add3A_93, %mul3A_94 : i32
      %swap3A_96 = arith.index_cast %mul3A_95 : i32 to index
      %swap3A_97 = tpu.vector_load %arg8[%swap3A_96] {strides = array<i32>} : memref<10240xf32, #tpu.memory_space<vmem>>, vector<16xf32>,
      tpu.vector_store %arg8[%swap3A_96], %broadcast_in_dim3A_5 {strides = array<i32>} : memref<10240xf32, #tpu.memory_space<vmem>>, vector<16xf32>,
      %mul3A_98 = arith.constant 8 : i32
      %mul3A_99 = arith.muli %scan3A_66, %mul3A_98 : i32
      %add3A_100 = arith.constant 2 : i32
      %add3A_101 = arith.addi %mul3A_99, %add3A_100 : i32
      %mul3A_102 = arith.constant 16 : i32
      %mul3A_103 = arith.muli %add3A_101, %mul3A_102 : i32
      %swap3A_104 = arith.index_cast %mul3A_103 : i32 to index
      %swap3A_105 = tpu.vector_load %arg7[%swap3A_104] {strides = array<i32>} : memref<10240xf32, #tpu.memory_space<vmem>>, vector<16xf32>,
      tpu.vector_store %arg7[%swap3A_104], %broadcast_in_dim3A_5 {strides = array<i32>} : memref<10240xf32, #tpu.memory_space<vmem>>, vector<16xf32>,
      %mul3A_106 = arith.constant 8 : i32
      %mul3A_107 = arith.muli %scan3A_66, %mul3A_106 : i32
      %add3A_108 = arith.constant 2 : i32
      %add3A_109 = arith.addi %mul3A_107, %add3A_108 : i32
      %mul3A_110 = arith.constant 16 : i32
      %mul3A_111 = arith.muli %add3A_109, %mul3A_110 : i32
      %swap3A_112 = arith.index_cast %mul3A_111 : i32 to index
      %swap3A_113 = tpu.vector_load %arg8[%swap3A_112] {strides = array<i32>} : memref<10240xf32, #tpu.memory_space<vmem>>, vector<16xf32>,
      tpu.vector_store %arg8[%swap3A_112], %broadcast_in_dim3A_5 {strides = array<i32>} : memref<10240xf32, #tpu.memory_space<vmem>>, vector<16xf32>,
      %mul3A_114 = arith.constant 8 : i32
      %mul3A_115 = arith.muli %scan3A_66, %mul3A_114 : i32
      %add3A_116 = arith.constant 3 : i32
      %add3A_117 = arith.addi %mul3A_115, %add3A_116 : i32
      %mul3A_118 = arith.constant 16 : i32
      %mul3A_119 = arith.muli %add3A_117, %mul3A_118 : i32
      %swap3A_120 = arith.index_cast %mul3A_119 : i32 to index
      %swap3A_121 = tpu.vector_load %arg7[%swap3A_120] {strides = array<i32>} : memref<10240xf32, #tpu.memory_space<vmem>>, vector<16xf32>,
      tpu.vector_store %arg7[%swap3A_120], %broadcast_in_dim3A_5 {strides = array<i32>} : memref<10240xf32, #tpu.memory_space<vmem>>, vector<16xf32>,
      %mul3A_122 = arith.constant 8 : i32
      %mul3A_123 = arith.muli %scan3A_66, %mul3A_122 : i32
      %add3A_124 = arith.constant 3 : i32
      %add3A_125 = arith.addi %mul3A_123, %add3A_124 : i32
      %mul3A_126 = arith.constant 16 : i32
      %mul3A_127 = arith.muli %add3A_125, %mul3A_126 : i32
      %swap3A_128 = arith.index_cast %mul3A_127 : i32 to index
      %swap3A_129 = tpu.vector_load %arg8[%swap3A_128] {strides = array<i32>} : memref<10240xf32, #tpu.memory_space<vmem>>, vector<16xf32>,
      tpu.vector_store %arg8[%swap3A_128], %broadcast_in_dim3A_5 {strides = array<i32>} : memref<10240xf32, #tpu.memory_space<vmem>>, vector<16xf32>,
      %mul3A_130 = arith.constant 8 : i32
      %mul3A_131 = arith.muli %scan3A_66, %mul3A_130 : i32
      %add3A_132 = arith.constant 4 : i32
      %add3A_133 = arith.addi %mul3A_131, %add3A_132 : i32
      %mul3A_134 = arith.constant 16 : i32
      %mul3A_135 = arith.muli %add3A_133, %mul3A_134 : i32
      %swap3A_136 = arith.index_cast %mul3A_135 : i32 to index
      %swap3A_137 = tpu.vector_load %arg7[%swap3A_136] {strides = array<i32>} : memref<10240xf32, #tpu.memory_space<vmem>>, vector<16xf32>,
      tpu.vector_store %arg7[%swap3A_136], %broadcast_in_dim3A_5 {strides = array<i32>} : memref<10240xf32, #tpu.memory_space<vmem>>, vector<16xf32>,
      %mul3A_138 = arith.constant 8 : i32
      %mul3A_139 = arith.muli %scan3A_66, %mul3A_138 : i32
      %add3A_140 = arith.constant 4 : i32
      %add3A_141 = arith.addi %mul3A_139, %add3A_140 : i32
      %mul3A_142 = arith.constant 16 : i32
      %mul3A_143 = arith.muli %add3A_141, %mul3A_142 : i32
      %swap3A_144 = arith.index_cast %mul3A_143 : i32 to index
      %swap3A_145 = tpu.vector_load %arg8[%swap3A_144] {strides = array<i32>} : memref<10240xf32, #tpu.memory_space<vmem>>, vector<16xf32>,
      tpu.vector_store %arg8[%swap3A_144], %broadcast_in_dim3A_5 {strides = array<i32>} : memref<10240xf32, #tpu.memory_space<vmem>>, vector<16xf32>,
      %mul3A_146 = arith.constant 8 : i32
      %mul3A_147 = arith.muli %scan3A_66, %mul3A_146 : i32
      %add3A_148 = arith.constant 5 : i32
      %add3A_149 = arith.addi %mul3A_147, %add3A_148 : i32
      %mul3A_150 = arith.constant 16 : i32
      %mul3A_151 = arith.muli %add3A_149, %mul3A_150 : i32
      %swap3A_152 = arith.index_cast %mul3A_151 : i32 to index
      %swap3A_153 = tpu.vector_load %arg7[%swap3A_152] {strides = array<i32>} : memref<10240xf32, #tpu.memory_space<vmem>>, vector<16xf32>,
      tpu.vector_store %arg7[%swap3A_152], %broadcast_in_dim3A_5 {strides = array<i32>} : memref<10240xf32, #tpu.memory_space<vmem>>, vector<16xf32>,
      %mul3A_154 = arith.constant 8 : i32
      %mul3A_155 = arith.muli %scan3A_66, %mul3A_154 : i32
      %add3A_156 = arith.constant 5 : i32
      %add3A_157 = arith.addi %mul3A_155, %add3A_156 : i32
      %mul3A_158 = arith.constant 16 : i32
      %mul3A_159 = arith.muli %add3A_157, %mul3A_158 : i32
      %swap3A_160 = arith.index_cast %mul3A_159 : i32 to index
      %swap3A_161 = tpu.vector_load %arg8[%swap3A_160] {strides = array<i32>} : memref<10240xf32, #tpu.memory_space<vmem>>, vector<16xf32>,
      tpu.vector_store %arg8[%swap3A_160], %broadcast_in_dim3A_5 {strides = array<i32>} : memref<10240xf32, #tpu.memory_space<vmem>>, vector<16xf32>,
      %mul3A_162 = arith.constant 8 : i32
      %mul3A_163 = arith.muli %scan3A_66, %mul3A_162 : i32
      %add3A_164 = arith.constant 6 : i32
      %add3A_165 = arith.addi %mul3A_163, %add3A_164 : i32
      %mul3A_166 = arith.constant 16 : i32
      %mul3A_167 = arith.muli %add3A_165, %mul3A_166 : i32
      %swap3A_168 = arith.index_cast %mul3A_167 : i32 to index
      %swap3A_169 = tpu.vector_load %arg7[%swap3A_168] {strides = array<i32>} : memref<10240xf32, #tpu.memory_space<vmem>>, vector<16xf32>,
      tpu.vector_store %arg7[%swap3A_168], %broadcast_in_dim3A_5 {strides = array<i32>} : memref<10240xf32, #tpu.memory_space<vmem>>, vector<16xf32>,
      %mul3A_170 = arith.constant 8 : i32
      %mul3A_171 = arith.muli %scan3A_66, %mul3A_170 : i32
      %add3A_172 = arith.constant 6 : i32
      %add3A_173 = arith.addi %mul3A_171, %add3A_172 : i32
      %mul3A_174 = arith.constant 16 : i32
      %mul3A_175 = arith.muli %add3A_173, %mul3A_174 : i32
      %swap3A_176 = arith.index_cast %mul3A_175 : i32 to index
      %swap3A_177 = tpu.vector_load %arg8[%swap3A_176] {strides = array<i32>} : memref<10240xf32, #tpu.memory_space<vmem>>, vector<16xf32>,
      tpu.vector_store %arg8[%swap3A_176], %broadcast_in_dim3A_5 {strides = array<i32>} : memref<10240xf32, #tpu.memory_space<vmem>>, vector<16xf32>,
      %mul3A_178 = arith.constant 8 : i32
      %mul3A_179 = arith.muli %scan3A_66, %mul3A_178 : i32
      %add3A_180 = arith.constant 7 : i32
      %add3A_181 = arith.addi %mul3A_179, %add3A_180 : i32
      %mul3A_182 = arith.constant 16 : i32
      %mul3A_183 = arith.muli %add3A_181, %mul3A_182 : i32
      %swap3A_184 = arith.index_cast %mul3A_183 : i32 to index
      %swap3A_185 = tpu.vector_load %arg7[%swap3A_184] {strides = array<i32>} : memref<10240xf32, #tpu.memory_space<vmem>>, vector<16xf32>,
      tpu.vector_store %arg7[%swap3A_184], %broadcast_in_dim3A_5 {strides = array<i32>} : memref<10240xf32, #tpu.memory_space<vmem>>, vector<16xf32>,
      %mul3A_186 = arith.constant 8 : i32
      %mul3A_187 = arith.muli %scan3A_66, %mul3A_186 : i32
      %add3A_188 = arith.constant 7 : i32
      %add3A_189 = arith.addi %mul3A_187, %add3A_188 : i32
      %mul3A_190 = arith.constant 16 : i32
      %mul3A_191 = arith.muli %add3A_189, %mul3A_190 : i32
      %swap3A_192 = arith.index_cast %mul3A_191 : i32 to index
      %swap3A_193 = tpu.vector_load %arg8[%swap3A_192] {strides = array<i32>} : memref<10240xf32, #tpu.memory_space<vmem>>, vector<16xf32>,
      tpu.vector_store %arg8[%swap3A_192], %broadcast_in_dim3A_5 {strides = array<i32>} : memref<10240xf32, #tpu.memory_space<vmem>>, vector<16xf32>,
    }
    %scan3A_9 = arith.constant 80 : i32
    %mul3A_10 = arith.constant 125 : i32
    %mul3A_11 = arith.muli %add3A, %mul3A_10 : i32
    %dma_start3A = arith.constant 1 : i32
    %dma_start3A_12 = arith.constant 0 : i32
    %dma_start3A_13 = arith.constant 0 : i32
    %dma_start3A_14 = tpu.memref_slice %arg2[%dma_start3A, %mul3A_11, %dma_start3A_12, %dma_start3A_13] : memref<2x4000x1x80xi32, #tpu.memory_space<hbm>> -> memref<1x125x1x80xi32, #tpu.memory_space<hbm>>
    %dma_start3A_15 = tpu.memref_squeeze %dma_start3A_14 : memref<1x125x1x80xi32, #tpu.memory_space<hbm>> -> memref<125x1x80xi32, #tpu.memory_space<hbm>>
    %dma_start3A_16 = arith.constant 0 : i32
    %dma_start3A_17 = arith.constant 0 : i32
    %dma_start3A_18 = tpu.memref_slice %arg2[%dma_start3A, %mul3A_11, %dma_start3A_16, %dma_start3A_17] : memref<2x4000x1x80xi32, #tpu.memory_space<hbm>> -> memref<1x125x1x80xi32, #tpu.memory_space<hbm>>
    %dma_start3A_19 = tpu.memref_squeeze %dma_start3A_18 : memref<1x125x1x80xi32, #tpu.memory_space<hbm>> -> memref<125x1x80xi32, #tpu.memory_space<hbm>>
    tpu.enqueue_dma source(%dma_start3A_19 : memref<125x1x80xi32, #tpu.memory_space<hbm>>) target(%arg5 : memref<125x1x80xi32, #tpu.memory_space<vmem>>) target_semaphore(%arg6 : memref<!tpu.dma_semaphore, #tpu.memory_space<semaphore_mem>>)
    %mul3A_20 = arith.constant 125 : i32
    %mul3A_21 = arith.muli %add3A, %mul3A_20 : i32
    %run_scoped3A = arith.constant 0 : i32
    "tpu.region"() ({
      %run_scoped3A_66 = tpu.sem_alloc : memref<!tpu.dma_semaphore, #tpu.memory_space<semaphore_mem>>
      %dma_start3A_67 = arith.constant 0 : i32
      %dma_start3A_68 = arith.constant 0 : i32
      %dma_start3A_69 = tpu.memref_slice %arg2[%run_scoped3A, %mul3A_21, %dma_start3A_67, %dma_start3A_68] : memref<2x4000x1x80xi32, #tpu.memory_space<hbm>> -> memref<1x125x1x80xi32, #tpu.memory_space<hbm>>
      %dma_start3A_70 = tpu.memref_squeeze %dma_start3A_69 : memref<1x125x1x80xi32, #tpu.memory_space<hbm>> -> memref<125x1x80xi32, #tpu.memory_space<hbm>>
      %dma_start3A_71 = arith.constant 0 : i32
      %dma_start3A_72 = arith.constant 0 : i32
      %dma_start3A_73 = tpu.memref_slice %arg2[%run_scoped3A, %mul3A_21, %dma_start3A_71, %dma_start3A_72] : memref<2x4000x1x80xi32, #tpu.memory_space<hbm>> -> memref<1x125x1x80xi32, #tpu.memory_space<hbm>>
      %dma_start3A_74 = tpu.memref_squeeze %dma_start3A_73 : memref<1x125x1x80xi32, #tpu.memory_space<hbm>> -> memref<125x1x80xi32, #tpu.memory_space<hbm>>
      tpu.enqueue_dma source(%dma_start3A_74 : memref<125x1x80xi32, #tpu.memory_space<hbm>>) target(%arg4 : memref<125x1x80xi32, #tpu.memory_space<vmem>>) target_semaphore(%run_scoped3A_66 : memref<!tpu.dma_semaphore, #tpu.memory_space<semaphore_mem>>)
      %dma_wait3A_75 = arith.constant 0 : i32
      %dma_wait3A_76 = arith.constant 0 : i32
      %dma_wait3A_77 = tpu.memref_slice %arg2[%run_scoped3A, %mul3A_21, %dma_wait3A_75, %dma_wait3A_76] : memref<2x4000x1x80xi32, #tpu.memory_space<hbm>> -> memref<1x125x1x80xi32, #tpu.memory_space<hbm>>
      %dma_wait3A_78 = tpu.memref_squeeze %dma_wait3A_77 : memref<1x125x1x80xi32, #tpu.memory_space<hbm>> -> memref<125x1x80xi32, #tpu.memory_space<hbm>>
      %dma_wait3A_79 = arith.constant 0 : i32
      %dma_wait3A_80 = arith.constant 0 : i32
      %dma_wait3A_81 = tpu.memref_slice %arg2[%run_scoped3A, %mul3A_21, %dma_wait3A_79, %dma_wait3A_80] : memref<2x4000x1x80xi32, #tpu.memory_space<hbm>> -> memref<1x125x1x80xi32, #tpu.memory_space<hbm>>
      %dma_wait3A_82 = tpu.memref_squeeze %dma_wait3A_81 : memref<1x125x1x80xi32, #tpu.memory_space<hbm>> -> memref<125x1x80xi32, #tpu.memory_space<hbm>>
      tpu.wait_dma2 semaphore(%run_scoped3A_66 : memref<!tpu.dma_semaphore, #tpu.memory_space<semaphore_mem>>) src(%dma_wait3A_82 : memref<125x1x80xi32, #tpu.memory_space<hbm>>) dst(%arg4 : memref<125x1x80xi32, #tpu.memory_space<vmem>>)
      tpu.yield
    }) : () -> ()
    %scan3A_22 = arith.constant 0 : i32
    %scan3A_23 = arith.constant 125 : i32
    %scan3A_24 = arith.addi %scan3A_22, %scan3A_23 : i32
    %scan3A_25 = arith.constant 1 : i32
    scf.for %scan3A_66 = %scan3A_22 to %scan3A_24 step %scan3A_25  : i32 {
      %get3A = arith.constant 0 : i32
      %get3A_67 = arith.index_cast %scan3A_66 : i32 to index
      %get3A_68 = arith.index_cast %get3A : i32 to index
      %get3A_69 = arith.constant 0 : index
      %get3A_70 = tpu.vector_load %arg4[%get3A_67, %get3A_68, %get3A_69] {strides = array<i32>} : memref<125x1x80xi32, #tpu.memory_space<vmem>>, vector<16xi32>,
      tpu.vector_store_idx %arg7[%get3A_70], %broadcast_in_dim3A_3 {add = true} : memref<10240xf32, #tpu.memory_space<vmem>>[vector<16xi32>], vector<16xf32>,
      %get3A_71 = arith.constant 0 : i32
      %get3A_72 = arith.index_cast %scan3A_66 : i32 to index
      %get3A_73 = arith.index_cast %get3A_71 : i32 to index
      %get3A_74 = arith.constant 16 : index
      %get3A_75 = tpu.vector_load %arg4[%get3A_72, %get3A_73, %get3A_74] {strides = array<i32>} : memref<125x1x80xi32, #tpu.memory_space<vmem>>, vector<16xi32>,
      tpu.vector_store_idx %arg7[%get3A_75], %broadcast_in_dim3A_3 {add = true} : memref<10240xf32, #tpu.memory_space<vmem>>[vector<16xi32>], vector<16xf32>,
      %get3A_76 = arith.constant 0 : i32
      %get3A_77 = arith.index_cast %scan3A_66 : i32 to index
      %get3A_78 = arith.index_cast %get3A_76 : i32 to index
      %get3A_79 = arith.constant 32 : index
      %get3A_80 = tpu.vector_load %arg4[%get3A_77, %get3A_78, %get3A_79] {strides = array<i32>} : memref<125x1x80xi32, #tpu.memory_space<vmem>>, vector<16xi32>,
      tpu.vector_store_idx %arg7[%get3A_80], %broadcast_in_dim3A_3 {add = true} : memref<10240xf32, #tpu.memory_space<vmem>>[vector<16xi32>], vector<16xf32>,
      %get3A_81 = arith.constant 0 : i32
      %get3A_82 = arith.index_cast %scan3A_66 : i32 to index
      %get3A_83 = arith.index_cast %get3A_81 : i32 to index
      %get3A_84 = arith.constant 48 : index
      %get3A_85 = tpu.vector_load %arg4[%get3A_82, %get3A_83, %get3A_84] {strides = array<i32>} : memref<125x1x80xi32, #tpu.memory_space<vmem>>, vector<16xi32>,
      tpu.vector_store_idx %arg7[%get3A_85], %broadcast_in_dim3A_3 {add = true} : memref<10240xf32, #tpu.memory_space<vmem>>[vector<16xi32>], vector<16xf32>,
      %get3A_86 = arith.constant 0 : i32
      %get3A_87 = arith.index_cast %scan3A_66 : i32 to index
      %get3A_88 = arith.index_cast %get3A_86 : i32 to index
      %get3A_89 = arith.constant 64 : index
      %get3A_90 = tpu.vector_load %arg4[%get3A_87, %get3A_88, %get3A_89] {strides = array<i32>} : memref<125x1x80xi32, #tpu.memory_space<vmem>>, vector<16xi32>,
      tpu.vector_store_idx %arg7[%get3A_90], %broadcast_in_dim3A_3 {add = true} : memref<10240xf32, #tpu.memory_space<vmem>>[vector<16xi32>], vector<16xf32>,
    }
    %scan3A_26 = arith.constant 125 : i32
    %dma_wait3A = arith.constant 1 : i32
    %dma_wait3A_27 = arith.constant 0 : i32
    %dma_wait3A_28 = arith.constant 0 : i32
    %dma_wait3A_29 = tpu.memref_slice %arg2[%dma_wait3A, %mul3A_11, %dma_wait3A_27, %dma_wait3A_28] : memref<2x4000x1x80xi32, #tpu.memory_space<hbm>> -> memref<1x125x1x80xi32, #tpu.memory_space<hbm>>
    %dma_wait3A_30 = tpu.memref_squeeze %dma_wait3A_29 : memref<1x125x1x80xi32, #tpu.memory_space<hbm>> -> memref<125x1x80xi32, #tpu.memory_space<hbm>>
    %dma_wait3A_31 = arith.constant 0 : i32
    %dma_wait3A_32 = arith.constant 0 : i32
    %dma_wait3A_33 = tpu.memref_slice %arg2[%dma_wait3A, %mul3A_11, %dma_wait3A_31, %dma_wait3A_32] : memref<2x4000x1x80xi32, #tpu.memory_space<hbm>> -> memref<1x125x1x80xi32, #tpu.memory_space<hbm>>
    %dma_wait3A_34 = tpu.memref_squeeze %dma_wait3A_33 : memref<1x125x1x80xi32, #tpu.memory_space<hbm>> -> memref<125x1x80xi32, #tpu.memory_space<hbm>>
    tpu.wait_dma2 semaphore(%arg6 : memref<!tpu.dma_semaphore, #tpu.memory_space<semaphore_mem>>) src(%dma_wait3A_34 : memref<125x1x80xi32, #tpu.memory_space<hbm>>) dst(%arg5 : memref<125x1x80xi32, #tpu.memory_space<vmem>>)
    %scan3A_35 = arith.constant 0 : i32
    %scan3A_36 = arith.constant 125 : i32
    %scan3A_37 = arith.addi %scan3A_35, %scan3A_36 : i32
    %scan3A_38 = arith.constant 1 : i32
    scf.for %scan3A_66 = %scan3A_35 to %scan3A_37 step %scan3A_38  : i32 {
      %get3A = arith.constant 0 : i32
      %get3A_67 = arith.index_cast %scan3A_66 : i32 to index
      %get3A_68 = arith.index_cast %get3A : i32 to index
      %get3A_69 = arith.constant 0 : index
      %get3A_70 = tpu.vector_load %arg5[%get3A_67, %get3A_68, %get3A_69] {strides = array<i32>} : memref<125x1x80xi32, #tpu.memory_space<vmem>>, vector<16xi32>,
      tpu.vector_store_idx %arg8[%get3A_70], %broadcast_in_dim3A_3 {add = true} : memref<10240xf32, #tpu.memory_space<vmem>>[vector<16xi32>], vector<16xf32>,
      %get3A_71 = arith.constant 0 : i32
      %get3A_72 = arith.index_cast %scan3A_66 : i32 to index
      %get3A_73 = arith.index_cast %get3A_71 : i32 to index
      %get3A_74 = arith.constant 16 : index
      %get3A_75 = tpu.vector_load %arg5[%get3A_72, %get3A_73, %get3A_74] {strides = array<i32>} : memref<125x1x80xi32, #tpu.memory_space<vmem>>, vector<16xi32>,
      tpu.vector_store_idx %arg8[%get3A_75], %broadcast_in_dim3A_3 {add = true} : memref<10240xf32, #tpu.memory_space<vmem>>[vector<16xi32>], vector<16xf32>,
      %get3A_76 = arith.constant 0 : i32
      %get3A_77 = arith.index_cast %scan3A_66 : i32 to index
      %get3A_78 = arith.index_cast %get3A_76 : i32 to index
      %get3A_79 = arith.constant 32 : index
      %get3A_80 = tpu.vector_load %arg5[%get3A_77, %get3A_78, %get3A_79] {strides = array<i32>} : memref<125x1x80xi32, #tpu.memory_space<vmem>>, vector<16xi32>,
      tpu.vector_store_idx %arg8[%get3A_80], %broadcast_in_dim3A_3 {add = true} : memref<10240xf32, #tpu.memory_space<vmem>>[vector<16xi32>], vector<16xf32>,
      %get3A_81 = arith.constant 0 : i32
      %get3A_82 = arith.index_cast %scan3A_66 : i32 to index
      %get3A_83 = arith.index_cast %get3A_81 : i32 to index
      %get3A_84 = arith.constant 48 : index
      %get3A_85 = tpu.vector_load %arg5[%get3A_82, %get3A_83, %get3A_84] {strides = array<i32>} : memref<125x1x80xi32, #tpu.memory_space<vmem>>, vector<16xi32>,
      tpu.vector_store_idx %arg8[%get3A_85], %broadcast_in_dim3A_3 {add = true} : memref<10240xf32, #tpu.memory_space<vmem>>[vector<16xi32>], vector<16xf32>,
      %get3A_86 = arith.constant 0 : i32
      %get3A_87 = arith.index_cast %scan3A_66 : i32 to index
      %get3A_88 = arith.index_cast %get3A_86 : i32 to index
      %get3A_89 = arith.constant 64 : index
      %get3A_90 = tpu.vector_load %arg5[%get3A_87, %get3A_88, %get3A_89] {strides = array<i32>} : memref<125x1x80xi32, #tpu.memory_space<vmem>>, vector<16xi32>,
      tpu.vector_store_idx %arg8[%get3A_90], %broadcast_in_dim3A_3 {add = true} : memref<10240xf32, #tpu.memory_space<vmem>>[vector<16xi32>], vector<16xf32>,
    }
    %scan3A_39 = arith.constant 125 : i32
    %run_scoped3A_40 = arith.constant 0 : i32
    %run_scoped3A_41 = arith.constant 0 : i32
    "tpu.region"() ({
      %run_scoped3A_66 = tpu.sem_alloc : memref<!tpu.dma_semaphore, #tpu.memory_space<semaphore_mem>>
      %dma_start3A_67 = arith.constant 0 : i32
      %dma_start3A_68 = tpu.memref_slice %arg11[%run_scoped3A_40, %arg1, %run_scoped3A_41, %dma_start3A_67] : memref<2x16x1x10240xf32, #tpu.memory_space<vmem_shared>> -> memref<1x1x1x10240xf32, #tpu.memory_space<vmem_shared>>
      %dma_start3A_69 = tpu.memref_squeeze %dma_start3A_68 : memref<1x1x1x10240xf32, #tpu.memory_space<vmem_shared>> -> memref<10240xf32, #tpu.memory_space<vmem_shared>>
      %dma_start3A_70 = arith.constant 0 : i32
      %dma_start3A_71 = tpu.memref_slice %arg11[%run_scoped3A_40, %arg1, %run_scoped3A_41, %dma_start3A_70] : memref<2x16x1x10240xf32, #tpu.memory_space<vmem_shared>> -> memref<1x1x1x10240xf32, #tpu.memory_space<vmem_shared>>
      %dma_start3A_72 = tpu.memref_squeeze %dma_start3A_71 : memref<1x1x1x10240xf32, #tpu.memory_space<vmem_shared>> -> memref<10240xf32, #tpu.memory_space<vmem_shared>>
      tpu.enqueue_dma source(%arg7 : memref<10240xf32, #tpu.memory_space<vmem>>) target(%dma_start3A_72 : memref<10240xf32, #tpu.memory_space<vmem_shared>>) target_semaphore(%run_scoped3A_66 : memref<!tpu.dma_semaphore, #tpu.memory_space<semaphore_mem>>)
      %dma_wait3A_73 = arith.constant 0 : i32
      %dma_wait3A_74 = tpu.memref_slice %arg11[%run_scoped3A_40, %arg1, %run_scoped3A_41, %dma_wait3A_73] : memref<2x16x1x10240xf32, #tpu.memory_space<vmem_shared>> -> memref<1x1x1x10240xf32, #tpu.memory_space<vmem_shared>>
      %dma_wait3A_75 = tpu.memref_squeeze %dma_wait3A_74 : memref<1x1x1x10240xf32, #tpu.memory_space<vmem_shared>> -> memref<10240xf32, #tpu.memory_space<vmem_shared>>
      %dma_wait3A_76 = arith.constant 0 : i32
      %dma_wait3A_77 = tpu.memref_slice %arg11[%run_scoped3A_40, %arg1, %run_scoped3A_41, %dma_wait3A_76] : memref<2x16x1x10240xf32, #tpu.memory_space<vmem_shared>> -> memref<1x1x1x10240xf32, #tpu.memory_space<vmem_shared>>
      %dma_wait3A_78 = tpu.memref_squeeze %dma_wait3A_77 : memref<1x1x1x10240xf32, #tpu.memory_space<vmem_shared>> -> memref<10240xf32, #tpu.memory_space<vmem_shared>>
      tpu.wait_dma2 semaphore(%run_scoped3A_66 : memref<!tpu.dma_semaphore, #tpu.memory_space<semaphore_mem>>) src(%arg7 : memref<10240xf32, #tpu.memory_space<vmem>>) dst(%dma_wait3A_78 : memref<10240xf32, #tpu.memory_space<vmem_shared>>)
      tpu.yield
    }) : () -> ()
    %run_scoped3A_42 = arith.constant 1 : i32
    %run_scoped3A_43 = arith.constant 0 : i32
    "tpu.region"() ({
      %run_scoped3A_66 = tpu.sem_alloc : memref<!tpu.dma_semaphore, #tpu.memory_space<semaphore_mem>>
      %dma_start3A_67 = arith.constant 0 : i32
      %dma_start3A_68 = tpu.memref_slice %arg11[%run_scoped3A_42, %arg1, %run_scoped3A_43, %dma_start3A_67] : memref<2x16x1x10240xf32, #tpu.memory_space<vmem_shared>> -> memref<1x1x1x10240xf32, #tpu.memory_space<vmem_shared>>
      %dma_start3A_69 = tpu.memref_squeeze %dma_start3A_68 : memref<1x1x1x10240xf32, #tpu.memory_space<vmem_shared>> -> memref<10240xf32, #tpu.memory_space<vmem_shared>>
      %dma_start3A_70 = arith.constant 0 : i32
      %dma_start3A_71 = tpu.memref_slice %arg11[%run_scoped3A_42, %arg1, %run_scoped3A_43, %dma_start3A_70] : memref<2x16x1x10240xf32, #tpu.memory_space<vmem_shared>> -> memref<1x1x1x10240xf32, #tpu.memory_space<vmem_shared>>
      %dma_start3A_72 = tpu.memref_squeeze %dma_start3A_71 : memref<1x1x1x10240xf32, #tpu.memory_space<vmem_shared>> -> memref<10240xf32, #tpu.memory_space<vmem_shared>>
      tpu.enqueue_dma source(%arg8 : memref<10240xf32, #tpu.memory_space<vmem>>) target(%dma_start3A_72 : memref<10240xf32, #tpu.memory_space<vmem_shared>>) target_semaphore(%run_scoped3A_66 : memref<!tpu.dma_semaphore, #tpu.memory_space<semaphore_mem>>)
      %dma_wait3A_73 = arith.constant 0 : i32
      %dma_wait3A_74 = tpu.memref_slice %arg11[%run_scoped3A_42, %arg1, %run_scoped3A_43, %dma_wait3A_73] : memref<2x16x1x10240xf32, #tpu.memory_space<vmem_shared>> -> memref<1x1x1x10240xf32, #tpu.memory_space<vmem_shared>>
      %dma_wait3A_75 = tpu.memref_squeeze %dma_wait3A_74 : memref<1x1x1x10240xf32, #tpu.memory_space<vmem_shared>> -> memref<10240xf32, #tpu.memory_space<vmem_shared>>
      %dma_wait3A_76 = arith.constant 0 : i32
      %dma_wait3A_77 = tpu.memref_slice %arg11[%run_scoped3A_42, %arg1, %run_scoped3A_43, %dma_wait3A_76] : memref<2x16x1x10240xf32, #tpu.memory_space<vmem_shared>> -> memref<1x1x1x10240xf32, #tpu.memory_space<vmem_shared>>
      %dma_wait3A_78 = tpu.memref_squeeze %dma_wait3A_77 : memref<1x1x1x10240xf32, #tpu.memory_space<vmem_shared>> -> memref<10240xf32, #tpu.memory_space<vmem_shared>>
      tpu.wait_dma2 semaphore(%run_scoped3A_66 : memref<!tpu.dma_semaphore, #tpu.memory_space<semaphore_mem>>) src(%arg8 : memref<10240xf32, #tpu.memory_space<vmem>>) dst(%dma_wait3A_78 : memref<10240xf32, #tpu.memory_space<vmem_shared>>)
      tpu.yield
    }) : () -> ()
    %barrier3A = arith.constant 0 : index
    tpu.barrier barrier_id(%barrier3A)
    %mul3A_44 = arith.constant 640 : i32
    %mul3A_45 = arith.muli %arg1, %mul3A_44 : i32
    %run_scoped3A_46 = arith.constant 0 : i32
    "tpu.region"() ({
      %run_scoped3A_66 = tpu.sem_alloc : memref<!tpu.dma_semaphore, #tpu.memory_space<semaphore_mem>>
      %dma_start3A_67 = arith.constant 0 : i32
      %dma_start3A_68 = arith.constant 0 : i32
      %dma_start3A_69 = tpu.memref_slice %arg11[%run_scoped3A_46, %dma_start3A_67, %dma_start3A_68, %mul3A_45] : memref<2x16x1x10240xf32, #tpu.memory_space<vmem_shared>> -> memref<1x16x1x640xf32, #tpu.memory_space<vmem_shared>>
      %dma_start3A_70 = tpu.memref_squeeze %dma_start3A_69 : memref<1x16x1x640xf32, #tpu.memory_space<vmem_shared>> -> memref<16x1x640xf32, #tpu.memory_space<vmem_shared>>
      %dma_start3A_71 = arith.constant 0 : i32
      %dma_start3A_72 = arith.constant 0 : i32
      %dma_start3A_73 = tpu.memref_slice %arg11[%run_scoped3A_46, %dma_start3A_71, %dma_start3A_72, %mul3A_45] : memref<2x16x1x10240xf32, #tpu.memory_space<vmem_shared>> -> memref<1x16x1x640xf32, #tpu.memory_space<vmem_shared>>
      %dma_start3A_74 = tpu.memref_squeeze %dma_start3A_73 : memref<1x16x1x640xf32, #tpu.memory_space<vmem_shared>> -> memref<16x1x640xf32, #tpu.memory_space<vmem_shared>>
      tpu.enqueue_dma source(%dma_start3A_74 : memref<16x1x640xf32, #tpu.memory_space<vmem_shared>>) target(%arg9 : memref<16x1x640xf32, #tpu.memory_space<vmem>>) target_semaphore(%run_scoped3A_66 : memref<!tpu.dma_semaphore, #tpu.memory_space<semaphore_mem>>)
      %dma_wait3A_75 = arith.constant 0 : i32
      %dma_wait3A_76 = arith.constant 0 : i32
      %dma_wait3A_77 = tpu.memref_slice %arg11[%run_scoped3A_46, %dma_wait3A_75, %dma_wait3A_76, %mul3A_45] : memref<2x16x1x10240xf32, #tpu.memory_space<vmem_shared>> -> memref<1x16x1x640xf32, #tpu.memory_space<vmem_shared>>
      %dma_wait3A_78 = tpu.memref_squeeze %dma_wait3A_77 : memref<1x16x1x640xf32, #tpu.memory_space<vmem_shared>> -> memref<16x1x640xf32, #tpu.memory_space<vmem_shared>>
      %dma_wait3A_79 = arith.constant 0 : i32
      %dma_wait3A_80 = arith.constant 0 : i32
      %dma_wait3A_81 = tpu.memref_slice %arg11[%run_scoped3A_46, %dma_wait3A_79, %dma_wait3A_80, %mul3A_45] : memref<2x16x1x10240xf32, #tpu.memory_space<vmem_shared>> -> memref<1x16x1x640xf32, #tpu.memory_space<vmem_shared>>
      %dma_wait3A_82 = tpu.memref_squeeze %dma_wait3A_81 : memref<1x16x1x640xf32, #tpu.memory_space<vmem_shared>> -> memref<16x1x640xf32, #tpu.memory_space<vmem_shared>>
      tpu.wait_dma2 semaphore(%run_scoped3A_66 : memref<!tpu.dma_semaphore, #tpu.memory_space<semaphore_mem>>) src(%dma_wait3A_82 : memref<16x1x640xf32, #tpu.memory_space<vmem_shared>>) dst(%arg9 : memref<16x1x640xf32, #tpu.memory_space<vmem>>)
      tpu.yield
    }) : () -> ()
    %scan3A_47 = arith.constant 0 : i32
    %scan3A_48 = arith.constant 40 : i32
    %scan3A_49 = arith.addi %scan3A_47, %scan3A_48 : i32
    %scan3A_50 = arith.constant 1 : i32
    scf.for %scan3A_66 = %scan3A_47 to %scan3A_49 step %scan3A_50  : i32 {
      %mul3A_67 = arith.constant 16 : i32
      %mul3A_68 = arith.muli %scan3A_66, %mul3A_67 : i32
      %get3A = arith.constant 0 : i32
      %get3A_69 = arith.constant 0 : i32
      %get3A_70 = arith.index_cast %get3A : i32 to index
      %get3A_71 = arith.index_cast %get3A_69 : i32 to index
      %get3A_72 = arith.index_cast %mul3A_68 : i32 to index
      %get3A_73 = tpu.vector_load %arg9[%get3A_70, %get3A_71, %get3A_72] {strides = array<i32>} : memref<16x1x640xf32, #tpu.memory_space<vmem>>, vector<16xf32>,
      %mul3A_74 = arith.constant 16 : i32
      %mul3A_75 = arith.muli %scan3A_66, %mul3A_74 : i32
      %get3A_76 = arith.constant 1 : i32
      %get3A_77 = arith.constant 0 : i32
      %get3A_78 = arith.index_cast %get3A_76 : i32 to index
      %get3A_79 = arith.index_cast %get3A_77 : i32 to index
      %get3A_80 = arith.index_cast %mul3A_75 : i32 to index
      %get3A_81 = tpu.vector_load %arg9[%get3A_78, %get3A_79, %get3A_80] {strides = array<i32>} : memref<16x1x640xf32, #tpu.memory_space<vmem>>, vector<16xf32>,
      %add3A_82 = arith.addf %get3A_73, %get3A_81 : vector<16xf32>
      %mul3A_83 = arith.constant 16 : i32
      %mul3A_84 = arith.muli %scan3A_66, %mul3A_83 : i32
      %get3A_85 = arith.constant 2 : i32
      %get3A_86 = arith.constant 0 : i32
      %get3A_87 = arith.index_cast %get3A_85 : i32 to index
      %get3A_88 = arith.index_cast %get3A_86 : i32 to index
      %get3A_89 = arith.index_cast %mul3A_84 : i32 to index
      %get3A_90 = tpu.vector_load %arg9[%get3A_87, %get3A_88, %get3A_89] {strides = array<i32>} : memref<16x1x640xf32, #tpu.memory_space<vmem>>, vector<16xf32>,
      %add3A_91 = arith.addf %add3A_82, %get3A_90 : vector<16xf32>
      %mul3A_92 = arith.constant 16 : i32
      %mul3A_93 = arith.muli %scan3A_66, %mul3A_92 : i32
      %get3A_94 = arith.constant 3 : i32
      %get3A_95 = arith.constant 0 : i32
      %get3A_96 = arith.index_cast %get3A_94 : i32 to index
      %get3A_97 = arith.index_cast %get3A_95 : i32 to index
      %get3A_98 = arith.index_cast %mul3A_93 : i32 to index
      %get3A_99 = tpu.vector_load %arg9[%get3A_96, %get3A_97, %get3A_98] {strides = array<i32>} : memref<16x1x640xf32, #tpu.memory_space<vmem>>, vector<16xf32>,
      %add3A_100 = arith.addf %add3A_91, %get3A_99 : vector<16xf32>
      %mul3A_101 = arith.constant 16 : i32
      %mul3A_102 = arith.muli %scan3A_66, %mul3A_101 : i32
      %get3A_103 = arith.constant 4 : i32
      %get3A_104 = arith.constant 0 : i32
      %get3A_105 = arith.index_cast %get3A_103 : i32 to index
      %get3A_106 = arith.index_cast %get3A_104 : i32 to index
      %get3A_107 = arith.index_cast %mul3A_102 : i32 to index
      %get3A_108 = tpu.vector_load %arg9[%get3A_105, %get3A_106, %get3A_107] {strides = array<i32>} : memref<16x1x640xf32, #tpu.memory_space<vmem>>, vector<16xf32>,
      %add3A_109 = arith.addf %add3A_100, %get3A_108 : vector<16xf32>
      %mul3A_110 = arith.constant 16 : i32
      %mul3A_111 = arith.muli %scan3A_66, %mul3A_110 : i32
      %get3A_112 = arith.constant 5 : i32
      %get3A_113 = arith.constant 0 : i32
      %get3A_114 = arith.index_cast %get3A_112 : i32 to index
      %get3A_115 = arith.index_cast %get3A_113 : i32 to index
      %get3A_116 = arith.index_cast %mul3A_111 : i32 to index
      %get3A_117 = tpu.vector_load %arg9[%get3A_114, %get3A_115, %get3A_116] {strides = array<i32>} : memref<16x1x640xf32, #tpu.memory_space<vmem>>, vector<16xf32>,
      %add3A_118 = arith.addf %add3A_109, %get3A_117 : vector<16xf32>
      %mul3A_119 = arith.constant 16 : i32
      %mul3A_120 = arith.muli %scan3A_66, %mul3A_119 : i32
      %get3A_121 = arith.constant 6 : i32
      %get3A_122 = arith.constant 0 : i32
      %get3A_123 = arith.index_cast %get3A_121 : i32 to index
      %get3A_124 = arith.index_cast %get3A_122 : i32 to index
      %get3A_125 = arith.index_cast %mul3A_120 : i32 to index
      %get3A_126 = tpu.vector_load %arg9[%get3A_123, %get3A_124, %get3A_125] {strides = array<i32>} : memref<16x1x640xf32, #tpu.memory_space<vmem>>, vector<16xf32>,
      %add3A_127 = arith.addf %add3A_118, %get3A_126 : vector<16xf32>
      %mul3A_128 = arith.constant 16 : i32
      %mul3A_129 = arith.muli %scan3A_66, %mul3A_128 : i32
      %get3A_130 = arith.constant 7 : i32
      %get3A_131 = arith.constant 0 : i32
      %get3A_132 = arith.index_cast %get3A_130 : i32 to index
      %get3A_133 = arith.index_cast %get3A_131 : i32 to index
      %get3A_134 = arith.index_cast %mul3A_129 : i32 to index
      %get3A_135 = tpu.vector_load %arg9[%get3A_132, %get3A_133, %get3A_134] {strides = array<i32>} : memref<16x1x640xf32, #tpu.memory_space<vmem>>, vector<16xf32>,
      %add3A_136 = arith.addf %add3A_127, %get3A_135 : vector<16xf32>
      %mul3A_137 = arith.constant 16 : i32
      %mul3A_138 = arith.muli %scan3A_66, %mul3A_137 : i32
      %get3A_139 = arith.constant 8 : i32
      %get3A_140 = arith.constant 0 : i32
      %get3A_141 = arith.index_cast %get3A_139 : i32 to index
      %get3A_142 = arith.index_cast %get3A_140 : i32 to index
      %get3A_143 = arith.index_cast %mul3A_138 : i32 to index
      %get3A_144 = tpu.vector_load %arg9[%get3A_141, %get3A_142, %get3A_143] {strides = array<i32>} : memref<16x1x640xf32, #tpu.memory_space<vmem>>, vector<16xf32>,
      %add3A_145 = arith.addf %add3A_136, %get3A_144 : vector<16xf32>
      %mul3A_146 = arith.constant 16 : i32
      %mul3A_147 = arith.muli %scan3A_66, %mul3A_146 : i32
      %get3A_148 = arith.constant 9 : i32
      %get3A_149 = arith.constant 0 : i32
      %get3A_150 = arith.index_cast %get3A_148 : i32 to index
      %get3A_151 = arith.index_cast %get3A_149 : i32 to index
      %get3A_152 = arith.index_cast %mul3A_147 : i32 to index
      %get3A_153 = tpu.vector_load %arg9[%get3A_150, %get3A_151, %get3A_152] {strides = array<i32>} : memref<16x1x640xf32, #tpu.memory_space<vmem>>, vector<16xf32>,
      %add3A_154 = arith.addf %add3A_145, %get3A_153 : vector<16xf32>
      %mul3A_155 = arith.constant 16 : i32
      %mul3A_156 = arith.muli %scan3A_66, %mul3A_155 : i32
      %get3A_157 = arith.constant 10 : i32
      %get3A_158 = arith.constant 0 : i32
      %get3A_159 = arith.index_cast %get3A_157 : i32 to index
      %get3A_160 = arith.index_cast %get3A_158 : i32 to index
      %get3A_161 = arith.index_cast %mul3A_156 : i32 to index
      %get3A_162 = tpu.vector_load %arg9[%get3A_159, %get3A_160, %get3A_161] {strides = array<i32>} : memref<16x1x640xf32, #tpu.memory_space<vmem>>, vector<16xf32>,
      %add3A_163 = arith.addf %add3A_154, %get3A_162 : vector<16xf32>
      %mul3A_164 = arith.constant 16 : i32
      %mul3A_165 = arith.muli %scan3A_66, %mul3A_164 : i32
      %get3A_166 = arith.constant 11 : i32
      %get3A_167 = arith.constant 0 : i32
      %get3A_168 = arith.index_cast %get3A_166 : i32 to index
      %get3A_169 = arith.index_cast %get3A_167 : i32 to index
      %get3A_170 = arith.index_cast %mul3A_165 : i32 to index
      %get3A_171 = tpu.vector_load %arg9[%get3A_168, %get3A_169, %get3A_170] {strides = array<i32>} : memref<16x1x640xf32, #tpu.memory_space<vmem>>, vector<16xf32>,
      %add3A_172 = arith.addf %add3A_163, %get3A_171 : vector<16xf32>
      %mul3A_173 = arith.constant 16 : i32
      %mul3A_174 = arith.muli %scan3A_66, %mul3A_173 : i32
      %get3A_175 = arith.constant 12 : i32
      %get3A_176 = arith.constant 0 : i32
      %get3A_177 = arith.index_cast %get3A_175 : i32 to index
      %get3A_178 = arith.index_cast %get3A_176 : i32 to index
      %get3A_179 = arith.index_cast %mul3A_174 : i32 to index
      %get3A_180 = tpu.vector_load %arg9[%get3A_177, %get3A_178, %get3A_179] {strides = array<i32>} : memref<16x1x640xf32, #tpu.memory_space<vmem>>, vector<16xf32>,
      %add3A_181 = arith.addf %add3A_172, %get3A_180 : vector<16xf32>
      %mul3A_182 = arith.constant 16 : i32
      %mul3A_183 = arith.muli %scan3A_66, %mul3A_182 : i32
      %get3A_184 = arith.constant 13 : i32
      %get3A_185 = arith.constant 0 : i32
      %get3A_186 = arith.index_cast %get3A_184 : i32 to index
      %get3A_187 = arith.index_cast %get3A_185 : i32 to index
      %get3A_188 = arith.index_cast %mul3A_183 : i32 to index
      %get3A_189 = tpu.vector_load %arg9[%get3A_186, %get3A_187, %get3A_188] {strides = array<i32>} : memref<16x1x640xf32, #tpu.memory_space<vmem>>, vector<16xf32>,
      %add3A_190 = arith.addf %add3A_181, %get3A_189 : vector<16xf32>
      %mul3A_191 = arith.constant 16 : i32
      %mul3A_192 = arith.muli %scan3A_66, %mul3A_191 : i32
      %get3A_193 = arith.constant 14 : i32
      %get3A_194 = arith.constant 0 : i32
      %get3A_195 = arith.index_cast %get3A_193 : i32 to index
      %get3A_196 = arith.index_cast %get3A_194 : i32 to index
      %get3A_197 = arith.index_cast %mul3A_192 : i32 to index
      %get3A_198 = tpu.vector_load %arg9[%get3A_195, %get3A_196, %get3A_197] {strides = array<i32>} : memref<16x1x640xf32, #tpu.memory_space<vmem>>, vector<16xf32>,
      %add3A_199 = arith.addf %add3A_190, %get3A_198 : vector<16xf32>
      %mul3A_200 = arith.constant 16 : i32
      %mul3A_201 = arith.muli %scan3A_66, %mul3A_200 : i32
      %get3A_202 = arith.constant 15 : i32
      %get3A_203 = arith.constant 0 : i32
      %get3A_204 = arith.index_cast %get3A_202 : i32 to index
      %get3A_205 = arith.index_cast %get3A_203 : i32 to index
      %get3A_206 = arith.index_cast %mul3A_201 : i32 to index
      %get3A_207 = tpu.vector_load %arg9[%get3A_204, %get3A_205, %get3A_206] {strides = array<i32>} : memref<16x1x640xf32, #tpu.memory_space<vmem>>, vector<16xf32>,
      %add3A_208 = arith.addf %add3A_199, %get3A_207 : vector<16xf32>
      %mul3A_209 = arith.constant 16 : i32
      %mul3A_210 = arith.muli %scan3A_66, %mul3A_209 : i32
      %swap3A = arith.index_cast %mul3A_210 : i32 to index
      %swap3A_211 = tpu.vector_load %arg10[%swap3A] {strides = array<i32>} : memref<640xf32, #tpu.memory_space<vmem>>, vector<16xf32>,
      tpu.vector_store %arg10[%swap3A], %add3A_208 {strides = array<i32>} : memref<640xf32, #tpu.memory_space<vmem>>, vector<16xf32>,
    }
    %scan3A_51 = arith.constant 40 : i32
    %mul3A_52 = arith.constant 2 : i32
    %mul3A_53 = arith.muli %mul3A_52, %arg0 : i32
    %add3A_54 = arith.constant 0 : i32
    %add3A_55 = arith.addi %mul3A_53, %add3A_54 : i32
    "tpu.region"() ({
      %run_scoped3A_66 = tpu.sem_alloc : memref<!tpu.dma_semaphore, #tpu.memory_space<semaphore_mem>>
      %dma_start3A_67 = tpu.memref_slice %arg3[%add3A_55, %mul3A_45] : memref<4x10240xf32, #tpu.memory_space<hbm>> -> memref<1x640xf32, #tpu.memory_space<hbm>>
      %dma_start3A_68 = tpu.memref_squeeze %dma_start3A_67 : memref<1x640xf32, #tpu.memory_space<hbm>> -> memref<640xf32, #tpu.memory_space<hbm>>
      %dma_start3A_69 = tpu.memref_slice %arg3[%add3A_55, %mul3A_45] : memref<4x10240xf32, #tpu.memory_space<hbm>> -> memref<1x640xf32, #tpu.memory_space<hbm>>
      %dma_start3A_70 = tpu.memref_squeeze %dma_start3A_69 : memref<1x640xf32, #tpu.memory_space<hbm>> -> memref<640xf32, #tpu.memory_space<hbm>>
      tpu.enqueue_dma source(%arg10 : memref<640xf32, #tpu.memory_space<vmem>>) target(%dma_start3A_70 : memref<640xf32, #tpu.memory_space<hbm>>) target_semaphore(%run_scoped3A_66 : memref<!tpu.dma_semaphore, #tpu.memory_space<semaphore_mem>>)
      %dma_wait3A_71 = tpu.memref_slice %arg3[%add3A_55, %mul3A_45] : memref<4x10240xf32, #tpu.memory_space<hbm>> -> memref<1x640xf32, #tpu.memory_space<hbm>>
      %dma_wait3A_72 = tpu.memref_squeeze %dma_wait3A_71 : memref<1x640xf32, #tpu.memory_space<hbm>> -> memref<640xf32, #tpu.memory_space<hbm>>
      %dma_wait3A_73 = tpu.memref_slice %arg3[%add3A_55, %mul3A_45] : memref<4x10240xf32, #tpu.memory_space<hbm>> -> memref<1x640xf32, #tpu.memory_space<hbm>>
      %dma_wait3A_74 = tpu.memref_squeeze %dma_wait3A_73 : memref<1x640xf32, #tpu.memory_space<hbm>> -> memref<640xf32, #tpu.memory_space<hbm>>
      tpu.wait_dma2 semaphore(%run_scoped3A_66 : memref<!tpu.dma_semaphore, #tpu.memory_space<semaphore_mem>>) src(%arg10 : memref<640xf32, #tpu.memory_space<vmem>>) dst(%dma_wait3A_74 : memref<640xf32, #tpu.memory_space<hbm>>)
      tpu.yield
    }) : () -> ()
    %run_scoped3A_56 = arith.constant 1 : i32
    "tpu.region"() ({
      %run_scoped3A_66 = tpu.sem_alloc : memref<!tpu.dma_semaphore, #tpu.memory_space<semaphore_mem>>
      %dma_start3A_67 = arith.constant 0 : i32
      %dma_start3A_68 = arith.constant 0 : i32
      %dma_start3A_69 = tpu.memref_slice %arg11[%run_scoped3A_56, %dma_start3A_67, %dma_start3A_68, %mul3A_45] : memref<2x16x1x10240xf32, #tpu.memory_space<vmem_shared>> -> memref<1x16x1x640xf32, #tpu.memory_space<vmem_shared>>
      %dma_start3A_70 = tpu.memref_squeeze %dma_start3A_69 : memref<1x16x1x640xf32, #tpu.memory_space<vmem_shared>> -> memref<16x1x640xf32, #tpu.memory_space<vmem_shared>>
      %dma_start3A_71 = arith.constant 0 : i32
      %dma_start3A_72 = arith.constant 0 : i32
      %dma_start3A_73 = tpu.memref_slice %arg11[%run_scoped3A_56, %dma_start3A_71, %dma_start3A_72, %mul3A_45] : memref<2x16x1x10240xf32, #tpu.memory_space<vmem_shared>> -> memref<1x16x1x640xf32, #tpu.memory_space<vmem_shared>>
      %dma_start3A_74 = tpu.memref_squeeze %dma_start3A_73 : memref<1x16x1x640xf32, #tpu.memory_space<vmem_shared>> -> memref<16x1x640xf32, #tpu.memory_space<vmem_shared>>
      tpu.enqueue_dma source(%dma_start3A_74 : memref<16x1x640xf32, #tpu.memory_space<vmem_shared>>) target(%arg9 : memref<16x1x640xf32, #tpu.memory_space<vmem>>) target_semaphore(%run_scoped3A_66 : memref<!tpu.dma_semaphore, #tpu.memory_space<semaphore_mem>>)
      %dma_wait3A_75 = arith.constant 0 : i32
      %dma_wait3A_76 = arith.constant 0 : i32
      %dma_wait3A_77 = tpu.memref_slice %arg11[%run_scoped3A_56, %dma_wait3A_75, %dma_wait3A_76, %mul3A_45] : memref<2x16x1x10240xf32, #tpu.memory_space<vmem_shared>> -> memref<1x16x1x640xf32, #tpu.memory_space<vmem_shared>>
      %dma_wait3A_78 = tpu.memref_squeeze %dma_wait3A_77 : memref<1x16x1x640xf32, #tpu.memory_space<vmem_shared>> -> memref<16x1x640xf32, #tpu.memory_space<vmem_shared>>
      %dma_wait3A_79 = arith.constant 0 : i32
      %dma_wait3A_80 = arith.constant 0 : i32
      %dma_wait3A_81 = tpu.memref_slice %arg11[%run_scoped3A_56, %dma_wait3A_79, %dma_wait3A_80, %mul3A_45] : memref<2x16x1x10240xf32, #tpu.memory_space<vmem_shared>> -> memref<1x16x1x640xf32, #tpu.memory_space<vmem_shared>>
      %dma_wait3A_82 = tpu.memref_squeeze %dma_wait3A_81 : memref<1x16x1x640xf32, #tpu.memory_space<vmem_shared>> -> memref<16x1x640xf32, #tpu.memory_space<vmem_shared>>
      tpu.wait_dma2 semaphore(%run_scoped3A_66 : memref<!tpu.dma_semaphore, #tpu.memory_space<semaphore_mem>>) src(%dma_wait3A_82 : memref<16x1x640xf32, #tpu.memory_space<vmem_shared>>) dst(%arg9 : memref<16x1x640xf32, #tpu.memory_space<vmem>>)
      tpu.yield
    }) : () -> ()
    %scan3A_57 = arith.constant 0 : i32
    %scan3A_58 = arith.constant 40 : i32
    %scan3A_59 = arith.addi %scan3A_57, %scan3A_58 : i32
    %scan3A_60 = arith.constant 1 : i32
    scf.for %scan3A_66 = %scan3A_57 to %scan3A_59 step %scan3A_60  : i32 {
      %mul3A_67 = arith.constant 16 : i32
      %mul3A_68 = arith.muli %scan3A_66, %mul3A_67 : i32
      %get3A = arith.constant 0 : i32
      %get3A_69 = arith.constant 0 : i32
      %get3A_70 = arith.index_cast %get3A : i32 to index
      %get3A_71 = arith.index_cast %get3A_69 : i32 to index
      %get3A_72 = arith.index_cast %mul3A_68 : i32 to index
      %get3A_73 = tpu.vector_load %arg9[%get3A_70, %get3A_71, %get3A_72] {strides = array<i32>} : memref<16x1x640xf32, #tpu.memory_space<vmem>>, vector<16xf32>,
      %mul3A_74 = arith.constant 16 : i32
      %mul3A_75 = arith.muli %scan3A_66, %mul3A_74 : i32
      %get3A_76 = arith.constant 1 : i32
      %get3A_77 = arith.constant 0 : i32
      %get3A_78 = arith.index_cast %get3A_76 : i32 to index
      %get3A_79 = arith.index_cast %get3A_77 : i32 to index
      %get3A_80 = arith.index_cast %mul3A_75 : i32 to index
      %get3A_81 = tpu.vector_load %arg9[%get3A_78, %get3A_79, %get3A_80] {strides = array<i32>} : memref<16x1x640xf32, #tpu.memory_space<vmem>>, vector<16xf32>,
      %add3A_82 = arith.addf %get3A_73, %get3A_81 : vector<16xf32>
      %mul3A_83 = arith.constant 16 : i32
      %mul3A_84 = arith.muli %scan3A_66, %mul3A_83 : i32
      %get3A_85 = arith.constant 2 : i32
      %get3A_86 = arith.constant 0 : i32
      %get3A_87 = arith.index_cast %get3A_85 : i32 to index
      %get3A_88 = arith.index_cast %get3A_86 : i32 to index
      %get3A_89 = arith.index_cast %mul3A_84 : i32 to index
      %get3A_90 = tpu.vector_load %arg9[%get3A_87, %get3A_88, %get3A_89] {strides = array<i32>} : memref<16x1x640xf32, #tpu.memory_space<vmem>>, vector<16xf32>,
      %add3A_91 = arith.addf %add3A_82, %get3A_90 : vector<16xf32>
      %mul3A_92 = arith.constant 16 : i32
      %mul3A_93 = arith.muli %scan3A_66, %mul3A_92 : i32
      %get3A_94 = arith.constant 3 : i32
      %get3A_95 = arith.constant 0 : i32
      %get3A_96 = arith.index_cast %get3A_94 : i32 to index
      %get3A_97 = arith.index_cast %get3A_95 : i32 to index
      %get3A_98 = arith.index_cast %mul3A_93 : i32 to index
      %get3A_99 = tpu.vector_load %arg9[%get3A_96, %get3A_97, %get3A_98] {strides = array<i32>} : memref<16x1x640xf32, #tpu.memory_space<vmem>>, vector<16xf32>,
      %add3A_100 = arith.addf %add3A_91, %get3A_99 : vector<16xf32>
      %mul3A_101 = arith.constant 16 : i32
      %mul3A_102 = arith.muli %scan3A_66, %mul3A_101 : i32
      %get3A_103 = arith.constant 4 : i32
      %get3A_104 = arith.constant 0 : i32
      %get3A_105 = arith.index_cast %get3A_103 : i32 to index
      %get3A_106 = arith.index_cast %get3A_104 : i32 to index
      %get3A_107 = arith.index_cast %mul3A_102 : i32 to index
      %get3A_108 = tpu.vector_load %arg9[%get3A_105, %get3A_106, %get3A_107] {strides = array<i32>} : memref<16x1x640xf32, #tpu.memory_space<vmem>>, vector<16xf32>,
      %add3A_109 = arith.addf %add3A_100, %get3A_108 : vector<16xf32>
      %mul3A_110 = arith.constant 16 : i32
      %mul3A_111 = arith.muli %scan3A_66, %mul3A_110 : i32
      %get3A_112 = arith.constant 5 : i32
      %get3A_113 = arith.constant 0 : i32
      %get3A_114 = arith.index_cast %get3A_112 : i32 to index
      %get3A_115 = arith.index_cast %get3A_113 : i32 to index
      %get3A_116 = arith.index_cast %mul3A_111 : i32 to index
      %get3A_117 = tpu.vector_load %arg9[%get3A_114, %get3A_115, %get3A_116] {strides = array<i32>} : memref<16x1x640xf32, #tpu.memory_space<vmem>>, vector<16xf32>,
      %add3A_118 = arith.addf %add3A_109, %get3A_117 : vector<16xf32>
      %mul3A_119 = arith.constant 16 : i32
      %mul3A_120 = arith.muli %scan3A_66, %mul3A_119 : i32
      %get3A_121 = arith.constant 6 : i32
      %get3A_122 = arith.constant 0 : i32
      %get3A_123 = arith.index_cast %get3A_121 : i32 to index
      %get3A_124 = arith.index_cast %get3A_122 : i32 to index
      %get3A_125 = arith.index_cast %mul3A_120 : i32 to index
      %get3A_126 = tpu.vector_load %arg9[%get3A_123, %get3A_124, %get3A_125] {strides = array<i32>} : memref<16x1x640xf32, #tpu.memory_space<vmem>>, vector<16xf32>,
      %add3A_127 = arith.addf %add3A_118, %get3A_126 : vector<16xf32>
      %mul3A_128 = arith.constant 16 : i32
      %mul3A_129 = arith.muli %scan3A_66, %mul3A_128 : i32
      %get3A_130 = arith.constant 7 : i32
      %get3A_131 = arith.constant 0 : i32
      %get3A_132 = arith.index_cast %get3A_130 : i32 to index
      %get3A_133 = arith.index_cast %get3A_131 : i32 to index
      %get3A_134 = arith.index_cast %mul3A_129 : i32 to index
      %get3A_135 = tpu.vector_load %arg9[%get3A_132, %get3A_133, %get3A_134] {strides = array<i32>} : memref<16x1x640xf32, #tpu.memory_space<vmem>>, vector<16xf32>,
      %add3A_136 = arith.addf %add3A_127, %get3A_135 : vector<16xf32>
      %mul3A_137 = arith.constant 16 : i32
      %mul3A_138 = arith.muli %scan3A_66, %mul3A_137 : i32
      %get3A_139 = arith.constant 8 : i32
      %get3A_140 = arith.constant 0 : i32
      %get3A_141 = arith.index_cast %get3A_139 : i32 to index
      %get3A_142 = arith.index_cast %get3A_140 : i32 to index
      %get3A_143 = arith.index_cast %mul3A_138 : i32 to index
      %get3A_144 = tpu.vector_load %arg9[%get3A_141, %get3A_142, %get3A_143] {strides = array<i32>} : memref<16x1x640xf32, #tpu.memory_space<vmem>>, vector<16xf32>,
      %add3A_145 = arith.addf %add3A_136, %get3A_144 : vector<16xf32>
      %mul3A_146 = arith.constant 16 : i32
      %mul3A_147 = arith.muli %scan3A_66, %mul3A_146 : i32
      %get3A_148 = arith.constant 9 : i32
      %get3A_149 = arith.constant 0 : i32
      %get3A_150 = arith.index_cast %get3A_148 : i32 to index
      %get3A_151 = arith.index_cast %get3A_149 : i32 to index
      %get3A_152 = arith.index_cast %mul3A_147 : i32 to index
      %get3A_153 = tpu.vector_load %arg9[%get3A_150, %get3A_151, %get3A_152] {strides = array<i32>} : memref<16x1x640xf32, #tpu.memory_space<vmem>>, vector<16xf32>,
      %add3A_154 = arith.addf %add3A_145, %get3A_153 : vector<16xf32>
      %mul3A_155 = arith.constant 16 : i32
      %mul3A_156 = arith.muli %scan3A_66, %mul3A_155 : i32
      %get3A_157 = arith.constant 10 : i32
      %get3A_158 = arith.constant 0 : i32
      %get3A_159 = arith.index_cast %get3A_157 : i32 to index
      %get3A_160 = arith.index_cast %get3A_158 : i32 to index
      %get3A_161 = arith.index_cast %mul3A_156 : i32 to index
      %get3A_162 = tpu.vector_load %arg9[%get3A_159, %get3A_160, %get3A_161] {strides = array<i32>} : memref<16x1x640xf32, #tpu.memory_space<vmem>>, vector<16xf32>,
      %add3A_163 = arith.addf %add3A_154, %get3A_162 : vector<16xf32>
      %mul3A_164 = arith.constant 16 : i32
      %mul3A_165 = arith.muli %scan3A_66, %mul3A_164 : i32
      %get3A_166 = arith.constant 11 : i32
      %get3A_167 = arith.constant 0 : i32
      %get3A_168 = arith.index_cast %get3A_166 : i32 to index
      %get3A_169 = arith.index_cast %get3A_167 : i32 to index
      %get3A_170 = arith.index_cast %mul3A_165 : i32 to index
      %get3A_171 = tpu.vector_load %arg9[%get3A_168, %get3A_169, %get3A_170] {strides = array<i32>} : memref<16x1x640xf32, #tpu.memory_space<vmem>>, vector<16xf32>,
      %add3A_172 = arith.addf %add3A_163, %get3A_171 : vector<16xf32>
      %mul3A_173 = arith.constant 16 : i32
      %mul3A_174 = arith.muli %scan3A_66, %mul3A_173 : i32
      %get3A_175 = arith.constant 12 : i32
      %get3A_176 = arith.constant 0 : i32
      %get3A_177 = arith.index_cast %get3A_175 : i32 to index
      %get3A_178 = arith.index_cast %get3A_176 : i32 to index
      %get3A_179 = arith.index_cast %mul3A_174 : i32 to index
      %get3A_180 = tpu.vector_load %arg9[%get3A_177, %get3A_178, %get3A_179] {strides = array<i32>} : memref<16x1x640xf32, #tpu.memory_space<vmem>>, vector<16xf32>,
      %add3A_181 = arith.addf %add3A_172, %get3A_180 : vector<16xf32>
      %mul3A_182 = arith.constant 16 : i32
      %mul3A_183 = arith.muli %scan3A_66, %mul3A_182 : i32
      %get3A_184 = arith.constant 13 : i32
      %get3A_185 = arith.constant 0 : i32
      %get3A_186 = arith.index_cast %get3A_184 : i32 to index
      %get3A_187 = arith.index_cast %get3A_185 : i32 to index
      %get3A_188 = arith.index_cast %mul3A_183 : i32 to index
      %get3A_189 = tpu.vector_load %arg9[%get3A_186, %get3A_187, %get3A_188] {strides = array<i32>} : memref<16x1x640xf32, #tpu.memory_space<vmem>>, vector<16xf32>,
      %add3A_190 = arith.addf %add3A_181, %get3A_189 : vector<16xf32>
      %mul3A_191 = arith.constant 16 : i32
      %mul3A_192 = arith.muli %scan3A_66, %mul3A_191 : i32
      %get3A_193 = arith.constant 14 : i32
      %get3A_194 = arith.constant 0 : i32
      %get3A_195 = arith.index_cast %get3A_193 : i32 to index
      %get3A_196 = arith.index_cast %get3A_194 : i32 to index
      %get3A_197 = arith.index_cast %mul3A_192 : i32 to index
      %get3A_198 = tpu.vector_load %arg9[%get3A_195, %get3A_196, %get3A_197] {strides = array<i32>} : memref<16x1x640xf32, #tpu.memory_space<vmem>>, vector<16xf32>,
      %add3A_199 = arith.addf %add3A_190, %get3A_198 : vector<16xf32>
      %mul3A_200 = arith.constant 16 : i32
      %mul3A_201 = arith.muli %scan3A_66, %mul3A_200 : i32
      %get3A_202 = arith.constant 15 : i32
      %get3A_203 = arith.constant 0 : i32
      %get3A_204 = arith.index_cast %get3A_202 : i32 to index
      %get3A_205 = arith.index_cast %get3A_203 : i32 to index
      %get3A_206 = arith.index_cast %mul3A_201 : i32 to index
      %get3A_207 = tpu.vector_load %arg9[%get3A_204, %get3A_205, %get3A_206] {strides = array<i32>} : memref<16x1x640xf32, #tpu.memory_space<vmem>>, vector<16xf32>,
      %add3A_208 = arith.addf %add3A_199, %get3A_207 : vector<16xf32>
      %mul3A_209 = arith.constant 16 : i32
      %mul3A_210 = arith.muli %scan3A_66, %mul3A_209 : i32
      %swap3A = arith.index_cast %mul3A_210 : i32 to index
      %swap3A_211 = tpu.vector_load %arg10[%swap3A] {strides = array<i32>} : memref<640xf32, #tpu.memory_space<vmem>>, vector<16xf32>,
      tpu.vector_store %arg10[%swap3A], %add3A_208 {strides = array<i32>} : memref<640xf32, #tpu.memory_space<vmem>>, vector<16xf32>,
    }
    %scan3A_61 = arith.constant 40 : i32
    %mul3A_62 = arith.constant 2 : i32
    %mul3A_63 = arith.muli %mul3A_62, %arg0 : i32
    %add3A_64 = arith.constant 1 : i32
    %add3A_65 = arith.addi %mul3A_63, %add3A_64 : i32
    "tpu.region"() ({
      %run_scoped3A_66 = tpu.sem_alloc : memref<!tpu.dma_semaphore, #tpu.memory_space<semaphore_mem>>
      %dma_start3A_67 = tpu.memref_slice %arg3[%add3A_65, %mul3A_45] : memref<4x10240xf32, #tpu.memory_space<hbm>> -> memref<1x640xf32, #tpu.memory_space<hbm>>
      %dma_start3A_68 = tpu.memref_squeeze %dma_start3A_67 : memref<1x640xf32, #tpu.memory_space<hbm>> -> memref<640xf32, #tpu.memory_space<hbm>>
      %dma_start3A_69 = tpu.memref_slice %arg3[%add3A_65, %mul3A_45] : memref<4x10240xf32, #tpu.memory_space<hbm>> -> memref<1x640xf32, #tpu.memory_space<hbm>>
      %dma_start3A_70 = tpu.memref_squeeze %dma_start3A_69 : memref<1x640xf32, #tpu.memory_space<hbm>> -> memref<640xf32, #tpu.memory_space<hbm>>
      tpu.enqueue_dma source(%arg10 : memref<640xf32, #tpu.memory_space<vmem>>) target(%dma_start3A_70 : memref<640xf32, #tpu.memory_space<hbm>>) target_semaphore(%run_scoped3A_66 : memref<!tpu.dma_semaphore, #tpu.memory_space<semaphore_mem>>)
      %dma_wait3A_71 = tpu.memref_slice %arg3[%add3A_65, %mul3A_45] : memref<4x10240xf32, #tpu.memory_space<hbm>> -> memref<1x640xf32, #tpu.memory_space<hbm>>
      %dma_wait3A_72 = tpu.memref_squeeze %dma_wait3A_71 : memref<1x640xf32, #tpu.memory_space<hbm>> -> memref<640xf32, #tpu.memory_space<hbm>>
      %dma_wait3A_73 = tpu.memref_slice %arg3[%add3A_65, %mul3A_45] : memref<4x10240xf32, #tpu.memory_space<hbm>> -> memref<1x640xf32, #tpu.memory_space<hbm>>
      %dma_wait3A_74 = tpu.memref_squeeze %dma_wait3A_73 : memref<1x640xf32, #tpu.memory_space<hbm>> -> memref<640xf32, #tpu.memory_space<hbm>>
      tpu.wait_dma2 semaphore(%run_scoped3A_66 : memref<!tpu.dma_semaphore, #tpu.memory_space<semaphore_mem>>) src(%arg10 : memref<640xf32, #tpu.memory_space<vmem>>) dst(%dma_wait3A_74 : memref<640xf32, #tpu.memory_space<hbm>>)
      tpu.yield
    }) : () -> ()
    return
  }
}

module attributes {stable_mosaic.version = 14 : i64} {
  func.func @_final_body(%arg0: i32, %arg1: memref<2x2048x128xf32, #tpu.memory_space<vmem>>, %arg2: memref<4x2048xf32, #tpu.memory_space<vmem>>, %arg3: memref<1x128xf32, #tpu.memory_space<vmem>>, %arg4: memref<64x128xf32, #tpu.memory_space<vmem>>, %arg5: memref<1x64xf32, #tpu.memory_space<vmem>>, %arg6: memref<1x64xf32, #tpu.memory_space<vmem>>, %arg7: memref<1x128xf32, #tpu.memory_space<vmem>>) attributes {dimension_semantics = [#tpu.dimension_semantics<arbitrary>], iteration_bounds = array<i64: 5>, scalar_prefetch = 0 : i64, scratch_operands = 1 : i64, tpu.core_type = #tpu.core_type<tc>, window_params = [{transform_indices = @transform_0, window_bounds = array<i64: 2, 2048, 128>}, {transform_indices = @transform_1, window_bounds = array<i64: 4, 2048>}, {pipeline_mode = #tpu.pipeline_mode<synchronous>, transform_indices = @transform_2, window_bounds = array<i64: 1, 128>}, {pipeline_mode = #tpu.pipeline_mode<synchronous>, transform_indices = @transform_3, window_bounds = array<i64: 64, 128>}, {pipeline_mode = #tpu.pipeline_mode<synchronous>, transform_indices = @transform_4, window_bounds = array<i64: 1, 64>}, {pipeline_mode = #tpu.pipeline_mode<synchronous>, transform_indices = @transform_5, window_bounds = array<i64: 1, 64>}]} {
    %eq3A = arith.constant 0 : i32
    %eq3A_0 = arith.cmpi eq, %arg0, %eq3A : i32
    %convert_element_type3A = arith.extui %eq3A_0 : i1 to i32
    %cond3A = arith.constant 0 : i32
    %cond3A_1 = arith.cmpi ne, %convert_element_type3A, %cond3A : i32
    scf.if %cond3A_1 {
      %broadcast_in_dim3A_48 = arith.constant 0.000000e+00 : f32
      %broadcast_in_dim3A_49 = vector.broadcast %broadcast_in_dim3A_48 : f32 to vector<1x128xf32>
      %swap3A_50 = arith.constant 0 : index
      %swap3A_51 = arith.constant 0 : index
      %swap3A_52 = vector.load %arg7[%swap3A_50, %swap3A_51] : memref<1x128xf32, #tpu.memory_space<vmem>>, vector<1x128xf32>
      tpu.vector_store %arg7[%swap3A_50, %swap3A_51], %broadcast_in_dim3A_49 {strides = array<i32>} : memref<1x128xf32, #tpu.memory_space<vmem>>, vector<1x128xf32>,
    } else {
    }
    %get3A = arith.constant 0 : index
    %get3A_2 = arith.constant 0 : index
    %get3A_3 = arith.constant 0 : index
    %get3A_4 = vector.load %arg1[%get3A, %get3A_2, %get3A_3] : memref<2x2048x128xf32, #tpu.memory_space<vmem>>, vector<1x2048x128xf32>
    %get3A_5 = vector.shape_cast %get3A_4 : vector<1x2048x128xf32> to vector<2048x128xf32>
    %get3A_6 = arith.constant 1 : index
    %get3A_7 = arith.constant 0 : index
    %get3A_8 = arith.constant 0 : index
    %get3A_9 = vector.load %arg1[%get3A_6, %get3A_7, %get3A_8] : memref<2x2048x128xf32, #tpu.memory_space<vmem>>, vector<1x2048x128xf32>
    %get3A_10 = vector.shape_cast %get3A_9 : vector<1x2048x128xf32> to vector<2048x128xf32>
    %add3A = arith.addf %get3A_5, %get3A_10 : vector<2048x128xf32>
    %get3A_11 = arith.constant 0 : index
    %get3A_12 = arith.constant 0 : index
    %get3A_13 = vector.load %arg2[%get3A_11, %get3A_12] : memref<4x2048xf32, #tpu.memory_space<vmem>>, vector<4x2048xf32>
    %transpose3A = tpu.transpose %get3A_13, [1, 0] : vector<4x2048xf32> -> vector<2048x4xf32>
    %slice3A = vector.extract_strided_slice %transpose3A {offsets = [0, 1], sizes = [2048, 1], strides = [1, 1]} : vector<2048x4xf32> to vector<2048x1xf32>
    %slice3A_14 = vector.extract_strided_slice %transpose3A {offsets = [0, 3], sizes = [2048, 1], strides = [1, 1]} : vector<2048x4xf32> to vector<2048x1xf32>
    %add3A_15 = arith.addf %slice3A, %slice3A_14 : vector<2048x1xf32>
    %max3A = arith.constant 1.000000e+00 : f32
    %max3A_16 = vector.broadcast %max3A : f32 to vector<2048x1xf32>
    %max3A_17 = arith.maximumf %add3A_15, %max3A_16 : vector<2048x1xf32>
    %rsqrt3A = math.rsqrt %max3A_17 : vector<2048x1xf32>
    %mul3A = vector.broadcast %rsqrt3A : vector<2048x1xf32> to vector<2048x128xf32>
    %mul3A_18 = arith.mulf %add3A, %mul3A : vector<2048x128xf32>
    %get3A_19 = arith.constant 0 : index
    %get3A_20 = arith.constant 0 : index
    %get3A_21 = vector.load %arg3[%get3A_19, %get3A_20] : memref<1x128xf32, #tpu.memory_space<vmem>>, vector<1x128xf32>
    %add3A_22 = vector.broadcast %get3A_21 : vector<1x128xf32> to vector<2048x128xf32>
    %add3A_23 = arith.addf %mul3A_18, %add3A_22 : vector<2048x128xf32>
    %max3A_24 = arith.constant 0.000000e+00 : f32
    %max3A_25 = vector.broadcast %max3A_24 : f32 to vector<2048x128xf32>
    %max3A_26 = arith.maximumf %add3A_23, %max3A_25 : vector<2048x128xf32>
    %mul3A_27 = arith.constant 2048 : i32
    %mul3A_28 = arith.muli %arg0, %mul3A_27 : i32
    %iota3A = tpu.iota {dimensions = array<i32: 0>} : vector<2048x1xi32>
    %add3A_29 = vector.broadcast %mul3A_28 : i32 to vector<2048x1xi32>
    %add3A_30 = arith.addi %add3A_29, %iota3A : vector<2048x1xi32>
    %lt3A = arith.constant 10000 : i32
    %lt3A_31 = vector.broadcast %lt3A : i32 to vector<2048x1xi32>
    %lt3A_32 = arith.cmpi slt, %add3A_30, %lt3A_31 : vector<2048x1xi32>
    %jit3A = arith.constant 0.000000e+00 : f32
    %broadcast_in_dim3A = vector.shape_cast %lt3A_32 : vector<2048x1xi1> to vector<2048x1xi1>
    %broadcast_in_dim3A_33 = vector.broadcast %broadcast_in_dim3A : vector<2048x1xi1> to vector<2048x128xi1>
    %broadcast_in_dim3A_34 = vector.broadcast %jit3A : f32 to vector<2048x128xf32>
    %select_n3A = arith.select %broadcast_in_dim3A_33, %max3A_26, %broadcast_in_dim3A_34 : vector<2048x128xi1>, vector<2048x128xf32>
    %get3A_35 = arith.constant 0 : index
    %get3A_36 = arith.constant 0 : index
    %get3A_37 = vector.load %arg7[%get3A_35, %get3A_36] : memref<1x128xf32, #tpu.memory_space<vmem>>, vector<1x128xf32>
    %reduce_sum3A = arith.constant dense<0.000000e+00> : vector<128xf32>
    %reduce_sum3A_38 = vector.multi_reduction <add>, %select_n3A, %reduce_sum3A [0] : vector<2048x128xf32> to vector<128xf32>
    %broadcast_in_dim3A_39 = vector.shape_cast %reduce_sum3A_38 : vector<128xf32> to vector<1x128xf32>
    %add3A_40 = arith.addf %get3A_37, %broadcast_in_dim3A_39 : vector<1x128xf32>
    %swap3A = arith.constant 0 : index
    %swap3A_41 = arith.constant 0 : index
    %swap3A_42 = vector.load %arg7[%swap3A, %swap3A_41] : memref<1x128xf32, #tpu.memory_space<vmem>>, vector<1x128xf32>
    tpu.vector_store %arg7[%swap3A, %swap3A_41], %add3A_40 {strides = array<i32>} : memref<1x128xf32, #tpu.memory_space<vmem>>, vector<1x128xf32>,
    %eq3A_43 = arith.constant 4 : i32
    %eq3A_44 = arith.cmpi eq, %arg0, %eq3A_43 : i32
    %convert_element_type3A_45 = arith.extui %eq3A_44 : i1 to i32
    %cond3A_46 = arith.constant 0 : i32
    %cond3A_47 = arith.cmpi ne, %convert_element_type3A_45, %cond3A_46 : i32
    scf.if %cond3A_47 {
      %get3A_48 = arith.constant 0 : index
      %get3A_49 = arith.constant 0 : index
      %get3A_50 = vector.load %arg7[%get3A_48, %get3A_49] : memref<1x128xf32, #tpu.memory_space<vmem>>, vector<1x128xf32>
      %div3A = arith.constant 1.000000e+04 : f32
      %div3A_51 = vector.broadcast %div3A : f32 to vector<1x128xf32>
      %div3A_52 = arith.divf %get3A_50, %div3A_51 : vector<1x128xf32>
      %get3A_53 = arith.constant 0 : index
      %get3A_54 = arith.constant 0 : index
      %get3A_55 = vector.load %arg4[%get3A_53, %get3A_54] : memref<64x128xf32, #tpu.memory_space<vmem>>, vector<64x128xf32>
      %dot_general3A = arith.constant dense<0.000000e+00> : vector<1x64xf32>
      %dot_general3A_56 = tpu.matmul %div3A_52, %get3A_55, %dot_general3A {dimension_numbers = #tpu.dot_dimension_numbers<[1], [1], [0], [0], [0, 0, 1, 0], [], []>, transpose_lhs_hint = false} : vector<1x128xf32>, vector<64x128xf32>, vector<1x64xf32> -> vector<1x64xf32>
      %get3A_57 = arith.constant 0 : index
      %get3A_58 = arith.constant 0 : index
      %get3A_59 = vector.load %arg5[%get3A_57, %get3A_58] : memref<1x64xf32, #tpu.memory_space<vmem>>, vector<1x64xf32>
      %add3A_60 = arith.addf %dot_general3A_56, %get3A_59 : vector<1x64xf32>
      %reduce_max3A = vector.shape_cast %add3A_60 : vector<1x64xf32> to vector<1x1x64xf32>
      %reduce_max3A_61 = arith.constant dense<0xFF800000> : vector<1xf32>
      %reduce_max3A_62 = vector.multi_reduction <maximumf>, %reduce_max3A, %reduce_max3A_61 [1, 2] : vector<1x1x64xf32> to vector<1xf32>
      %reduce_max3A_63 = vector.shape_cast %reduce_max3A_62 : vector<1xf32> to vector<1x1x1xf32>
      %reduce_max3A_64 = vector.extract %reduce_max3A_63[0, 0, 0] : f32 from vector<1x1x1xf32>
      %sub3A = vector.broadcast %reduce_max3A_64 : f32 to vector<1x64xf32>
      %sub3A_65 = arith.subf %add3A_60, %sub3A : vector<1x64xf32>
      %exp3A = math.exp %sub3A_65 : vector<1x64xf32>
      %reduce_sum3A_66 = vector.shape_cast %exp3A : vector<1x64xf32> to vector<1x1x64xf32>
      %reduce_sum3A_67 = arith.constant dense<0.000000e+00> : vector<1xf32>
      %reduce_sum3A_68 = vector.multi_reduction <add>, %reduce_sum3A_66, %reduce_sum3A_67 [1, 2] : vector<1x1x64xf32> to vector<1xf32>
      %reduce_sum3A_69 = vector.shape_cast %reduce_sum3A_68 : vector<1xf32> to vector<1x1x1xf32>
      %reduce_sum3A_70 = vector.extract %reduce_sum3A_69[0, 0, 0] : f32 from vector<1x1x1xf32>
      %div3A_71 = vector.broadcast %reduce_sum3A_70 : f32 to vector<1x64xf32>
      %div3A_72 = arith.divf %exp3A, %div3A_71 : vector<1x64xf32>
      %swap3A_73 = arith.constant 0 : index
      %swap3A_74 = arith.constant 0 : index
      %swap3A_75 = vector.load %arg6[%swap3A_73, %swap3A_74] : memref<1x64xf32, #tpu.memory_space<vmem>>, vector<1x64xf32>
      tpu.vector_store %arg6[%swap3A_73, %swap3A_74], %div3A_72 {strides = array<i32>} : memref<1x64xf32, #tpu.memory_space<vmem>>, vector<1x64xf32>,
    } else {
    }
    return
  }
  func.func @transform_0(%arg0: i32) -> (i32, i32, i32) {
    %c0_i32 = arith.constant 0 : i32
    %c0_i32_0 = arith.constant 0 : i32
    %c0_i32_1 = arith.constant 0 : i32
    return %c0_i32, %arg0, %c0_i32_0 : i32, i32, i32
  }
  func.func @transform_1(%arg0: i32) -> (i32, i32) {
    %c0_i32 = arith.constant 0 : i32
    %c0_i32_0 = arith.constant 0 : i32
    return %c0_i32, %arg0 : i32, i32
  }
  func.func @transform_2(%arg0: i32) -> (i32, i32) {
    %c0_i32 = arith.constant 0 : i32
    %c0_i32_0 = arith.constant 0 : i32
    %c0_i32_1 = arith.constant 0 : i32
    return %c0_i32, %c0_i32_0 : i32, i32
  }
  func.func @transform_3(%arg0: i32) -> (i32, i32) {
    %c0_i32 = arith.constant 0 : i32
    %c0_i32_0 = arith.constant 0 : i32
    %c0_i32_1 = arith.constant 0 : i32
    return %c0_i32, %c0_i32_0 : i32, i32
  }
  func.func @transform_4(%arg0: i32) -> (i32, i32) {
    %c0_i32 = arith.constant 0 : i32
    %c0_i32_0 = arith.constant 0 : i32
    %c0_i32_1 = arith.constant 0 : i32
    return %c0_i32, %c0_i32_0 : i32, i32
  }
  func.func @transform_5(%arg0: i32) -> (i32, i32) {
    %c0_i32 = arith.constant 0 : i32
    %c0_i32_0 = arith.constant 0 : i32
    %c0_i32_1 = arith.constant 0 : i32
    return %c0_i32, %c0_i32_0 : i32, i32
  }
}

module attributes {stable_mosaic.version = 14 : i64} {
  func.func @_scale_mm_body(%arg0: i32, %arg1: memref<2048x128xf32, #tpu.memory_space<vmem>>, %arg2: memref<4x2048xf32, #tpu.memory_space<vmem>>, %arg3: memref<128x128xbf16, #tpu.memory_space<vmem>>, %arg4: memref<2048x128xf32, #tpu.memory_space<vmem>>) attributes {dimension_semantics = [#tpu.dimension_semantics<arbitrary>], iteration_bounds = array<i64: 5>, scalar_prefetch = 0 : i64, scratch_operands = 0 : i64, tpu.core_type = #tpu.core_type<tc>, window_params = [{transform_indices = @transform_0, window_bounds = array<i64: 2048, 128>}, {transform_indices = @transform_1, window_bounds = array<i64: 4, 2048>}, {pipeline_mode = #tpu.pipeline_mode<synchronous>, transform_indices = @transform_2, window_bounds = array<i64: 128, 128>}, {transform_indices = @transform_3, window_bounds = array<i64: 2048, 128>}]} {
    %get3A = arith.constant 0 : index
    %get3A_0 = arith.constant 0 : index
    %get3A_1 = vector.load %arg2[%get3A, %get3A_0] : memref<4x2048xf32, #tpu.memory_space<vmem>>, vector<4x2048xf32>
    %transpose3A = tpu.transpose %get3A_1, [1, 0] : vector<4x2048xf32> -> vector<2048x4xf32>
    %slice3A = vector.extract_strided_slice %transpose3A {offsets = [0, 0], sizes = [2048, 1], strides = [1, 1]} : vector<2048x4xf32> to vector<2048x1xf32>
    %slice3A_2 = vector.extract_strided_slice %transpose3A {offsets = [0, 2], sizes = [2048, 1], strides = [1, 1]} : vector<2048x4xf32> to vector<2048x1xf32>
    %add3A = arith.addf %slice3A, %slice3A_2 : vector<2048x1xf32>
    %max3A = arith.constant 1.000000e+00 : f32
    %max3A_3 = vector.broadcast %max3A : f32 to vector<2048x1xf32>
    %max3A_4 = arith.maximumf %add3A, %max3A_3 : vector<2048x1xf32>
    %rsqrt3A = math.rsqrt %max3A_4 : vector<2048x1xf32>
    %get3A_5 = arith.constant 0 : index
    %get3A_6 = arith.constant 0 : index
    %get3A_7 = vector.load %arg1[%get3A_5, %get3A_6] : memref<2048x128xf32, #tpu.memory_space<vmem>>, vector<2048x128xf32>
    %convert_element_type3A = arith.truncf %get3A_7 : vector<2048x128xf32> to vector<2048x128xbf16>
    %convert_element_type3A_8 = arith.truncf %rsqrt3A : vector<2048x1xf32> to vector<2048x1xbf16>
    %mul3A = vector.broadcast %convert_element_type3A_8 : vector<2048x1xbf16> to vector<2048x128xbf16>
    %mul3A_9 = arith.mulf %convert_element_type3A, %mul3A : vector<2048x128xbf16>
    %get3A_10 = arith.constant 0 : index
    %get3A_11 = arith.constant 0 : index
    %get3A_12 = vector.load %arg3[%get3A_10, %get3A_11] : memref<128x128xbf16, #tpu.memory_space<vmem>>, vector<128x128xbf16>
    %dot_general3A = arith.constant dense<0.000000e+00> : vector<2048x128xf32>
    %dot_general3A_13 = tpu.matmul %mul3A_9, %get3A_12, %dot_general3A {dimension_numbers = #tpu.dot_dimension_numbers<[1], [0], [0], [1], [0, 0, 1, 1], [], []>, transpose_lhs_hint = false} : vector<2048x128xbf16>, vector<128x128xbf16>, vector<2048x128xf32> -> vector<2048x128xf32>
    %swap3A = arith.constant 0 : index
    %swap3A_14 = arith.constant 0 : index
    %swap3A_15 = vector.load %arg4[%swap3A, %swap3A_14] : memref<2048x128xf32, #tpu.memory_space<vmem>>, vector<2048x128xf32>
    tpu.vector_store %arg4[%swap3A, %swap3A_14], %dot_general3A_13 {strides = array<i32>} : memref<2048x128xf32, #tpu.memory_space<vmem>>, vector<2048x128xf32>,
    return
  }
  func.func @transform_0(%arg0: i32) -> (i32, i32) {
    %c0_i32 = arith.constant 0 : i32
    %c0_i32_0 = arith.constant 0 : i32
    return %arg0, %c0_i32 : i32, i32
  }
  func.func @transform_1(%arg0: i32) -> (i32, i32) {
    %c0_i32 = arith.constant 0 : i32
    %c0_i32_0 = arith.constant 0 : i32
    return %c0_i32, %arg0 : i32, i32
  }
  func.func @transform_2(%arg0: i32) -> (i32, i32) {
    %c0_i32 = arith.constant 0 : i32
    %c0_i32_0 = arith.constant 0 : i32
    %c0_i32_1 = arith.constant 0 : i32
    return %c0_i32, %c0_i32_0 : i32, i32
  }
  func.func @transform_3(%arg0: i32) -> (i32, i32) {
    %c0_i32 = arith.constant 0 : i32
    %c0_i32_0 = arith.constant 0 : i32
    return %arg0, %c0_i32 : i32, i32
  }
}

</mosaic_0001>

<sc_bundles>
// kernel: kernel.6.cloned.1.call-start
scs
__scs_entry_jumppad:
0x0: {  	(pc) =	sbr.rel $0x88, $3  }
0x1: {  	(tag) =	ssettag $0x0;
	lr =	simm.s32 $0x1  }
0x2: {  	[smem:$0x3F9B] =	sst lr;
	_ =	strace $0xD0000000  }
0x3: {  	_ = 	snop  }
0x4: {  	_ = 	snop  }
0x5: {  	_ = 	snop  }
0x6: {  	_ = 	snop  }
0x7: {  	_ = 	snop  }
__scs_overlays_trampoline_lowered:
0x8: {  	[smem:$0x3FAA] =	sst s0  }
0x9: {  	[smem:$0x3FAB] =	sst s1  }
0xa: {  	[smem:$0x3FAC] =	sst s2  }
0xb: {  	[smem:$0x3FAD] =	sst s3  }
0xc: {  	[smem:$0x3FAE] =	sst s4  }
0xd: {  	[smem:$0x3FAF] =	sst s5  }
0xe: {  	[smem:$0x3FB0] =	sst s6  }
0xf: {  	[smem:$0x3FB1] =	sst s7  }
0x10: {  	[smem:$0x3FB2] =	sst s8  }
0x11: {  	[smem:$0x3FB3] =	sst s9;
	s0 =	simm.s32 @!p0 $0x0  }
0x12: {  	s1 =	sld [smem:$0x3F99];
	s0 =	simm.s32 @p0 $0x1  }
0x13: {  	[smem:$0x3FB4] =	sst s0;
	s0 =	simm.s32 @!p1 $0x0  }
0x14: {  	s2 =	sld [smem:$0x3F98];
	s0 =	simm.s32 @p1 $0x1  }
0x15: {  	[smem:$0x3FB5] =	sst s0;
	s0 =	simm.s32 @!p2 $0x0  }
0x16: {  	s3 =	sld [smem:$0x3FDB];
	s0 =	simm.s32 @p2 $0x1  }
0x17: {  	s4 =	simm.s32 $0x1BF5;
	[smem:$0x3FB7] =	sst s0  }
0x18: {  	s0 =	sld [smem:$0x3F9A];
	_ =	swait.ge [sflag:s4], $0x0  }
0x19: {  	s7 =	sld [smem:$0x3F9B]  }
0x1a: {  	s8 =	sadd.s32 $0xFFFFE003, lr  }
0x1b: {  	s9 =	sadd.s32 $0xFFFFFEF7, lr;
	s5 =	simm.s32 $0xFFFFFFFF;
	p2 =	slt.u32 s8, $0xFFFFF086  }
0x1c: {  	p1 =	slt.u32 s9, $0xF7A;
	s5 =	simm.s32 @!p2 $0x0  }
0x1d: {  	s5 =	simm.s32 @p1 $0x1;
	p0 =	seq.s32 s7, s2  }
0x1e: {  	s7 =	smul.u32 @!p0 $0xF7A, s2;
	p2 =	seq.s32 @!p0 s5, $0x0  }
0x1f: {  	s9 =	smul.u32 $0xF7A, s1;
	s8 =	simm.s32 @!p0 $0x1BF5;
	p2 =	por !p2, p0  }
0x20: {  	[sflag:s8] =	ssyncset.s32 @!p0 $0xFFFFF086;
	s6 =	sadd.s32 @!p0 s3, s7;
	s7 =	simm.s32 @!p0 $0x108  }
0x21: {  	s3 =	sadd.s32 s3, s9;
	s6 =	sadd.s32 @!p0 $0x88, s6;
	s7 =	simm.s32 @p2 $0x1082  }
0x22: {  	[simem:s7], [sflag:s8] =	dma.local @!p0 [hbm:s6], $0xF7A  }
0x23: {  	s9 =	sor.u32 $0xD0000000, s2;
	s6 =	simm.s32 $0x108;
	_ =	swait.ge @!p0 [sflag:s8], $0x0  }
0x24: {  	s3 =	sadd.s32 $0x88, s3;
	s6 =	simm.s32 @!p1 $0x1082;
	[sflag:s4] =	ssyncset.s32 $0xFFFFF086  }
0x25: {  	[simem:s6], [sflag:s4] =	dma.local [hbm:s3], $0xF7A  }
0x26: {  	[smem:$0x3F9B] =	sst s1;
	(tag) =	ssettag s2;
	_ =	strace s9  }
0x27: {  	s1 =	sld [smem:$0x3FAB]  }
0x28: {  	s2 =	sld [smem:$0x3FAC]  }
0x29: {  	s4 =	sld [smem:$0x3FAE]  }
0x2a: {  	p0 =	seq.s32 s5, $0x0;
	s5 =	sld [smem:$0x3FAF]  }
0x2b: {  	s6 =	sld [smem:$0x3FB0]  }
0x2c: {  	s7 =	sld [smem:$0x3FB1]  }
0x2d: {  	s3 =	simm.s32 $0x108;
	s8 =	sld [smem:$0x3FB2]  }
0x2e: {  	s3 =	simm.s32 @!p0 $0x1082;
	s9 =	sld [smem:$0x3FB3]  }
0x2f: {  	lr =	sadd.s32 s0, s3;
	s0 =	sld [smem:$0x3FAA]  }
0x30: {  	s3 =	sld [smem:$0x3FAD]  }
0x31: {  	[smem:$0x3FB6] =	sst s10  }
0x32: {  	s10 =	sld [smem:$0x3FB4];
	_ =	sdelay $0x3  }
0x33: {  	p0 =	seq.s32 s10, $0x1;
	s10 =	sld [smem:$0x3FB6];
	_ =	sdelay $0x3  }
0x34: {  	[smem:$0x3FB6] =	sst s10  }
0x35: {  	s10 =	sld [smem:$0x3FB5];
	_ =	sdelay $0x3  }
0x36: {  	p1 =	seq.s32 s10, $0x1;
	s10 =	sld [smem:$0x3FB6];
	_ =	sdelay $0x3  }
0x37: {  	[smem:$0x3FB6] =	sst s10  }
0x38: {  	s10 =	sld [smem:$0x3FB7]  }
0x39: {  	_ = 	snop;
	(pc) =	sbr.ind lr, $3  }
0x3a: {  	_ = 	snop  }
0x3b: {  	_ = 	snop  }
0x3c: {  	p2 =	seq.s32 s10, $0x1;
	s10 =	sld [smem:$0x3FB6]  }
0x3d: {  	_ =	shalt  }
0x3e: {  	_ =	shalt  }
0x3f: {  	_ =	shalt  }
0x40: {  	_ =	shalt  }
0x41: {  	_ =	shalt  }
0x42: {  	_ =	shalt  }
0x43: {  	_ =	shalt  }
0x44: {  	_ =	shalt  }
0x45: {  	_ =	shalt  }
0x46: {  	_ =	shalt  }
0x47: {  	_ =	shalt  }
0x48: {  	_ =	shalt  }
0x49: {  	_ =	shalt  }
0x4a: {  	_ =	shalt  }
0x4b: {  	_ =	shalt  }
0x4c: {  	_ =	shalt  }
0x4d: {  	_ =	shalt  }
0x4e: {  	_ =	shalt  }
0x4f: {  	_ =	shalt  }
0x50: {  	_ =	shalt  }
0x51: {  	_ =	shalt  }
0x52: {  	_ =	shalt  }
0x53: {  	_ =	shalt  }
0x54: {  	_ =	shalt  }
0x55: {  	_ =	shalt  }
0x56: {  	_ =	shalt  }
0x57: {  	_ =	shalt  }
0x58: {  	_ =	shalt  }
0x59: {  	_ =	shalt  }
0x5a: {  	_ =	shalt  }
0x5b: {  	_ =	shalt  }
0x5c: {  	_ =	shalt  }
0x5d: {  	_ =	shalt  }
0x5e: {  	_ =	shalt  }
0x5f: {  	_ =	shalt  }
0x60: {  	_ =	shalt  }
0x61: {  	_ =	shalt  }
0x62: {  	_ =	shalt  }
0x63: {  	_ =	shalt  }
0x64: {  	_ =	shalt  }
0x65: {  	_ =	shalt  }
0x66: {  	_ =	shalt  }
0x67: {  	_ =	shalt  }
0x68: {  	_ =	shalt  }
0x69: {  	_ =	shalt  }
0x6a: {  	_ =	shalt  }
0x6b: {  	_ =	shalt  }
0x6c: {  	_ =	shalt  }
0x6d: {  	_ =	shalt  }
0x6e: {  	_ =	shalt  }
0x6f: {  	_ =	shalt  }
0x70: {  	_ =	shalt  }
0x71: {  	_ =	shalt  }
0x72: {  	_ =	shalt  }
0x73: {  	_ =	shalt  }
0x74: {  	_ =	shalt  }
0x75: {  	_ =	shalt  }
0x76: {  	_ =	shalt  }
0x77: {  	_ =	shalt  }
0x78: {  	_ =	shalt  }
0x79: {  	_ =	shalt  }
0x7a: {  	_ =	shalt  }
0x7b: {  	_ =	shalt  }
0x7c: {  	_ =	shalt  }
0x7d: {  	_ =	shalt  }
0x7e: {  	_ =	shalt  }
0x7f: {  	_ =	shalt  }
0x80: {  	_ =	shalt  }
0x81: {  	_ =	shalt  }
0x82: {  	_ =	shalt  }
0x83: {  	_ =	shalt  }
0x84: {  	_ =	shalt  }
0x85: {  	_ =	shalt  }
0x86: {  	_ =	shalt  }
0x87: {  	_ =	shalt  }
.Lfunc_end0:
.L_simem_size_0:
called_computation_lowered:
.L_overlay_start_0:
0x88: {  	s2 =	sld [smem:$0x3FD9]  }
0x89: {  	s3 =	sld [smem:$0x3FFE];
	_ =	sdelay $0x1  }
0x8a: {  	s1 =	srdreg.scid  }
0x8b: {  	s0 =	sand.u32 $0x1, s1  }
0x8c: {  	s16 =	sshll.u32 s0, $0xA;
	s2 =	sadd.s32 s3, s2  }
0x8d: {  	s2 =	sadd.s32 s2, s16  }
0x8e: {  	[smem:$0x3FC2] =	sst s2  }
0x8f: {  	_ = 	snop  }
0x90: {  	(tm) =	ssettm $0x1  }
0x91: {  	s17 =	sld [smem:$0x3FFB];
	_ =	sdelay $0x3  }
0x92: {  	_ =	strace s17  }
0x93: {  	s2 =	sld [smem:$0x3FFC];
	_ =	sdelay $0x3  }
0x94: {  	_ =	strace s2  }
0x95: {  	s2 =	sld [smem:$0x3FFD];
	_ =	sdelay $0x3  }
0x96: {  	_ =	strace s2  }
0x97: {  	_ =	strace $0x8FFFFFFF  }
0x98: {  	s18 =	sld [smem:$0x3FDB];
	_ =	sdelay $0x1  }
0x99: {  	s19 =	simm.s32 $_scs_section_size  }
0x9a: {  	s4 =	simm.s32 $_size__tile_overlayer_lowered;
	s5 =	simm.s32 $_tile_overlayer_lowered  }
0x9b: {  	s22 =	simm.s32 $0x1BFF;
	s21 =	sshll.u32 s5, $0x1;
	s2 =	sadd.s32 s19, s18  }
0x9c: {  	s6 =	simm.s32 $0x0;
	s20 =	sshll.u32 s4, $0x1;
	s4 =	sadd.s32 s21, s2  }
0x9d: {  	[timem:s6], [sflag:s22] =	dma.local [hbm:s4], s20  }
0x9e: {  	_ =	swait.ge [sflag:s22], s20  }
0x9f: {  	s3 =	ssub.s32 $0x0, s20;
	[sflag:s22] =	ssyncset.done $0x0  }
0xa0: {  	[sflag:s22] =	ssyncadd.s32 s3;
	_ =	sdelay $0x1  }
0xa1: {  	s23 =	simm.s32 $0x1B8B  }
0xa2: {  	_ =	swait.ge [sflag:s23], $0x1  }
0xa3: {  	[sflag:s23] =	ssyncset.done $0x0  }
0xa4: {  	s25 =	simm.s32 $0x1B8E;
	s24 =	sld [smem:$0x3FFE];
	[sflag:s23] =	ssyncadd.s32 $0xFFFFFFFF  }
0xa5: {  	s26 =	simm.s32 $execute0_lowered;
	[smem:$0x3FD2] =	sst s25  }
0xa6: {  	s4 =	sshll.u32 s26, $0x1;
	_ =	strace $0x80000046;
	[dreg:$0x1] =	wrdreg $0xFFFFFFFF  }
0xa7: {  	s28 =	simm.s32 $_size_execute0_lowered;
	s2 =	sadd.s32 s2, s4;
	[dreg:$0x0] =	wrdreg $0x0  }
0xa8: {  	s4 =	sshll.u32 s28, $0x1;
	[dreg:$0x2] =	wrdreg s2  }
0xa9: {  	[dreg:$0x3] =	wrdreg s4  }
0xaa: {  	[dreg:$0x4] =	wrdreg $0xC0  }
0xab: {  	_ =	task [dreg:s6], $0x5FFFF  }
0xac: {  	[dreg:$0x1] =	wrdreg $0xFFFFFFFF  }
0xad: {  	[dreg:$0x0] =	wrdreg $0x60  }
0xae: {  	[dreg:$0x2] =	wrdreg s24  }
0xaf: {  	[dreg:$0x3] =	wrdreg $0xF7800  }
0xb0: {  	[dreg:$0x4] =	wrdreg $0x9  }
0xb1: {  	_ =	task.clear_ibuf [dreg:s6], $0x5FFFF;
	_ =	strace $0x90000046  }
0xb2: {  	s29 =	simm.s32 $0x9;
	_ =	strace $0x80000048  }
0xb3: {  	_ =	swait.ge [sflag:s29], $0x1  }
0xb4: {  	[sflag:s29] =	ssyncadd.s32 $0xFFFFFFFF  }
0xb5: {  	_ =	strace $0x90000048  }
0xb6: {  	_ =	sfence  }
0xb7: {  	s30 =	sld [smem:$0x0];
	_ =	sdelay $0x2  }
0xb8: {  	s31 =	sshll.u32 s1, $0xD;
	s1 =	sshrl.u32 s1, $0x2  }
0xb9: {  	s3 =	sand.u32 $0x4000, s31;
	s1 =	sadd.s32 s1, s30  }
0xba: {  	s0 =	sor.u32 s3, s0;
	s1 =	sshll.u32 s1, $0x11  }
0xbb: {  	s0 =	sor.u32 s1, s0  }
0xbc: {  	s0 =	sadd.s32 $0x8F2B, s0  }
0xbd: {  	[sflag:s0] =	ssyncadd.remote.s32 $0x1  }
0xbe: {  	_ =	sfence.sel $0xFFFF  }
0xbf: {  	[dreg:$0x0] =	wrdreg $0xFFFFFFFF;
	(pc) =	sbr.abs _section_cstart, $3  }
0xc0: {  	[dreg:$0x1] =	wrdreg $0xFFFFFFFF  }
0xc1: {  	_ =	task.clear_ibuf [dreg:s6], $0x2FFFF;
	_ =	strace $0x9FFFFFFF  }
0xc2: {  	(tm) =	ssettm $0x7FFFFFFF  }
0xc3: {  	_ =	shalt  }
tec
execute0_lowered:
.L_overlay_start_1:
0x0: {  	(tag) =	ssettag $0x1  }
0x1: {  	s1 =	srdreg.scid;
	s3 =	rddreg [dreg:$0x0]  }
0x2: {  	s0 =	stileid.u32;
	s6 =	rddreg [dreg:$0x1];
	s2 =	simm.s32 $0x0  }
0x3: {  	s13 =	simm.s32 $0x2;
	s14 =	simm.s32 $0x7D00;
	s15 =	simm.s32 $0x1  }
0x4: {  	s16 =	simm.s32 $0xA500;
	s17 =	simm.s32 $0x280;
	s18 =	simm.s32 $0x2800  }
0x5: {  	s19 =	simm.s32 $0x80;
	s20 =	simm.s32 $0x200;
	s21 =	simm.s32 $0xF500  }
0x6: {  	s4 =	sand.u32 $0x1, s1;
	s1 =	rddreg [dreg:$0x2];
	s7 =	smul.u32 $0xA00, s0  }
0x7: {  	s30 =	sshll.u32 s0, $0x1;
	[smem:$0x7FF] =	sst s2;
	s10 =	smul.u32 $0xA000, s0  }
0x8: {  	s5 =	sor.u32 s4, s30;
	_ =	strace $0x80000047;
	s8 =	sshll.u32 s4, $0x8  }
0x9: {  	s4 =	ssub.s32 $0x2, s4;
	s5 =	smul.u32 $0x3E80, s5;
	s8 =	sor.u32 s8, s7  }
0xa: {  	s9 =	sshrl.u32 s4, $0x1;
	s31 =	sshrl.u32 s10, $0x2;
	s8 =	sshrl.u32 s8, $0x3  }
0xb: {  	s7 =	sshrl.u32 s7, $0x2;
	s5 =	sshrl.u32 s5, $0x3;
	s11 =	sadd.s32 s8, s3  }
0xc: {  	s12 =	ssub.s32 s4, s9;
	s5 =	sadd.s32 s5, s3;
	s8 =	sadd.s32 $0x21200, s11  }
0xd: {  	s10 =	sadd.s32 $0x21210, s11;
	s11 =	smax.u32 s12, $0x1;
	s3 =	sadd.s32 $0x11800, s5  }
0xe: {  	s4 =	sadd.s32 $0x1E00, s5;
	s5 =	sadd.s32 s31, s6;
	s6 =	sadd.s32 s7, s6  }
0xf: {  	v0 =	vimm.f32 $0.0e+00;
	v1 =	vimm.f32 $1.000000000e+00;
	s12 =	simm.s32 $0x3E80;
	s7 =	sadd.s32 $0x28000, s5;
	s9 =	sadd.s32 $0x28000, s6  }
.LBB2_1:
0x10: {  	s22 =	simm.s32 $0x0;
	s23 =	simm.s32 $0x200  }
.LBB2_2:
0x11: {  	p0 =	sne.s32 s23, $0x9E00;
	[tilespmem:s22+$0xA570] =	vst v0  }
0x12: {  	[tilespmem:s22+$0x7D00] =	vst v0  }
0x13: {  	[tilespmem:s22+$0xA500] =	vst v0  }
0x14: {  	[tilespmem:s22+$0x7D10] =	vst v0  }
0x15: {  	[tilespmem:s22+$0xA510] =	vst v0  }
0x16: {  	[tilespmem:s22+$0x7D20] =	vst v0  }
0x17: {  	[tilespmem:s22+$0xA520] =	vst v0  }
0x18: {  	[tilespmem:s22+$0x7D30] =	vst v0  }
0x19: {  	[tilespmem:s22+$0xA530] =	vst v0  }
0x1a: {  	[tilespmem:s22+$0x7D40] =	vst v0  }
0x1b: {  	[tilespmem:s22+$0xA540] =	vst v0  }
.Ltmp0:
0x1c: {  	[tilespmem:s22+$0x7D50] =	vst v0;
	(pc) =	sbr.rel @p0 .LBB2_2-.Ltmp0, $4  }
0x1d: {  	[tilespmem:s22+$0xA550] =	vst v0  }
0x1e: {  	[tilespmem:s22+$0x7D60] =	vst v0  }
0x1f: {  	[tilespmem:s22+$0xA560] =	vst v0  }
0x20: {  	[tilespmem:s22+$0x7D70] =	vst v0;
	s22 =	sshra.s32 s23, $0x2;
	s23 =	sadd.s32 $0x200, s23  }
0x21: {  	[tilespmem:s22+$0xA570] =	vst v0  }
0x22: {  	[tilespmem:s22+$0x7D00] =	vst v0  }
0x23: {  	[tilespmem:s22+$0xA500] =	vst v0  }
0x24: {  	[tilespmem:s22+$0x7D10] =	vst v0  }
0x25: {  	[tilespmem:s22+$0xA510] =	vst v0  }
0x26: {  	[tilespmem:s22+$0x7D20] =	vst v0  }
0x27: {  	[tilespmem:s22+$0xA520] =	vst v0  }
0x28: {  	[tilespmem:s22+$0x7D30] =	vst v0  }
0x29: {  	[tilespmem:s22+$0xA530] =	vst v0  }
0x2a: {  	[tilespmem:s22+$0x7D40] =	vst v0  }
0x2b: {  	[tilespmem:s22+$0xA540] =	vst v0  }
0x2c: {  	[tilespmem:s22+$0x7D50] =	vst v0  }
0x2d: {  	[tilespmem:s22+$0xA550] =	vst v0  }
0x2e: {  	[tilespmem:s22+$0x7D60] =	vst v0  }
0x2f: {  	[tilespmem:s22+$0xA560] =	vst v0  }
0x30: {  	[tilespmem:s22+$0x7D70] =	vst v0;
	s22 =	simm.s32 $0x0  }
0x31: {  	[tilespmem:s12], [sflag:$0x1] =	stream.linear.gather [hbm4b:s3+s22], $0x3E80, $0x38;
	[tilespmem:$0x14780] =	vst v63  }
0x32: {  	_ = 	snop  }
0x33: {  	[tilespmem:s22], [sflag:$0x2] =	stream.linear.gather [hbm4b:s4+s22], $0x3E80, $0x38;
	[tilespmem:$0x14780] =	vst v63  }
0x34: {  	_ =	swait.ge [sflag:s13], $0x3E80  }
0x35: {  	[sflag:s13] =	ssyncset.done $0x0  }
0x36: {  	[sflag:s13] =	ssyncadd.s32 $0xFFFFC180  }
.LBB2_4:
0x37: {  	s23 =	sshra.s32 s22, $0x2  }
0x38: {  	v2 =	vld [tilespmem:s23+$0x0];
	_ =	sdelay $0x7  }
0x39: {  	[tilespmem:v2+s14+$0x0] =	vst.idx.add.f32.msk $0xffff, v1  }
0x3a: {  	v2 =	vld [tilespmem:s23+$0x10];
	_ =	sdelay $0x7  }
0x3b: {  	[tilespmem:v2+s14+$0x0] =	vst.idx.add.f32.msk $0xffff, v1  }
0x3c: {  	v2 =	vld [tilespmem:s23+$0x20];
	_ =	sdelay $0x7  }
0x3d: {  	[tilespmem:v2+s14+$0x0] =	vst.idx.add.f32.msk $0xffff, v1  }
0x3e: {  	v2 =	vld [tilespmem:s23+$0x30];
	_ =	sdelay $0x7  }
0x3f: {  	[tilespmem:v2+s14+$0x0] =	vst.idx.add.f32.msk $0xffff, v1  }
0x40: {  	v2 =	vld [tilespmem:s23+$0x40];
	_ =	sdelay $0x2  }
0x41: {  	p0 =	sne.s32 s22, $0xF800  }
.Ltmp1:
0x42: {  	_ = 	snop;
	(pc) =	sbr.rel @p0 .LBB2_4-.Ltmp1, $2  }
0x43: {  	_ =	sdelay $0x2  }
0x44: {  	s22 =	sadd.s32 $0x200, s22;
	[tilespmem:v2+s14+$0x0] =	vst.idx.add.f32.msk $0xffff, v1  }
0x45: {  	_ =	swait.ge [sflag:s15], $0x3E80  }
0x46: {  	[sflag:s15] =	ssyncset.done $0x0  }
0x47: {  	s22 =	simm.s32 $0x0;
	[sflag:s15] =	ssyncadd.s32 $0xFFFFC180  }
.LBB2_6:
0x48: {  	s23 =	sshra.s32 s22, $0x2  }
0x49: {  	v2 =	vld [tilespmem:s23+$0x3E80];
	_ =	sdelay $0x7  }
0x4a: {  	[tilespmem:v2+s16+$0x0] =	vst.idx.add.f32.msk $0xffff, v1  }
0x4b: {  	v2 =	vld [tilespmem:s23+$0x3E90];
	_ =	sdelay $0x7  }
0x4c: {  	[tilespmem:v2+s16+$0x0] =	vst.idx.add.f32.msk $0xffff, v1  }
0x4d: {  	v2 =	vld [tilespmem:s23+$0x3EA0];
	_ =	sdelay $0x7  }
0x4e: {  	[tilespmem:v2+s16+$0x0] =	vst.idx.add.f32.msk $0xffff, v1  }
0x4f: {  	v2 =	vld [tilespmem:s23+$0x3EB0];
	_ =	sdelay $0x7  }
0x50: {  	[tilespmem:v2+s16+$0x0] =	vst.idx.add.f32.msk $0xffff, v1  }
0x51: {  	v2 =	vld [tilespmem:s23+$0x3EC0];
	_ =	sdelay $0x2  }
0x52: {  	p0 =	sne.s32 s22, $0xF800  }
.Ltmp2:
0x53: {  	_ = 	snop;
	(pc) =	sbr.rel @p0 .LBB2_6-.Ltmp2, $2  }
0x54: {  	_ =	sdelay $0x2  }
0x55: {  	s22 =	sadd.s32 $0x200, s22;
	[tilespmem:v2+s16+$0x0] =	vst.idx.add.f32.msk $0xffff, v1  }
0x56: {  	[spmem:s5] =	stream.linear.scatter [tilespmem:s14], [sflag:$0x2], $0x2800, $0x38;
	[tilespmem:$0x14780] =	vst v63  }
0x57: {  	_ =	swait.ge [sflag:s13], $0x2800  }
0x58: {  	[sflag:s13] =	ssyncset.done $0x0  }
0x59: {  	[sflag:s13] =	ssyncadd.s32 $0xFFFFD800  }
0x5a: {  	[spmem:s7] =	stream.linear.scatter [tilespmem:s16], [sflag:$0x2], $0x2800, $0x38;
	[tilespmem:$0x14780] =	vst v63  }
0x5b: {  	_ =	swait.ge [sflag:s13], $0x2800  }
0x5c: {  	[sflag:s13] =	ssyncset.done $0x0  }
0x5d: {  	[sflag:s13] =	ssyncadd.s32 $0xFFFFD800  }
0x5e: {  	s22 =	simm.s32 $0xCD00;
	[bflag:$0x0] =	sbarrier.arrive $0xFFFF  }
0x5f: {  	[tilespmem:s22], [sflag:$0x2] =	stream.strided.gather [spmem:s6], $0x2800, s18, s17, $0x38;
	[tilespmem:$0x14780] =	vst v63  }
0x60: {  	_ =	swait.ge [sflag:s13], $0x2800  }
0x61: {  	s23 =	simm.s32 $0x0;
	[sflag:s13] =	ssyncset.done $0x0  }
0x62: {  	s23 =	sand.u32 $0x3F0, s23;
	[sflag:s13] =	ssyncadd.s32 $0xFFFFD800  }
0x63: {  	v2 =	vld [tilespmem:s23+$0xCF80]  }
0x64: {  	v3 =	vld [tilespmem:s22+$0x0];
	_ =	sdelay $0x1  }
0x65: {  	v4 =	vld [tilespmem:s23+$0xD200];
	_ =	sdelay $0x1  }
0x66: {  	v5 =	vld [tilespmem:s23+$0xD480]  }
0x67: {  	v2 =	vadd.f32 v2, v3  }
0x68: {  	v3 =	vld [tilespmem:s23+$0xD700]  }
0x69: {  	v2 =	vadd.f32 v4, v2  }
0x6a: {  	v56 =	vld [tilespmem:s23+$0xD980]  }
0x6b: {  	v2 =	vadd.f32 v5, v2  }
0x6c: {  	v57 =	vld [tilespmem:s23+$0xDC00]  }
0x6d: {  	v2 =	vadd.f32 v3, v2  }
0x6e: {  	v3 =	vld [tilespmem:s23+$0xDE80]  }
0x6f: {  	v2 =	vadd.f32 v56, v2  }
0x70: {  	v58 =	vld [tilespmem:s23+$0xE100]  }
0x71: {  	v2 =	vadd.f32 v57, v2  }
0x72: {  	v59 =	vld [tilespmem:s23+$0xE380]  }
0x73: {  	v2 =	vadd.f32 v3, v2  }
0x74: {  	v3 =	vld [tilespmem:s23+$0xE600]  }
0x75: {  	v2 =	vadd.f32 v58, v2  }
0x76: {  	v60 =	vld [tilespmem:s23+$0xE880]  }
0x77: {  	v2 =	vadd.f32 v59, v2  }
0x78: {  	v61 =	vld [tilespmem:s23+$0xEB00]  }
0x79: {  	v2 =	vadd.f32 v3, v2  }
0x7a: {  	v3 =	vld [tilespmem:s23+$0xED80]  }
0x7b: {  	v2 =	vadd.f32 v60, v2  }
0x7c: {  	v62 =	vld [tilespmem:s23+$0xF000]  }
0x7d: {  	v2 =	vadd.f32 v61, v2  }
0x7e: {  	v63 =	vld [tilespmem:s23+$0xF280]  }
0x7f: {  	v2 =	vadd.f32 v3, v2;
	_ =	sdelay $0x1  }
0x80: {  	v2 =	vadd.f32 v62, v2;
	_ =	sdelay $0x1  }
0x81: {  	v2 =	vadd.f32 v63, v2  }
0x82: {  	s31 =	simm.s32 $0x10;
	s22 =	simm.s32 $0xF500  }
0x83: {  	s23 =	sand.u32 $0x3F0, s31;
	[tilespmem:s22+$0x0] =	vst v2  }
0x84: {  	s25 =	simm.s32 $0x20;
	s24 =	simm.s32 $0xCD10;
	v2 =	vld [tilespmem:s23+$0xCF80]  }
.LBB2_8:
0x85: {  	p0 =	sne.s32 s25, $0x270;
	v3 =	vld [tilespmem:s24+$0x0];
	_ =	sdelay $0x1  }
0x86: {  	v4 =	vld [tilespmem:s23+$0xD200];
	_ =	sdelay $0x1  }
0x87: {  	v5 =	vld [tilespmem:s23+$0xD480]  }
0x88: {  	v2 =	vadd.f32 v2, v3  }
0x89: {  	v3 =	vld [tilespmem:s23+$0xD700]  }
0x8a: {  	v2 =	vadd.f32 v4, v2  }
0x8b: {  	v4 =	vld [tilespmem:s23+$0xD980]  }
0x8c: {  	v2 =	vadd.f32 v5, v2  }
0x8d: {  	v5 =	vld [tilespmem:s23+$0xDC00]  }
0x8e: {  	v2 =	vadd.f32 v3, v2  }
0x8f: {  	v3 =	vld [tilespmem:s23+$0xDE80]  }
0x90: {  	v2 =	vadd.f32 v4, v2  }
0x91: {  	v4 =	vld [tilespmem:s23+$0xE100]  }
0x92: {  	v2 =	vadd.f32 v5, v2  }
0x93: {  	v5 =	vld [tilespmem:s23+$0xE380]  }
0x94: {  	v2 =	vadd.f32 v3, v2  }
0x95: {  	v3 =	vld [tilespmem:s23+$0xE600]  }
0x96: {  	v2 =	vadd.f32 v4, v2  }
0x97: {  	v4 =	vld [tilespmem:s23+$0xE880]  }
0x98: {  	v2 =	vadd.f32 v5, v2  }
0x99: {  	v5 =	vld [tilespmem:s23+$0xEB00]  }
0x9a: {  	v2 =	vadd.f32 v3, v2  }
0x9b: {  	v3 =	vld [tilespmem:s23+$0xED80]  }
0x9c: {  	v2 =	vadd.f32 v4, v2  }
0x9d: {  	v4 =	vld [tilespmem:s23+$0xF000]  }
0x9e: {  	v2 =	vadd.f32 v5, v2  }
0x9f: {  	v5 =	vld [tilespmem:s23+$0xF280]  }
0xa0: {  	v2 =	vadd.f32 v3, v2;
	_ =	sdelay $0x1  }
0xa1: {  	v2 =	vadd.f32 v4, v2  }
.Ltmp3:
0xa2: {  	(pc) =	sbr.rel @p0 .LBB2_8-.Ltmp3, $4  }
0xa3: {  	v2 =	vadd.f32 v5, v2  }
0xa4: {  	s22 =	sadd.s32 $0x10, s22  }
0xa5: {  	s23 =	sand.u32 $0x3F0, s25;
	[tilespmem:s22+$0x0] =	vst v2  }
0xa6: {  	s24 =	sadd.s32 $0x10, s24;
	s25 =	sadd.s32 $0x10, s25;
	v2 =	vld [tilespmem:s23+$0xCF80]  }
0xa7: {  	v3 =	vld [tilespmem:s24+$0x0];
	_ =	sdelay $0x1  }
0xa8: {  	v4 =	vld [tilespmem:s23+$0xD200];
	_ =	sdelay $0x1  }
0xa9: {  	v5 =	vld [tilespmem:s23+$0xD480]  }
0xaa: {  	v2 =	vadd.f32 v2, v3  }
0xab: {  	v3 =	vld [tilespmem:s23+$0xD700]  }
0xac: {  	v2 =	vadd.f32 v4, v2  }
0xad: {  	v46 =	vld [tilespmem:s23+$0xD980]  }
0xae: {  	v2 =	vadd.f32 v5, v2  }
0xaf: {  	v47 =	vld [tilespmem:s23+$0xDC00]  }
0xb0: {  	v2 =	vadd.f32 v3, v2  }
0xb1: {  	v3 =	vld [tilespmem:s23+$0xDE80]  }
0xb2: {  	v2 =	vadd.f32 v46, v2  }
0xb3: {  	v48 =	vld [tilespmem:s23+$0xE100]  }
0xb4: {  	v2 =	vadd.f32 v47, v2  }
0xb5: {  	v49 =	vld [tilespmem:s23+$0xE380]  }
0xb6: {  	v2 =	vadd.f32 v3, v2  }
0xb7: {  	v3 =	vld [tilespmem:s23+$0xE600]  }
0xb8: {  	v2 =	vadd.f32 v48, v2  }
0xb9: {  	v50 =	vld [tilespmem:s23+$0xE880]  }
0xba: {  	v2 =	vadd.f32 v49, v2  }
0xbb: {  	v51 =	vld [tilespmem:s23+$0xEB00]  }
0xbc: {  	v2 =	vadd.f32 v3, v2  }
0xbd: {  	v3 =	vld [tilespmem:s23+$0xED80]  }
0xbe: {  	v2 =	vadd.f32 v50, v2  }
0xbf: {  	v52 =	vld [tilespmem:s23+$0xF000]  }
0xc0: {  	v2 =	vadd.f32 v51, v2  }
0xc1: {  	v53 =	vld [tilespmem:s23+$0xF280]  }
0xc2: {  	v2 =	vadd.f32 v3, v2;
	_ =	sdelay $0x1  }
0xc3: {  	v2 =	vadd.f32 v52, v2;
	_ =	sdelay $0x1  }
0xc4: {  	v2 =	vadd.f32 v53, v2  }
0xc5: {  	s22 =	sadd.s32 $0x10, s22  }
0xc6: {  	[tilespmem:s22+$0x0] =	vst v2;
	s22 =	simm.s32 $0xF500  }
0xc7: {  	[hbm4b:s8+s19] =	stream.strided.scatter [tilespmem:s22], [sflag:$0x2], $0x280, s20, s19, $0x38;
	[tilespmem:$0x14780] =	vst v63  }
0xc8: {  	_ =	swait.ge [sflag:s13], $0x280  }
0xc9: {  	[sflag:s13] =	ssyncset.done $0x0  }
0xca: {  	s29 =	simm.s32 $0xCD00;
	[sflag:s13] =	ssyncadd.s32 $0xFFFFFD80  }
0xcb: {  	[tilespmem:s29], [sflag:$0x2] =	stream.strided.gather [spmem:s9], $0x2800, s18, s17, $0x38;
	[tilespmem:$0x14780] =	vst v63  }
0xcc: {  	_ =	swait.ge [sflag:s13], $0x2800  }
0xcd: {  	s30 =	simm.s32 $0x0;
	[sflag:s13] =	ssyncset.done $0x0  }
0xce: {  	s24 =	sand.u32 $0x3F0, s30;
	[sflag:s13] =	ssyncadd.s32 $0xFFFFD800  }
0xcf: {  	v2 =	vld [tilespmem:s24+$0xCF80]  }
0xd0: {  	v3 =	vld [tilespmem:s29+$0x0];
	_ =	sdelay $0x1  }
0xd1: {  	v54 =	vld [tilespmem:s24+$0xD200];
	_ =	sdelay $0x1  }
0xd2: {  	v55 =	vld [tilespmem:s24+$0xD480]  }
0xd3: {  	v2 =	vadd.f32 v2, v3  }
0xd4: {  	v3 =	vld [tilespmem:s24+$0xD700]  }
0xd5: {  	v2 =	vadd.f32 v54, v2  }
0xd6: {  	v56 =	vld [tilespmem:s24+$0xD980]  }
0xd7: {  	v2 =	vadd.f32 v55, v2  }
0xd8: {  	v57 =	vld [tilespmem:s24+$0xDC00]  }
0xd9: {  	v2 =	vadd.f32 v3, v2  }
0xda: {  	v3 =	vld [tilespmem:s24+$0xDE80]  }
0xdb: {  	v2 =	vadd.f32 v56, v2  }
0xdc: {  	v58 =	vld [tilespmem:s24+$0xE100]  }
0xdd: {  	v2 =	vadd.f32 v57, v2  }
0xde: {  	v59 =	vld [tilespmem:s24+$0xE380]  }
0xdf: {  	v2 =	vadd.f32 v3, v2  }
0xe0: {  	v3 =	vld [tilespmem:s24+$0xE600]  }
0xe1: {  	v2 =	vadd.f32 v58, v2  }
0xe2: {  	v60 =	vld [tilespmem:s24+$0xE880]  }
0xe3: {  	v2 =	vadd.f32 v59, v2  }
0xe4: {  	v61 =	vld [tilespmem:s24+$0xEB00]  }
0xe5: {  	v2 =	vadd.f32 v3, v2  }
0xe6: {  	v3 =	vld [tilespmem:s24+$0xED80]  }
0xe7: {  	v2 =	vadd.f32 v60, v2  }
0xe8: {  	v62 =	vld [tilespmem:s24+$0xF000]  }
0xe9: {  	v2 =	vadd.f32 v61, v2  }
0xea: {  	v63 =	vld [tilespmem:s24+$0xF280]  }
0xeb: {  	v2 =	vadd.f32 v3, v2;
	_ =	sdelay $0x1  }
0xec: {  	v2 =	vadd.f32 v62, v2;
	_ =	sdelay $0x1  }
0xed: {  	v2 =	vadd.f32 v63, v2  }
0xee: {  	s31 =	simm.s32 $0x10  }
0xef: {  	s23 =	sand.u32 $0x3F0, s31;
	[tilespmem:s22+$0x0] =	vst v2  }
0xf0: {  	s25 =	simm.s32 $0x20;
	s24 =	simm.s32 $0xCD10;
	v2 =	vld [tilespmem:s23+$0xCF80]  }
.LBB2_10:
0xf1: {  	p0 =	sne.s32 s25, $0x270;
	v3 =	vld [tilespmem:s24+$0x0];
	_ =	sdelay $0x1  }
0xf2: {  	v4 =	vld [tilespmem:s23+$0xD200];
	_ =	sdelay $0x1  }
0xf3: {  	v5 =	vld [tilespmem:s23+$0xD480]  }
0xf4: {  	v2 =	vadd.f32 v2, v3  }
0xf5: {  	v3 =	vld [tilespmem:s23+$0xD700]  }
0xf6: {  	v2 =	vadd.f32 v4, v2  }
0xf7: {  	v4 =	vld [tilespmem:s23+$0xD980]  }
0xf8: {  	v2 =	vadd.f32 v5, v2  }
0xf9: {  	v5 =	vld [tilespmem:s23+$0xDC00]  }
0xfa: {  	v2 =	vadd.f32 v3, v2  }
0xfb: {  	v3 =	vld [tilespmem:s23+$0xDE80]  }
0xfc: {  	v2 =	vadd.f32 v4, v2  }
0xfd: {  	v4 =	vld [tilespmem:s23+$0xE100]  }
0xfe: {  	v2 =	vadd.f32 v5, v2  }
0xff: {  	v5 =	vld [tilespmem:s23+$0xE380]  }
0x100: {  	v2 =	vadd.f32 v3, v2  }
0x101: {  	v3 =	vld [tilespmem:s23+$0xE600]  }
0x102: {  	v2 =	vadd.f32 v4, v2  }
0x103: {  	v4 =	vld [tilespmem:s23+$0xE880]  }
0x104: {  	v2 =	vadd.f32 v5, v2  }
0x105: {  	v5 =	vld [tilespmem:s23+$0xEB00]  }
0x106: {  	v2 =	vadd.f32 v3, v2  }
0x107: {  	v3 =	vld [tilespmem:s23+$0xED80]  }
0x108: {  	v2 =	vadd.f32 v4, v2  }
0x109: {  	v4 =	vld [tilespmem:s23+$0xF000]  }
0x10a: {  	v2 =	vadd.f32 v5, v2  }
0x10b: {  	v5 =	vld [tilespmem:s23+$0xF280]  }
0x10c: {  	v2 =	vadd.f32 v3, v2;
	_ =	sdelay $0x1  }
0x10d: {  	v2 =	vadd.f32 v4, v2  }
.Ltmp4:
0x10e: {  	(pc) =	sbr.rel @p0 .LBB2_10-.Ltmp4, $4  }
0x10f: {  	v2 =	vadd.f32 v5, v2  }
0x110: {  	s22 =	sadd.s32 $0x10, s22  }
0x111: {  	s23 =	sand.u32 $0x3F0, s25;
	[tilespmem:s22+$0x0] =	vst v2  }
0x112: {  	s24 =	sadd.s32 $0x10, s24;
	s25 =	sadd.s32 $0x10, s25;
	v2 =	vld [tilespmem:s23+$0xCF80]  }
0x113: {  	v3 =	vld [tilespmem:s24+$0x0];
	_ =	sdelay $0x1  }
0x114: {  	v4 =	vld [tilespmem:s23+$0xD200];
	_ =	sdelay $0x1  }
0x115: {  	v5 =	vld [tilespmem:s23+$0xD480]  }
0x116: {  	v2 =	vadd.f32 v2, v3  }
0x117: {  	v3 =	vld [tilespmem:s23+$0xD700]  }
0x118: {  	v2 =	vadd.f32 v4, v2  }
0x119: {  	v56 =	vld [tilespmem:s23+$0xD980]  }
0x11a: {  	v2 =	vadd.f32 v5, v2  }
0x11b: {  	v57 =	vld [tilespmem:s23+$0xDC00]  }
0x11c: {  	v2 =	vadd.f32 v3, v2  }
0x11d: {  	v3 =	vld [tilespmem:s23+$0xDE80]  }
0x11e: {  	v2 =	vadd.f32 v56, v2  }
0x11f: {  	v58 =	vld [tilespmem:s23+$0xE100]  }
0x120: {  	v2 =	vadd.f32 v57, v2  }
0x121: {  	v59 =	vld [tilespmem:s23+$0xE380]  }
0x122: {  	v2 =	vadd.f32 v3, v2  }
0x123: {  	v3 =	vld [tilespmem:s23+$0xE600]  }
0x124: {  	v2 =	vadd.f32 v58, v2  }
0x125: {  	v60 =	vld [tilespmem:s23+$0xE880]  }
0x126: {  	v2 =	vadd.f32 v59, v2  }
0x127: {  	v61 =	vld [tilespmem:s23+$0xEB00]  }
0x128: {  	v2 =	vadd.f32 v3, v2  }
0x129: {  	v3 =	vld [tilespmem:s23+$0xED80]  }
0x12a: {  	v2 =	vadd.f32 v60, v2  }
0x12b: {  	v62 =	vld [tilespmem:s23+$0xF000]  }
0x12c: {  	v2 =	vadd.f32 v61, v2  }
0x12d: {  	v63 =	vld [tilespmem:s23+$0xF280]  }
0x12e: {  	v2 =	vadd.f32 v3, v2;
	_ =	sdelay $0x1  }
0x12f: {  	v2 =	vadd.f32 v62, v2;
	_ =	sdelay $0x1  }
0x130: {  	s2 =	sadd.s32 $0x1, s2;
	v2 =	vadd.f32 v63, v2  }
0x131: {  	s22 =	sadd.s32 $0x10, s22;
	p0 =	sne.s32 s2, s11  }
.Ltmp5:
0x132: {  	[tilespmem:s22+$0x0] =	vst v2;
	(pc) =	sbr.rel @p0 .LBB2_1-.Ltmp5, $4  }
0x133: {  	[hbm4b:s10+s19] =	stream.strided.scatter [tilespmem:s21], [sflag:$0x2], $0x280, s20, s19, $0x38;
	[tilespmem:$0x14780] =	vst v63  }
0x134: {  	_ =	swait.ge [sflag:s13], $0x280  }
0x135: {  	[sflag:s13] =	ssyncset.done $0x0  }
0x136: {  	[sflag:s13] =	ssyncadd.s32 $0xFFFFFD80  }
0x137: {  	_ =	sfence.sel $0x180000  }
0x138: {  	[bflag:$0x0] =	sbarrier.arrive $0xFFFF  }
0x139: {  	p0 =	sne.s32 s0, $0x0;
	_ =	strace $0x90000047  }
0x13a: {  	s0 =	sadd.s32 @!p0 $0x100000, s1;
	[bflag:$0x2] =	sbarrier.arrive $0xFFFF  }
0x13b: {  	[sflag:s0] =	ssyncadd.tile.s32 @!p0 $0x1;
	_ =	shalt  }
.Lfunc_end2:
_tile_overlayer_lowered:
.L_overlay_start_2:
0x13c: {  	(tag) =	ssettag $0x2  }
0x13d: {  	s0 =	rddreg [dreg:$0x0];
	s2 =	stileid.u32  }
0x13e: {  	s1 =	rddreg [dreg:$0x1];
	p0 =	sne.s32 s2, $0x0  }
0x13f: {  	s3 =	rddreg [dreg:$0x2];
	[bflag:$0x3] =	sbarrier.arrive $0xFFFF;
	s2 =	simm.s32 @!p0 $0x1C02  }
0x140: {  	[timem:s3], [sflag:s2] =	dma.local @!p0 [hbm:s0], s1  }
0x141: {  	s0 =	simm.s32 @!p0 $0x2  }
0x142: {  	_ =	swait.ge @!p0 [sflag:s0], s1  }
0x143: {  	s1 =	ssub.s32 @!p0 $0x0, s1;
	[sflag:s0] =	ssyncset.done @!p0 $0x0  }
0x144: {  	[sflag:s0] =	ssyncadd.s32 @!p0 s1  }
0x145: {  	[bflag:$0x3] =	sbarrier.arrive $0xFFFF  }
0x146: {  	_ =	shalt  }

// kernel: kernel.9.cloned.1.call-start
scs
__scs_entry_jumppad:
0x0: {  	(pc) =	sbr.rel $0x88, $3  }
0x1: {  	(tag) =	ssettag $0x0;
	lr =	simm.s32 $0x1  }
0x2: {  	[smem:$0x3F9B] =	sst lr;
	_ =	strace $0xD0000000  }
0x3: {  	_ = 	snop  }
0x4: {  	_ = 	snop  }
0x5: {  	_ = 	snop  }
0x6: {  	_ = 	snop  }
0x7: {  	_ = 	snop  }
__scs_overlays_trampoline_lowered:
0x8: {  	[smem:$0x3FAA] =	sst s0  }
0x9: {  	[smem:$0x3FAB] =	sst s1  }
0xa: {  	[smem:$0x3FAC] =	sst s2  }
0xb: {  	[smem:$0x3FAD] =	sst s3  }
0xc: {  	[smem:$0x3FAE] =	sst s4  }
0xd: {  	[smem:$0x3FAF] =	sst s5  }
0xe: {  	[smem:$0x3FB0] =	sst s6  }
0xf: {  	[smem:$0x3FB1] =	sst s7  }
0x10: {  	[smem:$0x3FB2] =	sst s8  }
0x11: {  	[smem:$0x3FB3] =	sst s9;
	s0 =	simm.s32 @!p0 $0x0  }
0x12: {  	s1 =	sld [smem:$0x3F99];
	s0 =	simm.s32 @p0 $0x1  }
0x13: {  	[smem:$0x3FB4] =	sst s0;
	s0 =	simm.s32 @!p1 $0x0  }
0x14: {  	s2 =	sld [smem:$0x3F98];
	s0 =	simm.s32 @p1 $0x1  }
0x15: {  	[smem:$0x3FB5] =	sst s0;
	s0 =	simm.s32 @!p2 $0x0  }
0x16: {  	s3 =	sld [smem:$0x3FDB];
	s0 =	simm.s32 @p2 $0x1  }
0x17: {  	s4 =	simm.s32 $0x1BF5;
	[smem:$0x3FB7] =	sst s0  }
0x18: {  	s0 =	sld [smem:$0x3F9A];
	_ =	swait.ge [sflag:s4], $0x0  }
0x19: {  	s7 =	sld [smem:$0x3F9B]  }
0x1a: {  	s8 =	sadd.s32 $0xFFFFE003, lr  }
0x1b: {  	s9 =	sadd.s32 $0xFFFFFEF7, lr;
	s5 =	simm.s32 $0xFFFFFFFF;
	p2 =	slt.u32 s8, $0xFFFFF086  }
0x1c: {  	p1 =	slt.u32 s9, $0xF7A;
	s5 =	simm.s32 @!p2 $0x0  }
0x1d: {  	s5 =	simm.s32 @p1 $0x1;
	p0 =	seq.s32 s7, s2  }
0x1e: {  	s7 =	smul.u32 @!p0 $0xF7A, s2;
	p2 =	seq.s32 @!p0 s5, $0x0  }
0x1f: {  	s9 =	smul.u32 $0xF7A, s1;
	s8 =	simm.s32 @!p0 $0x1BF5;
	p2 =	por !p2, p0  }
0x20: {  	[sflag:s8] =	ssyncset.s32 @!p0 $0xFFFFF086;
	s6 =	sadd.s32 @!p0 s3, s7;
	s7 =	simm.s32 @!p0 $0x108  }
0x21: {  	s3 =	sadd.s32 s3, s9;
	s6 =	sadd.s32 @!p0 $0x88, s6;
	s7 =	simm.s32 @p2 $0x1082  }
0x22: {  	[simem:s7], [sflag:s8] =	dma.local @!p0 [hbm:s6], $0xF7A  }
0x23: {  	s9 =	sor.u32 $0xD0000000, s2;
	s6 =	simm.s32 $0x108;
	_ =	swait.ge @!p0 [sflag:s8], $0x0  }
0x24: {  	s3 =	sadd.s32 $0x88, s3;
	s6 =	simm.s32 @!p1 $0x1082;
	[sflag:s4] =	ssyncset.s32 $0xFFFFF086  }
0x25: {  	[simem:s6], [sflag:s4] =	dma.local [hbm:s3], $0xF7A  }
0x26: {  	[smem:$0x3F9B] =	sst s1;
	(tag) =	ssettag s2;
	_ =	strace s9  }
0x27: {  	s1 =	sld [smem:$0x3FAB]  }
0x28: {  	s2 =	sld [smem:$0x3FAC]  }
0x29: {  	s4 =	sld [smem:$0x3FAE]  }
0x2a: {  	p0 =	seq.s32 s5, $0x0;
	s5 =	sld [smem:$0x3FAF]  }
0x2b: {  	s6 =	sld [smem:$0x3FB0]  }
0x2c: {  	s7 =	sld [smem:$0x3FB1]  }
0x2d: {  	s3 =	simm.s32 $0x108;
	s8 =	sld [smem:$0x3FB2]  }
0x2e: {  	s3 =	simm.s32 @!p0 $0x1082;
	s9 =	sld [smem:$0x3FB3]  }
0x2f: {  	lr =	sadd.s32 s0, s3;
	s0 =	sld [smem:$0x3FAA]  }
0x30: {  	s3 =	sld [smem:$0x3FAD]  }
0x31: {  	[smem:$0x3FB6] =	sst s10  }
0x32: {  	s10 =	sld [smem:$0x3FB4];
	_ =	sdelay $0x3  }
0x33: {  	p0 =	seq.s32 s10, $0x1;
	s10 =	sld [smem:$0x3FB6];
	_ =	sdelay $0x3  }
0x34: {  	[smem:$0x3FB6] =	sst s10  }
0x35: {  	s10 =	sld [smem:$0x3FB5];
	_ =	sdelay $0x3  }
0x36: {  	p1 =	seq.s32 s10, $0x1;
	s10 =	sld [smem:$0x3FB6];
	_ =	sdelay $0x3  }
0x37: {  	[smem:$0x3FB6] =	sst s10  }
0x38: {  	s10 =	sld [smem:$0x3FB7]  }
0x39: {  	_ = 	snop;
	(pc) =	sbr.ind lr, $3  }
0x3a: {  	_ = 	snop  }
0x3b: {  	_ = 	snop  }
0x3c: {  	p2 =	seq.s32 s10, $0x1;
	s10 =	sld [smem:$0x3FB6]  }
0x3d: {  	_ =	shalt  }
0x3e: {  	_ =	shalt  }
0x3f: {  	_ =	shalt  }
0x40: {  	_ =	shalt  }
0x41: {  	_ =	shalt  }
0x42: {  	_ =	shalt  }
0x43: {  	_ =	shalt  }
0x44: {  	_ =	shalt  }
0x45: {  	_ =	shalt  }
0x46: {  	_ =	shalt  }
0x47: {  	_ =	shalt  }
0x48: {  	_ =	shalt  }
0x49: {  	_ =	shalt  }
0x4a: {  	_ =	shalt  }
0x4b: {  	_ =	shalt  }
0x4c: {  	_ =	shalt  }
0x4d: {  	_ =	shalt  }
0x4e: {  	_ =	shalt  }
0x4f: {  	_ =	shalt  }
0x50: {  	_ =	shalt  }
0x51: {  	_ =	shalt  }
0x52: {  	_ =	shalt  }
0x53: {  	_ =	shalt  }
0x54: {  	_ =	shalt  }
0x55: {  	_ =	shalt  }
0x56: {  	_ =	shalt  }
0x57: {  	_ =	shalt  }
0x58: {  	_ =	shalt  }
0x59: {  	_ =	shalt  }
0x5a: {  	_ =	shalt  }
0x5b: {  	_ =	shalt  }
0x5c: {  	_ =	shalt  }
0x5d: {  	_ =	shalt  }
0x5e: {  	_ =	shalt  }
0x5f: {  	_ =	shalt  }
0x60: {  	_ =	shalt  }
0x61: {  	_ =	shalt  }
0x62: {  	_ =	shalt  }
0x63: {  	_ =	shalt  }
0x64: {  	_ =	shalt  }
0x65: {  	_ =	shalt  }
0x66: {  	_ =	shalt  }
0x67: {  	_ =	shalt  }
0x68: {  	_ =	shalt  }
0x69: {  	_ =	shalt  }
0x6a: {  	_ =	shalt  }
0x6b: {  	_ =	shalt  }
0x6c: {  	_ =	shalt  }
0x6d: {  	_ =	shalt  }
0x6e: {  	_ =	shalt  }
0x6f: {  	_ =	shalt  }
0x70: {  	_ =	shalt  }
0x71: {  	_ =	shalt  }
0x72: {  	_ =	shalt  }
0x73: {  	_ =	shalt  }
0x74: {  	_ =	shalt  }
0x75: {  	_ =	shalt  }
0x76: {  	_ =	shalt  }
0x77: {  	_ =	shalt  }
0x78: {  	_ =	shalt  }
0x79: {  	_ =	shalt  }
0x7a: {  	_ =	shalt  }
0x7b: {  	_ =	shalt  }
0x7c: {  	_ =	shalt  }
0x7d: {  	_ =	shalt  }
0x7e: {  	_ =	shalt  }
0x7f: {  	_ =	shalt  }
0x80: {  	_ =	shalt  }
0x81: {  	_ =	shalt  }
0x82: {  	_ =	shalt  }
0x83: {  	_ =	shalt  }
0x84: {  	_ =	shalt  }
0x85: {  	_ =	shalt  }
0x86: {  	_ =	shalt  }
0x87: {  	_ =	shalt  }
.Lfunc_end0:
.L_simem_size_0:
called_computation.1_lowered:
.L_overlay_start_0:
0x88: {  	s2 =	sld [smem:$0x3FD9]  }
0x89: {  	s3 =	sld [smem:$0x3FFE];
	_ =	sdelay $0x1  }
0x8a: {  	s1 =	srdreg.scid  }
0x8b: {  	s0 =	sand.u32 $0x1, s1  }
0x8c: {  	s16 =	sshll.u32 s0, $0xA;
	s2 =	sadd.s32 s3, s2  }
0x8d: {  	s2 =	sadd.s32 s2, s16  }
0x8e: {  	[smem:$0x3FC2] =	sst s2  }
0x8f: {  	_ = 	snop  }
0x90: {  	(tm) =	ssettm $0x1  }
0x91: {  	s17 =	sld [smem:$0x3FFB];
	_ =	sdelay $0x3  }
0x92: {  	_ =	strace s17  }
0x93: {  	s2 =	sld [smem:$0x3FFC];
	_ =	sdelay $0x3  }
0x94: {  	_ =	strace s2  }
0x95: {  	s2 =	sld [smem:$0x3FFD];
	_ =	sdelay $0x3  }
0x96: {  	_ =	strace s2  }
0x97: {  	_ =	strace $0x8FFFFFFF  }
0x98: {  	s18 =	sld [smem:$0x3FDB];
	_ =	sdelay $0x1  }
0x99: {  	s19 =	simm.s32 $_scs_section_size  }
0x9a: {  	s4 =	simm.s32 $_size__tile_overlayer_lowered;
	s5 =	simm.s32 $_tile_overlayer_lowered  }
0x9b: {  	s22 =	simm.s32 $0x1BFF;
	s21 =	sshll.u32 s5, $0x1;
	s2 =	sadd.s32 s19, s18  }
0x9c: {  	s6 =	simm.s32 $0x0;
	s20 =	sshll.u32 s4, $0x1;
	s4 =	sadd.s32 s21, s2  }
0x9d: {  	[timem:s6], [sflag:s22] =	dma.local [hbm:s4], s20  }
0x9e: {  	_ =	swait.ge [sflag:s22], s20  }
0x9f: {  	s3 =	ssub.s32 $0x0, s20;
	[sflag:s22] =	ssyncset.done $0x0  }
0xa0: {  	[sflag:s22] =	ssyncadd.s32 s3;
	_ =	sdelay $0x1  }
0xa1: {  	s23 =	simm.s32 $0x1B8B  }
0xa2: {  	_ =	swait.ge [sflag:s23], $0x1  }
0xa3: {  	[sflag:s23] =	ssyncset.done $0x0  }
0xa4: {  	s25 =	simm.s32 $0x1B8E;
	s24 =	sld [smem:$0x3FFE];
	[sflag:s23] =	ssyncadd.s32 $0xFFFFFFFF  }
0xa5: {  	s26 =	simm.s32 $execute0_lowered;
	[smem:$0x3FD2] =	sst s25  }
0xa6: {  	s4 =	sshll.u32 s26, $0x1;
	_ =	strace $0x80000049;
	[dreg:$0x1] =	wrdreg $0xFFFFFFFF  }
0xa7: {  	s28 =	simm.s32 $_size_execute0_lowered;
	s2 =	sadd.s32 s2, s4;
	[dreg:$0x0] =	wrdreg $0x0  }
0xa8: {  	s4 =	sshll.u32 s28, $0x1;
	[dreg:$0x2] =	wrdreg s2  }
0xa9: {  	[dreg:$0x3] =	wrdreg s4  }
0xaa: {  	[dreg:$0x4] =	wrdreg $0xC0  }
0xab: {  	_ =	task [dreg:s6], $0x5FFFF  }
0xac: {  	[dreg:$0x1] =	wrdreg $0xFFFFFFFF  }
0xad: {  	[dreg:$0x0] =	wrdreg $0x60  }
0xae: {  	[dreg:$0x2] =	wrdreg s24  }
0xaf: {  	[dreg:$0x3] =	wrdreg $0xA6000  }
0xb0: {  	[dreg:$0x4] =	wrdreg $0x9  }
0xb1: {  	_ =	task.clear_ibuf [dreg:s6], $0x5FFFF;
	_ =	strace $0x90000049  }
0xb2: {  	s29 =	simm.s32 $0x9;
	_ =	strace $0x8000004B  }
0xb3: {  	_ =	swait.ge [sflag:s29], $0x1  }
0xb4: {  	[sflag:s29] =	ssyncadd.s32 $0xFFFFFFFF  }
0xb5: {  	_ =	strace $0x9000004B  }
0xb6: {  	_ =	sfence  }
0xb7: {  	s30 =	sld [smem:$0x0];
	_ =	sdelay $0x2  }
0xb8: {  	s31 =	sshll.u32 s1, $0xD;
	s1 =	sshrl.u32 s1, $0x2  }
0xb9: {  	s3 =	sand.u32 $0x4000, s31;
	s1 =	sadd.s32 s1, s30  }
0xba: {  	s0 =	sor.u32 s3, s0;
	s1 =	sshll.u32 s1, $0x11  }
0xbb: {  	s0 =	sor.u32 s1, s0  }
0xbc: {  	s0 =	sadd.s32 $0x8F2B, s0  }
0xbd: {  	[sflag:s0] =	ssyncadd.remote.s32 $0x1  }
0xbe: {  	_ =	sfence.sel $0xFFFF  }
0xbf: {  	[dreg:$0x0] =	wrdreg $0xFFFFFFFF;
	(pc) =	sbr.abs _section_cstart, $3  }
0xc0: {  	[dreg:$0x1] =	wrdreg $0xFFFFFFFF  }
0xc1: {  	_ =	task.clear_ibuf [dreg:s6], $0x2FFFF;
	_ =	strace $0x9FFFFFFF  }
0xc2: {  	(tm) =	ssettm $0x7FFFFFFF  }
0xc3: {  	_ =	shalt  }
tec
execute0_lowered:
.L_overlay_start_1:
0x0: {  	(tag) =	ssettag $0x1  }
0x1: {  	s8 =	stileid.u32  }
0x2: {  	s3 =	smul.u32 $0x7E, s8  }
0x3: {  	s1 =	srdreg.scid;
	s4 =	smul.u32 $0x7C, s8  }
0x4: {  	s5 =	simm.s32 $0x0;
	s1 =	sand.u32 $0x1, s1;
	s7 =	smul.u32 $0x14000, s8  }
0x5: {  	[smem:$0x7FF] =	sst s5;
	s31 =	smul.u32 $0x140000, s1  }
0x6: {  	p0 =	seq.s32 s1, $0x0;
	s1 =	ssub.s32 $0x2, s1;
	s6 =	sadd.s32 $0x7E0, s4  }
0x7: {  	s6 =	smov.u32 @p0 s3;
	s5 =	sadd.s32 s7, s31;
	s7 =	sshrl.u32 s1, $0x1  }
0x8: {  	s0 =	rddreg [dreg:$0x0];
	s3 =	sshll.u32 s6, $0x4;
	s1 =	ssub.s32 s1, s7  }
0x9: {  	s2 =	rddreg [dreg:$0x1];
	s3 =	sadd.s32 s3, s0;
	s21 =	smax.u32 s1, $0x1  }
0xa: {  	_ =	strace $0x8000004A;
	s9 =	sadd.s32 $0x1E00, s3;
	[dreg:$0xe] =	wrdreg s21  }
0xb: {  	s29 =	simm.s32 $0x600;
	s10 =	sadd.s32 $0x11800, s3;
	[dreg:$0x3] =	wrdreg s9  }
0xc: {  	s30 =	simm.s32 $0x7;
	s11 =	sadd.s32 $0x1E10, s3;
	[dreg:$0x4] =	wrdreg s10  }
0xd: {  	s16 =	smul.u32 $0x50000, s8;
	s12 =	sadd.s32 $0x11810, s3;
	[dreg:$0x5] =	wrdreg s11  }
0xe: {  	s8 =	simm.s32 $0x0;
	s13 =	sadd.s32 $0x1E20, s3;
	[dreg:$0x6] =	wrdreg s12  }
0xf: {  	s4 =	sadd.s32 $0x21200, s0;
	s14 =	sadd.s32 $0x11820, s3;
	[dreg:$0x7] =	wrdreg s13  }
0x10: {  	s5 =	sshrl.u32 s5, $0x3;
	s15 =	sadd.s32 $0x1E30, s3;
	[dreg:$0x8] =	wrdreg s14  }
0x11: {  	s6 =	sshrl.u32 s16, $0x2;
	s17 =	sadd.s32 $0x11830, s3;
	[dreg:$0x9] =	wrdreg s15  }
0x12: {  	s0 =	sadd.s32 s5, s0;
	s18 =	sadd.s32 $0x1E40, s3;
	[dreg:$0xa] =	wrdreg s17  }
0x13: {  	s5 =	simm.s32 $0x7E;
	s20 =	sadd.s32 $0x11840, s3;
	[dreg:$0xb] =	wrdreg s18  }
0x14: {  	s0 =	sadd.s32 $0x48400, s0;
	[dreg:$0xc] =	wrdreg s20;
	s18 =	sadd.s32 s6, s2  }
0x15: {  	s1 =	simm.s32 $0x1;
	[dreg:$0xd] =	wrdreg s0;
	s22 =	sadd.s32 $0x2800, s18  }
0x16: {  	s5 =	simm.s32 @!p0 $0x7C;
	s23 =	sadd.s32 $0x5000, s18;
	[dreg:$0xf] =	wrdreg s22  }
0x17: {  	s19 =	sadd.s32 $0xFFFFFFFF, s5;
	s24 =	sadd.s32 $0x7800, s18;
	[dreg:$0x10] =	wrdreg s23  }
0x18: {  	s6 =	simm.s32 $0x2;
	s25 =	sadd.s32 $0xA000, s18;
	[dreg:$0x11] =	wrdreg s24  }
0x19: {  	s7 =	sand.u32 $0x3, s19;
	s26 =	sadd.s32 $0xC800, s18;
	[dreg:$0x12] =	wrdreg s25  }
0x1a: {  	s28 =	sadd.s32 $0xF000, s18;
	s31 =	sadd.s32 $0x11800, s18;
	[dreg:$0x13] =	wrdreg s26  }
0x1b: {  	s16 =	sadd.s32 $0xB, s7;
	s25 =	sadd.s32 $0x11850, s3;
	[dreg:$0x14] =	wrdreg s28  }
0x1c: {  	v0 =	vimm.f32 $0.0e+00;
	[dreg:$0x15] =	wrdreg s31;
	s3 =	simm.s32 $0x50;
	s7 =	simm.s32 $0xF  }
.LBB2_1:
0x1d: {  	s0 =	simm.s32 $0x0  }
0x1e: {  	s9 =	sand.u32 $0xFE00, s0  }
0x1f: {  	s10 =	sand.u32 $0x70, s0;
	s11 =	sshrl.u32 s9, $0x2  }
0x20: {  	s9 =	simm.s32 $0x40;
	s11 =	sor.u32 s10, s11;
	s10 =	simm.s32 $0x0  }
.LBB2_2:
0x21: {  	p0 =	sne.s32 s9, $0x9FC0  }
0x22: {  	[tilespmem:s11+$0x600] =	vst v0;
	s10 =	sadd.s32 $0x10, s10;
	s11 =	smov.u32 s9;
	s9 =	sadd.s32 $0x40, s9  }
.Ltmp0:
0x23: {  	(pc) =	sbr.rel @p0 .LBB2_2-.Ltmp0, $4  }
0x24: {  	_ = 	snop  }
0x25: {  	s11 =	sand.u32 $0xFE00, s11  }
0x26: {  	s12 =	sand.u32 $0x70, s10;
	s11 =	sshrl.u32 s11, $0x2  }
0x27: {  	s11 =	sor.u32 s12, s11  }
0x28: {  	[tilespmem:s11+$0x600] =	vst v0  }
0x29: {  	[spmem:s18] =	stream.linear.scatter [tilespmem:s29], [sflag:$0x7], $0x2800, $0x38;
	[tilespmem:$0x1E600] =	vst v63  }
0x2a: {  	s0 =	rddreg [dreg:$0xf]  }
0x2b: {  	[spmem:s0] =	stream.linear.scatter [tilespmem:s29], [sflag:$0x7], $0x2800, $0x38;
	[tilespmem:$0x1E600] =	vst v63  }
0x2c: {  	s10 =	rddreg [dreg:$0x10]  }
0x2d: {  	[spmem:s10] =	stream.linear.scatter [tilespmem:s29], [sflag:$0x7], $0x2800, $0x38;
	[tilespmem:$0x1E600] =	vst v63  }
0x2e: {  	s11 =	rddreg [dreg:$0x11]  }
0x2f: {  	[spmem:s11] =	stream.linear.scatter [tilespmem:s29], [sflag:$0x7], $0x2800, $0x38;
	[tilespmem:$0x1E600] =	vst v63  }
0x30: {  	s12 =	rddreg [dreg:$0x12]  }
0x31: {  	[spmem:s12] =	stream.linear.scatter [tilespmem:s29], [sflag:$0x7], $0x2800, $0x38;
	[tilespmem:$0x1E600] =	vst v63  }
0x32: {  	s13 =	rddreg [dreg:$0x13]  }
0x33: {  	[spmem:s13] =	stream.linear.scatter [tilespmem:s29], [sflag:$0x7], $0x2800, $0x38;
	[tilespmem:$0x1E600] =	vst v63  }
0x34: {  	s14 =	rddreg [dreg:$0x14]  }
0x35: {  	[spmem:s14] =	stream.linear.scatter [tilespmem:s29], [sflag:$0x7], $0x2800, $0x38;
	[tilespmem:$0x1E600] =	vst v63  }
0x36: {  	s15 =	rddreg [dreg:$0x15]  }
0x37: {  	[spmem:s15] =	stream.linear.scatter [tilespmem:s29], [sflag:$0x7], $0x2800, $0x38;
	[tilespmem:$0x1E600] =	vst v63  }
0x38: {  	_ =	swait.ge [sflag:s30], $0x2800  }
0x39: {  	[sflag:s30] =	ssyncset.done $0x0  }
0x3a: {  	[sflag:s30] =	ssyncadd.s32 $0xFFFFD800  }
0x3b: {  	_ =	swait.ge [sflag:s30], $0x2800  }
0x3c: {  	[sflag:s30] =	ssyncset.done $0x0  }
0x3d: {  	[sflag:s30] =	ssyncadd.s32 $0xFFFFD800  }
0x3e: {  	_ =	swait.ge [sflag:s30], $0x2800  }
0x3f: {  	[sflag:s30] =	ssyncset.done $0x0  }
0x40: {  	[sflag:s30] =	ssyncadd.s32 $0xFFFFD800  }
0x41: {  	_ =	swait.ge [sflag:s30], $0x2800  }
0x42: {  	[sflag:s30] =	ssyncset.done $0x0  }
0x43: {  	[sflag:s30] =	ssyncadd.s32 $0xFFFFD800  }
0x44: {  	_ =	swait.ge [sflag:s30], $0x2800  }
0x45: {  	[sflag:s30] =	ssyncset.done $0x0  }
0x46: {  	[sflag:s30] =	ssyncadd.s32 $0xFFFFD800  }
0x47: {  	_ =	swait.ge [sflag:s30], $0x2800  }
0x48: {  	[sflag:s30] =	ssyncset.done $0x0  }
0x49: {  	[sflag:s30] =	ssyncadd.s32 $0xFFFFD800  }
0x4a: {  	_ =	swait.ge [sflag:s30], $0x2800  }
0x4b: {  	[sflag:s30] =	ssyncset.done $0x0  }
0x4c: {  	[sflag:s30] =	ssyncadd.s32 $0xFFFFD800  }
0x4d: {  	_ =	swait.ge [sflag:s30], $0x2800  }
0x4e: {  	[sflag:s30] =	ssyncset.done $0x0  }
0x4f: {  	[sflag:s30] =	ssyncadd.s32 $0xFFFFD800  }
0x50: {  	[bflag:$0x0] =	sbarrier.arrive $0xFFFF  }
0x51: {  	s9 =	simm.s32 $0x0;
	s17 =	rddreg [dreg:$0x3]  }
0x52: {  	[tilespmem:s9], [sflag:$0x1] =	stream.linear.gather [hbm4b:s17+s9], $0x80, $0x38;
	[tilespmem:$0x1E600] =	vst v63  }
0x53: {  	s10 =	simm.s32 $0x80;
	s19 =	rddreg [dreg:$0x4]  }
0x54: {  	[tilespmem:s10], [sflag:$0x1] =	stream.linear.gather [hbm4b:s19+s9], $0x80, $0x38;
	[tilespmem:$0x1E600] =	vst v63  }
0x55: {  	s20 =	rddreg [dreg:$0x5];
	s10 =	simm.s32 $0x100  }
0x56: {  	[tilespmem:s10], [sflag:$0x2] =	stream.linear.gather [hbm4b:s20+s9], $0x80, $0x38;
	[tilespmem:$0x1E600] =	vst v63  }
0x57: {  	s22 =	simm.s32 $0x180;
	s21 =	rddreg [dreg:$0x6]  }
0x58: {  	[tilespmem:s22], [sflag:$0x2] =	stream.linear.gather [hbm4b:s21+s9], $0x80, $0x38;
	[tilespmem:$0x1E600] =	vst v63  }
0x59: {  	s24 =	simm.s32 $0x200;
	s23 =	rddreg [dreg:$0x7]  }
0x5a: {  	[tilespmem:s24], [sflag:$0x3] =	stream.linear.gather [hbm4b:s23+s9], $0x80, $0x38;
	[tilespmem:$0x1E600] =	vst v63  }
0x5b: {  	s12 =	simm.s32 $0x280;
	s26 =	rddreg [dreg:$0x8]  }
0x5c: {  	[tilespmem:s12], [sflag:$0x3] =	stream.linear.gather [hbm4b:s26+s9], $0x80, $0x38;
	[tilespmem:$0x1E600] =	vst v63  }
0x5d: {  	s31 =	simm.s32 $0x300;
	s28 =	rddreg [dreg:$0x9]  }
0x5e: {  	[tilespmem:s31], [sflag:$0x4] =	stream.linear.gather [hbm4b:s28+s9], $0x80, $0x38;
	[tilespmem:$0x1E600] =	vst v63  }
0x5f: {  	s14 =	simm.s32 $0x380;
	s13 =	rddreg [dreg:$0xa]  }
0x60: {  	[tilespmem:s14], [sflag:$0x4] =	stream.linear.gather [hbm4b:s13+s9], $0x80, $0x38;
	[tilespmem:$0x1E600] =	vst v63  }
0x61: {  	s15 =	rddreg [dreg:$0xb];
	s17 =	simm.s32 $0x400  }
0x62: {  	[tilespmem:s17], [sflag:$0x5] =	stream.linear.gather [hbm4b:s15+s9], $0x80, $0x38;
	[tilespmem:$0x1E600] =	vst v63  }
0x63: {  	s19 =	rddreg [dreg:$0xc];
	s20 =	simm.s32 $0x480  }
0x64: {  	[tilespmem:s20], [sflag:$0x5] =	stream.linear.gather [hbm4b:s19+s9], $0x80, $0x38;
	[tilespmem:$0x1E600] =	vst v63  }
0x65: {  	_ =	swait.ge [sflag:s1], $0x80  }
0x66: {  	[sflag:s1] =	ssyncset.done $0x0  }
0x67: {  	[sflag:s1] =	ssyncadd.s32 $0xFFFFFF80  }
0x68: {  	_ =	swait.ge [sflag:s1], $0x80  }
0x69: {  	[sflag:s1] =	ssyncset.done $0x0  }
0x6a: {  	[sflag:s1] =	ssyncadd.s32 $0xFFFFFF80  }
0x6b: {  	[tilespmem:s29], [sflag:$0x7] =	stream.indirect.gather [hbm4b:s4+s3], $0x80, s9, s3, $0xb8;
	[tilespmem:$0x1E600] =	vst v63  }
0x6c: {  	_ =	swait.ge [sflag:s6], $0x80  }
0x6d: {  	[sflag:s6] =	ssyncset.done $0x0  }
0x6e: {  	[sflag:s6] =	ssyncadd.s32 $0xFFFFFF80  }
0x6f: {  	p2 =	por $0x1, $0x1;
	_ =	swait.ge [sflag:s6], $0x80  }
0x70: {  	p0 =	sne.s32 s5, $0x1;
	p1 =	sle.u32 s5, $0x5;
	[sflag:s6] =	ssyncset.done $0x0  }
0x71: {  	s21 =	simm.s32 $0x2E00;
	s19 =	simm.s32 $0x3;
	[sflag:s6] =	ssyncadd.s32 $0xFFFFFF80  }
0x72: {  	[tilespmem:s21], [sflag:$0x8] =	stream.indirect.gather [hbm4b:s4+s3], $0x80, s10, s3, $0xb8;
	[tilespmem:$0x1E600] =	vst v63  }
0x73: {  	s22 =	simm.s32 $0x5;
	s31 =	smulhi.u32 $0xAAAAAAAB, s9;
	_ =	swait.ge [sflag:s19], $0x80  }
0x74: {  	s23 =	simm.s32 $0x5600;
	s10 =	smulhi.u32 $0xAAAAAAAB, s22;
	[sflag:s19] =	ssyncset.done $0x0  }
0x75: {  	s12 =	simm.s32 $0x6;
	s0 =	sshrl.u32 s31, $0x2;
	[sflag:s19] =	ssyncadd.s32 $0xFFFFFF80  }
0x76: {  	s15 =	sadd.s32 @!p1 $0xFFFF0600, s25;
	s26 =	sshrl.u32 s10, $0x2;
	_ =	swait.ge [sflag:s19], $0x80  }
0x77: {  	s14 =	sand.u32 @!p2 $0x3, s19;
	s13 =	smul.u32 $0xFFFFE800, s26;
	[sflag:s19] =	ssyncset.done $0x0  }
0x78: {  	s14 =	sadd.s32 @!p2 $0xB, s14;
	s11 =	smul.u32 $0xFFFFFFE8, s26;
	[sflag:s19] =	ssyncadd.s32 $0xFFFFFF80  }
0x79: {  	[tilespmem:s23], [sflag:$0x9] =	stream.indirect.gather [hbm4b:s4+s3], $0x80, s24, s3, $0xb8;
	[tilespmem:$0x1E600] =	vst v63  }
0x7a: {  	s13 =	sshra.s32 s13, $0x2;
	s11 =	sshra.s32 s11, $0x2;
	s24 =	smulhi.u32 $0xAAAAAAAB, s19  }
0x7b: {  	s10 =	simm.s32 $0x1;
	s17 =	sadd.s32 $0x6, s11;
	s13 =	sadd.s32 @!p1 $0x0, s13  }
0x7c: {  	s11 =	sadd.s32 @!p1 $0x500, s13;
	_ =	swait.ge @!p2 [sflag:s14], $0x2800;
	s20 =	sshrl.u32 s24, $0x2  }
0x7d: {  	s13 =	sadd.s32 @!p1 $0x580, s13;
	[sflag:s14] =	ssyncset.done @!p2 $0x0;
	s21 =	smul.u32 $0xFFFFFFE8, s20  }
0x7e: {  	[sflag:s14] =	ssyncadd.s32 @!p2 $0xFFFFD800;
	s14 =	simm.s32 @!p1 $0x0;
	s23 =	smul.u32 $0xFFFFE800, s20  }
0x7f: {  	[tilespmem:s11], [sflag:s17] =	stream.linear.gather @!p1 [hbm4b:s15+s14], $0x80, $0x38;
	[tilespmem:$0x1E600] =	vst v63  }
0x80: {  	s20 =	simm.s32 $0x0;
	s11 =	sadd.s32 $0x10, s25;
	s15 =	simm.s32 $0x400  }
0x81: {  	[tilespmem:s13], [sflag:s17] =	stream.linear.gather @!p1 [hbm4b:s25+s14], $0x80, $0x38;
	[tilespmem:$0x1E600] =	vst v63  }
0x82: {  	s21 =	sshra.s32 s21, $0x2;
	s28 =	sshra.s32 s23, $0x2;
	s13 =	simm.s32 $0x7  }
0x83: {  	s14 =	simm.s32 $0x5;
	p1 =	sle.u32 s5, $0x3;
	s22 =	sadd.s32 $0x4, s21  }
.Ltmp1:
0x84: {  	s19 =	sand.u32 @!p1 $0x3, s19;
	_ =	swait.ge @!p1 [sflag:s22], $0x80;
	(pc) =	sbr.rel @!p0 .LBB2_5-.Ltmp1, $4  }
0x85: {  	s24 =	sadd.s32 $0x300, s28;
	s23 =	smul.u32 @!p1 $0xA000, s19;
	[sflag:s22] =	ssyncset.done @!p1 $0x0  }
0x86: {  	s17 =	simm.s32 $0x4;
	s24 =	sadd.s32 @!p1 $0x0, s24;
	[sflag:s22] =	ssyncadd.s32 @!p1 $0xFFFFFF80  }
0x87: {  	s21 =	sadd.s32 @!p1 $0x7, s19;
	s19 =	sshrl.u32 @!p1 s23, $0x2;
	_ =	swait.ge @!p1 [sflag:s22], $0x80  }
0x88: {  	s23 =	sor.u32 @!p1 $0x600, s19;
	s19 =	smul.u32 $0xFFFFE800, s0;
	[sflag:s22] =	ssyncset.done @!p1 $0x0  }
.LBB2_4:
0x89: {  	s0 =	sand.u32 $0x3, s20  }
0x8a: {  	[sflag:s22] =	ssyncadd.s32 @!p1 $0xFFFFFF80;
	s20 =	simm.s32 @!p1 $0x50;
	s9 =	sshra.s32 s9, $0x2  }
0x8b: {  	s22 =	smul.u32 $0xA000, s0;
	s26 =	sadd.s32 $0x7, s0;
	s0 =	sadd.s32 $0xB, s0  }
0x8c: {  	s28 =	sshra.s32 s19, $0x2;
	s19 =	smov.u32 s10;
	s10 =	sadd.s32 $0x1, s10  }
0x8d: {  	p0 =	sne.s32 s10, s5;
	s28 =	sor.u32 $0x80, s28;
	s22 =	sshrl.u32 s22, $0x2  }
0x8e: {  	[tilespmem:s23], [sflag:s21] =	stream.indirect.gather @!p1 [hbm4b:s4+s20], $0x80, s24, s20, $0xb8;
	[tilespmem:$0x1E600] =	vst v63  }
0x8f: {  	p2 =	seq.s32 s15, $0x0;
	s20 =	smov.u32 s11;
	_ =	swait.ge [sflag:s26], $0x2800  }
0x90: {  	s9 =	sadd.s32 s9, s28;
	s21 =	sor.u32 $0x600, s22;
	[sflag:s26] =	ssyncset.done $0x0  }
0x91: {  	s22 =	smulhi.u32 $0xAAAAAAAB, s12;
	s23 =	smov.u32 s14;
	[sflag:s26] =	ssyncadd.s32 $0xFFFFD800  }
0x92: {  	[spmem:s2] =	stream.indirect.scatter.add.f32 [tilespmem:s21], [sflag:s0], $0x80, s9, s3, $0xb8;
	[tilespmem:$0x1E600] =	vst v63  }
0x93: {  	s11 =	sadd.s32 $0x10, s11;
	s9 =	smov.u32 s15;
	s0 =	smov.u32 s17  }
0x94: {  	s28 =	sadd.s32 $0x5, s19;
	s22 =	sshrl.u32 s22, $0x2;
	s21 =	smulhi.u32 $0xAAAAAAAB, s17  }
0x95: {  	p1 =	sge.u32 s28, s5;
	s24 =	smul.u32 $0xFFFFE800, s22;
	s26 =	sand.u32 @!p2 $0x3, s17  }
0x96: {  	s12 =	sadd.s32 $0x1, s12;
	s22 =	smul.u32 $0xFFFFFFE8, s22;
	s26 =	sadd.s32 @!p2 $0xB, s26  }
0x97: {  	s28 =	sadd.s32 @!p1 $0xFFFF0600, s20;
	s24 =	sshra.s32 s24, $0x2;
	_ =	swait.ge @!p2 [sflag:s26], $0x2800  }
0x98: {  	s31 =	sshra.s32 @!p1 s15, $0x2;
	s22 =	sshra.s32 s22, $0x2;
	[sflag:s26] =	ssyncset.done @!p2 $0x0  }
0x99: {  	s22 =	sadd.s32 s22, s13;
	s24 =	sadd.s32 @!p1 s31, s24;
	[sflag:s26] =	ssyncadd.s32 @!p2 $0xFFFFD800  }
0x9a: {  	s31 =	simm.s32 @!p1 $0x0;
	s26 =	sadd.s32 @!p1 $0x500, s24;
	s24 =	sadd.s32 @!p1 $0x580, s24  }
0x9b: {  	[tilespmem:s26], [sflag:s22] =	stream.linear.gather @!p1 [hbm4b:s28+s31], $0x80, $0x38;
	[tilespmem:$0x1E600] =	vst v63  }
0x9c: {  	s14 =	sadd.s32 $0x1, s14;
	s21 =	sshrl.u32 s21, $0x2;
	s13 =	sadd.s32 $0x1, s13  }
0x9d: {  	[tilespmem:s24], [sflag:s22] =	stream.linear.gather @!p1 [hbm4b:s20+s31], $0x80, $0x38;
	[tilespmem:$0x1E600] =	vst v63  }
0x9e: {  	s15 =	sadd.s32 $0x400, s15;
	s20 =	smul.u32 $0xFFFFFFE8, s21;
	s22 =	sadd.s32 $0x3, s19  }
0x9f: {  	s17 =	sadd.s32 $0x1, s17;
	s21 =	smul.u32 $0xFFFFE800, s21;
	p1 =	sge.u32 s22, s5  }
0xa0: {  	s24 =	sshra.s32 s20, $0x2;
	s20 =	sadd.s32 $0xFFFFFFFD, s0;
	s0 =	sand.u32 @!p1 $0x3, s0  }
0xa1: {  	s21 =	sshra.s32 s21, $0x2;
	s22 =	sadd.s32 s24, s23;
	s23 =	smul.u32 @!p1 $0xA000, s0  }
.Ltmp2:
0xa2: {  	s24 =	sadd.s32 $0x300, s21;
	_ =	swait.ge @!p1 [sflag:s22], $0x80;
	(pc) =	sbr.rel @p0 .LBB2_4-.Ltmp2, $4  }
0xa3: {  	s19 =	smulhi.u32 $0xAAAAAAAB, s19;
	s21 =	sadd.s32 @!p1 $0x7, s0;
	[sflag:s22] =	ssyncset.done @!p1 $0x0  }
0xa4: {  	s0 =	sshra.s32 @!p1 s9, $0x2;
	s23 =	sshrl.u32 @!p1 s23, $0x2;
	[sflag:s22] =	ssyncadd.s32 @!p1 $0xFFFFFF80  }
0xa5: {  	s19 =	sshrl.u32 s19, $0x2;
	s23 =	sor.u32 @!p1 $0x600, s23;
	_ =	swait.ge @!p1 [sflag:s22], $0x80  }
0xa6: {  	s19 =	smul.u32 $0xFFFFE800, s19;
	s24 =	sadd.s32 @!p1 s0, s24;
	[sflag:s22] =	ssyncset.done @!p1 $0x0  }
.LBB2_5:
0xa7: {  	s0 =	sand.u32 $0x3, s20;
	[sflag:s22] =	ssyncadd.s32 @!p1 $0xFFFFFF80;
	s10 =	simm.s32 @!p1 $0x50  }
0xa8: {  	s9 =	sshra.s32 s9, $0x2;
	s11 =	smul.u32 $0xA000, s0;
	s12 =	sadd.s32 $0x7, s0  }
0xa9: {  	[tilespmem:s23], [sflag:s21] =	stream.indirect.gather @!p1 [hbm4b:s4+s10], $0x80, s24, s10, $0xb8;
	[tilespmem:$0x1E600] =	vst v63  }
0xaa: {  	s13 =	sshra.s32 s19, $0x2;
	s0 =	sadd.s32 $0xB, s0;
	_ =	swait.ge [sflag:s12], $0x2800  }
0xab: {  	s23 =	sor.u32 $0x80, s13;
	s11 =	sshrl.u32 s11, $0x2;
	[sflag:s12] =	ssyncset.done $0x0  }
0xac: {  	s9 =	sadd.s32 s9, s23;
	s11 =	sor.u32 $0x600, s11;
	[sflag:s12] =	ssyncadd.s32 $0xFFFFD800  }
0xad: {  	[spmem:s2] =	stream.indirect.scatter.add.f32 [tilespmem:s11], [sflag:s0], $0x80, s9, s3, $0xb8;
	[tilespmem:$0x1E600] =	vst v63  }
0xae: {  	_ =	swait.ge [sflag:s16], $0x2800  }
0xaf: {  	[sflag:s16] =	ssyncset.done $0x0  }
0xb0: {  	s24 =	stileid.u32;
	[sflag:s16] =	ssyncadd.s32 $0xFFFFD800  }
0xb1: {  	s0 =	sshll.u32 s24, $0x6;
	[bflag:$0x0] =	sbarrier.arrive $0xFFFF  }
0xb2: {  	s26 =	sshrl.u32 s18, $0x3;
	s0 =	sor.u32 $0x1C0F, s0;
	s28 =	rddreg [dreg:$0xd]  }
0xb3: {  	[hbm:s28], [sflag:s0] =	dma.local [spmem:s26], $0x2800  }
0xb4: {  	_ =	swait.ge [sflag:s7], $0x2800  }
0xb5: {  	s8 =	sadd.s32 $0x1, s8;
	s31 =	rddreg [dreg:$0xe]  }
0xb6: {  	p0 =	sne.s32 s8, s31  }
.Ltmp3:
0xb7: {  	_ = 	snop;
	(pc) =	sbr.rel @p0 .LBB2_1-.Ltmp3, $3  }
0xb8: {  	_ =	sdelay $0x1  }
0xb9: {  	[sflag:s7] =	ssyncset.done $0x0  }
0xba: {  	[sflag:s7] =	ssyncadd.s32 $0xFFFFD800  }
0xbb: {  	_ =	sfence.sel $0x180000  }
0xbc: {  	[bflag:$0x0] =	sbarrier.arrive $0xFFFF  }
0xbd: {  	_ =	strace $0x9000004A  }
0xbe: {  	s0 =	stileid.u32;
	[bflag:$0x2] =	sbarrier.arrive $0xFFFF  }
0xbf: {  	p0 =	sne.s32 s0, $0x0;
	s0 =	rddreg [dreg:$0x2]  }
0xc0: {  	s0 =	sadd.s32 @!p0 $0x100000, s0  }
0xc1: {  	[sflag:s0] =	ssyncadd.tile.s32 @!p0 $0x1;
	_ =	shalt  }
.Lfunc_end2:
_tile_overlayer_lowered:
.L_overlay_start_2:
0xc2: {  	(tag) =	ssettag $0x2  }
0xc3: {  	s0 =	rddreg [dreg:$0x0];
	s2 =	stileid.u32  }
0xc4: {  	s1 =	rddreg [dreg:$0x1];
	p0 =	sne.s32 s2, $0x0  }
0xc5: {  	s3 =	rddreg [dreg:$0x2];
	[bflag:$0x3] =	sbarrier.arrive $0xFFFF;
	s2 =	simm.s32 @!p0 $0x1C0F  }
0xc6: {  	[timem:s3], [sflag:s2] =	dma.local @!p0 [hbm:s0], s1  }
0xc7: {  	s0 =	simm.s32 @!p0 $0xF  }
0xc8: {  	_ =	swait.ge @!p0 [sflag:s0], s1  }
0xc9: {  	s1 =	ssub.s32 @!p0 $0x0, s1;
	[sflag:s0] =	ssyncset.done @!p0 $0x0  }
0xca: {  	[sflag:s0] =	ssyncadd.s32 @!p0 s1  }
0xcb: {  	[bflag:$0x3] =	sbarrier.arrive $0xFFFF  }
0xcc: {  	_ =	shalt  }

</sc_bundles>
